<compile_context>
chip_gen: v7x
topology: tpu7x:2x2x1
jax: 0.10.2.dev20260603
libtpu: 0.0.44.dev20260713+nightly
codegen_flags: <defaults>
</compile_context>

<pallas_src>
import functools

import jax
import jax.numpy as jnp
from jax import lax
from jax.experimental import pallas as pl
from jax.experimental.pallas import tpu as pltpu
from jax.experimental.pallas import tpu_sc as plsc

N = 10000
D = 128
NUM_GRAPHS = 64
NUM_ELEMENTS = 100
SEGS = NUM_GRAPHS * NUM_ELEMENTS
HALF = SEGS // 2
GHALF = NUM_GRAPHS // 2
DUMMY = HALF
CH = 80
NCH = N // CH
NTILES = 16
CPT = (NCH + NTILES - 1) // NTILES
RING = 8
ZROWS = 40
ACC_PER_TILE = HALF // NTILES


def _pool_kernel(out_hbm, z_hbm, b_hbm, o_hbm,
                 zerobuf, zc, bc, idx2, feat, acc, sem_zb, sem_z0, sem_f,
                 sem_sc):
    cid = lax.axis_index("c")
    sid = lax.axis_index("s")
    g_lo = cid * GHALF

    for j in range(CPT):
        c = j * NTILES + sid

        @pl.when(c < NCH)
        def _(j=j, c=c):
            pltpu.async_copy(z_hbm.at[pl.ds(c * CH, CH)],
                             zc.at[pl.ds(j * CH, CH)], sem_zb)
            pltpu.async_copy(b_hbm.at[pl.ds(c * CH, CH)],
                             bc.at[pl.ds(j * CH, CH)], sem_zb)

    def zero_body(k, _):
        for q in range(D // 16):
            zerobuf[k, pl.ds(q * 16, 16)] = jnp.zeros((16,), jnp.float32)
        return 0

    lax.fori_loop(0, ZROWS, zero_body, 0)
    for i in range(ACC_PER_TILE // ZROWS):
        pltpu.async_copy(
            zerobuf, acc.at[pl.ds(sid * ACC_PER_TILE + i * ZROWS, ZROWS), :],
            sem_z0)

    owned = []
    for j in range(CPT):
        c = j * NTILES + sid
        in_range = c < NCH

        @pl.when(in_range)
        def _(j=j, c=c):
            pltpu.make_async_copy(z_hbm.at[pl.ds(c * CH, CH)],
                                  zc.at[pl.ds(j * CH, CH)], sem_zb).wait()
            pltpu.make_async_copy(b_hbm.at[pl.ds(c * CH, CH)],
                                  bc.at[pl.ds(j * CH, CH)], sem_zb).wait()

        b_first = bc[pl.ds(j * CH, 16)][0]
        b_last = bc[pl.ds(j * CH + CH - 16, 16)][15]
        own = jnp.logical_and(
            in_range,
            jnp.logical_and(b_last >= g_lo, b_first < g_lo + GHALF))
        owned.append(own)

        @pl.when(own)
        def _(j=j, c=c):
            pltpu.async_copy(out_hbm.at[pl.ds(c * CH, CH), :], feat.at[j],
                             sem_f.at[j])

            def idx_body(k, _):
                zv = zc[pl.ds(j * CH + k * 16, 16)]
                bv = bc[pl.ds(j * CH + k * 16, 16)]
                loc = (bv - g_lo) * NUM_ELEMENTS + zv - 1
                ok = (loc >= 0) & (loc < HALF)
                idx2[j, pl.ds(k * 16, 16)] = jnp.where(ok, loc, DUMMY)
                return 0

            lax.fori_loop(0, CH // 16, idx_body, 0)

    for i in range(ACC_PER_TILE // ZROWS):
        pltpu.make_async_copy(
            zerobuf, acc.at[pl.ds(sid * ACC_PER_TILE + i * ZROWS, ZROWS), :],
            sem_z0).wait()
    plsc.subcore_barrier()

    def scatter_desc(j, s):
        return pltpu.make_async_copy(feat.at[s], acc.at[idx2.at[j]],
                                     sem_sc.at[s])

    for j in range(CPT):
        c = j * NTILES + sid
        s = j % RING

        @pl.when(owned[j])
        def _(j=j, c=c, s=s):
            pltpu.make_async_copy(out_hbm.at[pl.ds(c * CH, CH), :], feat.at[s],
                                  sem_f.at[s]).wait()
            pltpu.async_copy(feat.at[s], acc.at[idx2.at[j]], sem_sc.at[s],
                             add=True)

        if j + RING < CPT:
            c2 = (j + RING) * NTILES + sid

            @pl.when(owned[j + RING])
            def _(j=j, c2=c2, s=s):
                @pl.when(owned[j])
                def _():
                    scatter_desc(j, s).wait()

                pltpu.async_copy(out_hbm.at[pl.ds(c2 * CH, CH), :], feat.at[s],
                                 sem_f.at[s])

    for j in range(CPT):
        s = j % RING
        if j + RING < CPT:
            not_refilled = jnp.logical_not(owned[j + RING])
            pred = jnp.logical_and(owned[j], not_refilled)
        else:
            pred = owned[j]

        @pl.when(pred)
        def _(j=j, s=s):
            scatter_desc(j, s).wait()

    plsc.subcore_barrier()

    pltpu.sync_copy(
        acc.at[pl.ds(sid * ACC_PER_TILE, ACC_PER_TILE), :],
        o_hbm.at[pl.ds(cid * HALF + sid * ACC_PER_TILE, ACC_PER_TILE), :])


@jax.jit
def _pool(out, z, batch):
    mesh = plsc.VectorSubcoreMesh(core_axis_name="c", subcore_axis_name="s",
                                  num_cores=2)
    f = functools.partial(
        pl.kernel,
        out_type=jax.ShapeDtypeStruct((SEGS, D), jnp.float32),
        mesh=mesh,
        scratch_types=[
            pltpu.VMEM((ZROWS, D), jnp.float32),
            pltpu.VMEM((CPT * CH,), jnp.int32),
            pltpu.VMEM((CPT * CH,), jnp.int32),
            pltpu.VMEM((CPT, CH), jnp.int32),
            pltpu.VMEM((RING, CH, D), jnp.float32),
            pltpu.VMEM_SHARED((HALF + 1, D), jnp.float32),
            pltpu.SemaphoreType.DMA,
            pltpu.SemaphoreType.DMA,
            pltpu.SemaphoreType.DMA((RING,)),
            pltpu.SemaphoreType.DMA((RING,)),
        ],
    )(_pool_kernel)
    return f(out, z, batch)


def kernel(out, z, batch):
    pooled = _pool(out, z.astype(jnp.int32), batch.astype(jnp.int32))
    return pooled.reshape(NUM_GRAPHS, NUM_ELEMENTS * D)

# --- scband reference (transcript-rebuilt; emitter-appended) ---
"""Pipeline reference for scband-atomic-number-pooling-12945031430717 (READ-ONLY COPY).

The authoritative reference and input builder live on the scoring server;
editing this copy changes nothing except your own understanding.
"""

import jax, jax.numpy as jnp
import numpy as np

N = 10000
D = 128
NUM_GRAPHS = 64
NUM_ELEMENTS = 100

def setup_inputs(seed: int = 0) -> dict:
    key = jax.random.key(seed)
    k1, k2, k3 = jax.random.split(key, 3)
    out = jax.random.normal(k1, (N, D), dtype=jnp.float32)
    # atomic numbers are 1..100 (module uses z-1 as the slot index)
    z = jax.random.randint(k2, (N,), 0, NUM_ELEMENTS, dtype=jnp.int64) + 1
    batch = jnp.sort(jax.random.randint(k3, (N,), 0, NUM_GRAPHS, dtype=jnp.int64))
    return {"out": out, "z": z, "batch": batch}

def reference(out, z, batch):
    n, d = out.shape
    # elem_pool = zeros([N, d*100]); scatter_(dim=1, index=indices, src=out)
    # indices[i, j] = j + (z[i]-1)*d
    cols = jnp.arange(d, dtype=jnp.int64)[None, :] + ((z - 1) * d)[:, None]  # [N, d]
    rows = jnp.arange(n, dtype=jnp.int64)[:, None]  # [N, 1], broadcasts to [N, d]
    elem_pool = jnp.zeros((n, d * NUM_ELEMENTS), dtype=out.dtype).at[rows, cols].set(out)
    # global_add_pool(elem_pool, batch) -> per-graph sum
    pooled = jax.ops.segment_sum(elem_pool, batch, num_segments=NUM_GRAPHS)
    return pooled

if __name__ == "__main__":
    import jax
    _d = setup_inputs()
    print(jax.jit(kernel)(*tuple(_d.values())))

</pallas_src>

<mosaic_0001>
#map = affine_map<(d0, d1) -> (0, 0)>
#map1 = affine_map<(d0, d1) -> (0)>
module attributes {stable_mosaic.version = 14 : i64} {
  func.func @_pool_kernel(%arg0: i32, %arg1: i32, %arg2: memref<10000x128xf32, #tpu.memory_space<hbm>>, %arg3: memref<10000xi32, #tpu.memory_space<hbm>>, %arg4: memref<10000xi32, #tpu.memory_space<hbm>>, %arg5: memref<6400x128xf32, #tpu.memory_space<hbm>>, %arg6: memref<40x128xf32, #tpu.memory_space<vmem>>, %arg7: memref<640xi32, #tpu.memory_space<vmem>>, %arg8: memref<640xi32, #tpu.memory_space<vmem>>, %arg9: memref<8x80xi32, #tpu.memory_space<vmem>>, %arg10: memref<8x80x128xf32, #tpu.memory_space<vmem>>, %arg11: memref<3201x128xf32, #tpu.memory_space<vmem_shared>>, %arg12: memref<!tpu.dma_semaphore, #tpu.memory_space<semaphore_mem>>, %arg13: memref<!tpu.dma_semaphore, #tpu.memory_space<semaphore_mem>>, %arg14: memref<8x!tpu.dma_semaphore, #tpu.memory_space<semaphore_mem>>, %arg15: memref<8x!tpu.dma_semaphore, #tpu.memory_space<semaphore_mem>>) attributes {dimension_semantics = [#tpu.dimension_semantics<core_parallel>, #tpu.dimension_semantics<subcore_parallel>], iteration_bounds = array<i64: 2, 16>, scalar_prefetch = 0 : i64, scratch_operands = 10 : i64, tpu.core_type = #tpu.core_type<sc_vector_subcore>, window_params = [{transform_indices = #map}, {transform_indices = #map1}, {transform_indices = #map1}, {transform_indices = #map}]} {
    %mul3A = arith.constant 32 : i32
    %mul3A_0 = arith.muli %arg0, %mul3A : i32
    %add3A = arith.constant 0 : i32
    %add3A_1 = arith.addi %add3A, %arg1 : i32
    %lt3A = arith.constant 125 : i32
    %lt3A_2 = arith.cmpi slt, %add3A_1, %lt3A : i32
    %convert_element_type3A = arith.extui %lt3A_2 : i1 to i32
    %cond3A = arith.constant 0 : i32
    %cond3A_3 = arith.cmpi ne, %convert_element_type3A, %cond3A : i32
    scf.if %cond3A_3 {
      %mul3A_412 = arith.constant 80 : i32
      %mul3A_413 = arith.muli %add3A_1, %mul3A_412 : i32
      %dma_start3A_414 = arith.constant 0 : i32
      %dma_start3A_415 = tpu.memref_slice %arg7[%dma_start3A_414] : memref<640xi32, #tpu.memory_space<vmem>> -> memref<80xi32, #tpu.memory_space<vmem>>
      %dma_start3A_416 = tpu.memref_slice %arg3[%mul3A_413] : memref<10000xi32, #tpu.memory_space<hbm>> -> memref<80xi32, #tpu.memory_space<hbm>>
      %dma_start3A_417 = arith.constant 0 : i32
      %dma_start3A_418 = tpu.memref_slice %arg7[%dma_start3A_417] : memref<640xi32, #tpu.memory_space<vmem>> -> memref<80xi32, #tpu.memory_space<vmem>>
      %dma_start3A_419 = tpu.memref_slice %arg3[%mul3A_413] : memref<10000xi32, #tpu.memory_space<hbm>> -> memref<80xi32, #tpu.memory_space<hbm>>
      tpu.enqueue_dma source(%dma_start3A_419 : memref<80xi32, #tpu.memory_space<hbm>>) target(%dma_start3A_418 : memref<80xi32, #tpu.memory_space<vmem>>) target_semaphore(%arg12 : memref<!tpu.dma_semaphore, #tpu.memory_space<semaphore_mem>>)
      %mul3A_420 = arith.constant 80 : i32
      %mul3A_421 = arith.muli %add3A_1, %mul3A_420 : i32
      %dma_start3A_422 = arith.constant 0 : i32
      %dma_start3A_423 = tpu.memref_slice %arg8[%dma_start3A_422] : memref<640xi32, #tpu.memory_space<vmem>> -> memref<80xi32, #tpu.memory_space<vmem>>
      %dma_start3A_424 = tpu.memref_slice %arg4[%mul3A_421] : memref<10000xi32, #tpu.memory_space<hbm>> -> memref<80xi32, #tpu.memory_space<hbm>>
      %dma_start3A_425 = arith.constant 0 : i32
      %dma_start3A_426 = tpu.memref_slice %arg8[%dma_start3A_425] : memref<640xi32, #tpu.memory_space<vmem>> -> memref<80xi32, #tpu.memory_space<vmem>>
      %dma_start3A_427 = tpu.memref_slice %arg4[%mul3A_421] : memref<10000xi32, #tpu.memory_space<hbm>> -> memref<80xi32, #tpu.memory_space<hbm>>
      tpu.enqueue_dma source(%dma_start3A_427 : memref<80xi32, #tpu.memory_space<hbm>>) target(%dma_start3A_426 : memref<80xi32, #tpu.memory_space<vmem>>) target_semaphore(%arg12 : memref<!tpu.dma_semaphore, #tpu.memory_space<semaphore_mem>>)
    } else {
    }
    %add3A_4 = arith.constant 16 : i32
    %add3A_5 = arith.addi %add3A_4, %arg1 : i32
    %lt3A_6 = arith.constant 125 : i32
    %lt3A_7 = arith.cmpi slt, %add3A_5, %lt3A_6 : i32
    %convert_element_type3A_8 = arith.extui %lt3A_7 : i1 to i32
    %cond3A_9 = arith.constant 0 : i32
    %cond3A_10 = arith.cmpi ne, %convert_element_type3A_8, %cond3A_9 : i32
    scf.if %cond3A_10 {
      %mul3A_412 = arith.constant 80 : i32
      %mul3A_413 = arith.muli %add3A_5, %mul3A_412 : i32
      %dma_start3A_414 = arith.constant 80 : i32
      %dma_start3A_415 = tpu.memref_slice %arg7[%dma_start3A_414] : memref<640xi32, #tpu.memory_space<vmem>> -> memref<80xi32, #tpu.memory_space<vmem>>
      %dma_start3A_416 = tpu.memref_slice %arg3[%mul3A_413] : memref<10000xi32, #tpu.memory_space<hbm>> -> memref<80xi32, #tpu.memory_space<hbm>>
      %dma_start3A_417 = arith.constant 80 : i32
      %dma_start3A_418 = tpu.memref_slice %arg7[%dma_start3A_417] : memref<640xi32, #tpu.memory_space<vmem>> -> memref<80xi32, #tpu.memory_space<vmem>>
      %dma_start3A_419 = tpu.memref_slice %arg3[%mul3A_413] : memref<10000xi32, #tpu.memory_space<hbm>> -> memref<80xi32, #tpu.memory_space<hbm>>
      tpu.enqueue_dma source(%dma_start3A_419 : memref<80xi32, #tpu.memory_space<hbm>>) target(%dma_start3A_418 : memref<80xi32, #tpu.memory_space<vmem>>) target_semaphore(%arg12 : memref<!tpu.dma_semaphore, #tpu.memory_space<semaphore_mem>>)
      %mul3A_420 = arith.constant 80 : i32
      %mul3A_421 = arith.muli %add3A_5, %mul3A_420 : i32
      %dma_start3A_422 = arith.constant 80 : i32
      %dma_start3A_423 = tpu.memref_slice %arg8[%dma_start3A_422] : memref<640xi32, #tpu.memory_space<vmem>> -> memref<80xi32, #tpu.memory_space<vmem>>
      %dma_start3A_424 = tpu.memref_slice %arg4[%mul3A_421] : memref<10000xi32, #tpu.memory_space<hbm>> -> memref<80xi32, #tpu.memory_space<hbm>>
      %dma_start3A_425 = arith.constant 80 : i32
      %dma_start3A_426 = tpu.memref_slice %arg8[%dma_start3A_425] : memref<640xi32, #tpu.memory_space<vmem>> -> memref<80xi32, #tpu.memory_space<vmem>>
      %dma_start3A_427 = tpu.memref_slice %arg4[%mul3A_421] : memref<10000xi32, #tpu.memory_space<hbm>> -> memref<80xi32, #tpu.memory_space<hbm>>
      tpu.enqueue_dma source(%dma_start3A_427 : memref<80xi32, #tpu.memory_space<hbm>>) target(%dma_start3A_426 : memref<80xi32, #tpu.memory_space<vmem>>) target_semaphore(%arg12 : memref<!tpu.dma_semaphore, #tpu.memory_space<semaphore_mem>>)
    } else {
    }
    %add3A_11 = arith.constant 32 : i32
    %add3A_12 = arith.addi %add3A_11, %arg1 : i32
    %lt3A_13 = arith.constant 125 : i32
    %lt3A_14 = arith.cmpi slt, %add3A_12, %lt3A_13 : i32
    %convert_element_type3A_15 = arith.extui %lt3A_14 : i1 to i32
    %cond3A_16 = arith.constant 0 : i32
    %cond3A_17 = arith.cmpi ne, %convert_element_type3A_15, %cond3A_16 : i32
    scf.if %cond3A_17 {
      %mul3A_412 = arith.constant 80 : i32
      %mul3A_413 = arith.muli %add3A_12, %mul3A_412 : i32
      %dma_start3A_414 = arith.constant 160 : i32
      %dma_start3A_415 = tpu.memref_slice %arg7[%dma_start3A_414] : memref<640xi32, #tpu.memory_space<vmem>> -> memref<80xi32, #tpu.memory_space<vmem>>
      %dma_start3A_416 = tpu.memref_slice %arg3[%mul3A_413] : memref<10000xi32, #tpu.memory_space<hbm>> -> memref<80xi32, #tpu.memory_space<hbm>>
      %dma_start3A_417 = arith.constant 160 : i32
      %dma_start3A_418 = tpu.memref_slice %arg7[%dma_start3A_417] : memref<640xi32, #tpu.memory_space<vmem>> -> memref<80xi32, #tpu.memory_space<vmem>>
      %dma_start3A_419 = tpu.memref_slice %arg3[%mul3A_413] : memref<10000xi32, #tpu.memory_space<hbm>> -> memref<80xi32, #tpu.memory_space<hbm>>
      tpu.enqueue_dma source(%dma_start3A_419 : memref<80xi32, #tpu.memory_space<hbm>>) target(%dma_start3A_418 : memref<80xi32, #tpu.memory_space<vmem>>) target_semaphore(%arg12 : memref<!tpu.dma_semaphore, #tpu.memory_space<semaphore_mem>>)
      %mul3A_420 = arith.constant 80 : i32
      %mul3A_421 = arith.muli %add3A_12, %mul3A_420 : i32
      %dma_start3A_422 = arith.constant 160 : i32
      %dma_start3A_423 = tpu.memref_slice %arg8[%dma_start3A_422] : memref<640xi32, #tpu.memory_space<vmem>> -> memref<80xi32, #tpu.memory_space<vmem>>
      %dma_start3A_424 = tpu.memref_slice %arg4[%mul3A_421] : memref<10000xi32, #tpu.memory_space<hbm>> -> memref<80xi32, #tpu.memory_space<hbm>>
      %dma_start3A_425 = arith.constant 160 : i32
      %dma_start3A_426 = tpu.memref_slice %arg8[%dma_start3A_425] : memref<640xi32, #tpu.memory_space<vmem>> -> memref<80xi32, #tpu.memory_space<vmem>>
      %dma_start3A_427 = tpu.memref_slice %arg4[%mul3A_421] : memref<10000xi32, #tpu.memory_space<hbm>> -> memref<80xi32, #tpu.memory_space<hbm>>
      tpu.enqueue_dma source(%dma_start3A_427 : memref<80xi32, #tpu.memory_space<hbm>>) target(%dma_start3A_426 : memref<80xi32, #tpu.memory_space<vmem>>) target_semaphore(%arg12 : memref<!tpu.dma_semaphore, #tpu.memory_space<semaphore_mem>>)
    } else {
    }
    %add3A_18 = arith.constant 48 : i32
    %add3A_19 = arith.addi %add3A_18, %arg1 : i32
    %lt3A_20 = arith.constant 125 : i32
    %lt3A_21 = arith.cmpi slt, %add3A_19, %lt3A_20 : i32
    %convert_element_type3A_22 = arith.extui %lt3A_21 : i1 to i32
    %cond3A_23 = arith.constant 0 : i32
    %cond3A_24 = arith.cmpi ne, %convert_element_type3A_22, %cond3A_23 : i32
    scf.if %cond3A_24 {
      %mul3A_412 = arith.constant 80 : i32
      %mul3A_413 = arith.muli %add3A_19, %mul3A_412 : i32
      %dma_start3A_414 = arith.constant 240 : i32
      %dma_start3A_415 = tpu.memref_slice %arg7[%dma_start3A_414] : memref<640xi32, #tpu.memory_space<vmem>> -> memref<80xi32, #tpu.memory_space<vmem>>
      %dma_start3A_416 = tpu.memref_slice %arg3[%mul3A_413] : memref<10000xi32, #tpu.memory_space<hbm>> -> memref<80xi32, #tpu.memory_space<hbm>>
      %dma_start3A_417 = arith.constant 240 : i32
      %dma_start3A_418 = tpu.memref_slice %arg7[%dma_start3A_417] : memref<640xi32, #tpu.memory_space<vmem>> -> memref<80xi32, #tpu.memory_space<vmem>>
      %dma_start3A_419 = tpu.memref_slice %arg3[%mul3A_413] : memref<10000xi32, #tpu.memory_space<hbm>> -> memref<80xi32, #tpu.memory_space<hbm>>
      tpu.enqueue_dma source(%dma_start3A_419 : memref<80xi32, #tpu.memory_space<hbm>>) target(%dma_start3A_418 : memref<80xi32, #tpu.memory_space<vmem>>) target_semaphore(%arg12 : memref<!tpu.dma_semaphore, #tpu.memory_space<semaphore_mem>>)
      %mul3A_420 = arith.constant 80 : i32
      %mul3A_421 = arith.muli %add3A_19, %mul3A_420 : i32
      %dma_start3A_422 = arith.constant 240 : i32
      %dma_start3A_423 = tpu.memref_slice %arg8[%dma_start3A_422] : memref<640xi32, #tpu.memory_space<vmem>> -> memref<80xi32, #tpu.memory_space<vmem>>
      %dma_start3A_424 = tpu.memref_slice %arg4[%mul3A_421] : memref<10000xi32, #tpu.memory_space<hbm>> -> memref<80xi32, #tpu.memory_space<hbm>>
      %dma_start3A_425 = arith.constant 240 : i32
      %dma_start3A_426 = tpu.memref_slice %arg8[%dma_start3A_425] : memref<640xi32, #tpu.memory_space<vmem>> -> memref<80xi32, #tpu.memory_space<vmem>>
      %dma_start3A_427 = tpu.memref_slice %arg4[%mul3A_421] : memref<10000xi32, #tpu.memory_space<hbm>> -> memref<80xi32, #tpu.memory_space<hbm>>
      tpu.enqueue_dma source(%dma_start3A_427 : memref<80xi32, #tpu.memory_space<hbm>>) target(%dma_start3A_426 : memref<80xi32, #tpu.memory_space<vmem>>) target_semaphore(%arg12 : memref<!tpu.dma_semaphore, #tpu.memory_space<semaphore_mem>>)
    } else {
    }
    %add3A_25 = arith.constant 64 : i32
    %add3A_26 = arith.addi %add3A_25, %arg1 : i32
    %lt3A_27 = arith.constant 125 : i32
    %lt3A_28 = arith.cmpi slt, %add3A_26, %lt3A_27 : i32
    %convert_element_type3A_29 = arith.extui %lt3A_28 : i1 to i32
    %cond3A_30 = arith.constant 0 : i32
    %cond3A_31 = arith.cmpi ne, %convert_element_type3A_29, %cond3A_30 : i32
    scf.if %cond3A_31 {
      %mul3A_412 = arith.constant 80 : i32
      %mul3A_413 = arith.muli %add3A_26, %mul3A_412 : i32
      %dma_start3A_414 = arith.constant 320 : i32
      %dma_start3A_415 = tpu.memref_slice %arg7[%dma_start3A_414] : memref<640xi32, #tpu.memory_space<vmem>> -> memref<80xi32, #tpu.memory_space<vmem>>
      %dma_start3A_416 = tpu.memref_slice %arg3[%mul3A_413] : memref<10000xi32, #tpu.memory_space<hbm>> -> memref<80xi32, #tpu.memory_space<hbm>>
      %dma_start3A_417 = arith.constant 320 : i32
      %dma_start3A_418 = tpu.memref_slice %arg7[%dma_start3A_417] : memref<640xi32, #tpu.memory_space<vmem>> -> memref<80xi32, #tpu.memory_space<vmem>>
      %dma_start3A_419 = tpu.memref_slice %arg3[%mul3A_413] : memref<10000xi32, #tpu.memory_space<hbm>> -> memref<80xi32, #tpu.memory_space<hbm>>
      tpu.enqueue_dma source(%dma_start3A_419 : memref<80xi32, #tpu.memory_space<hbm>>) target(%dma_start3A_418 : memref<80xi32, #tpu.memory_space<vmem>>) target_semaphore(%arg12 : memref<!tpu.dma_semaphore, #tpu.memory_space<semaphore_mem>>)
      %mul3A_420 = arith.constant 80 : i32
      %mul3A_421 = arith.muli %add3A_26, %mul3A_420 : i32
      %dma_start3A_422 = arith.constant 320 : i32
      %dma_start3A_423 = tpu.memref_slice %arg8[%dma_start3A_422] : memref<640xi32, #tpu.memory_space<vmem>> -> memref<80xi32, #tpu.memory_space<vmem>>
      %dma_start3A_424 = tpu.memref_slice %arg4[%mul3A_421] : memref<10000xi32, #tpu.memory_space<hbm>> -> memref<80xi32, #tpu.memory_space<hbm>>
      %dma_start3A_425 = arith.constant 320 : i32
      %dma_start3A_426 = tpu.memref_slice %arg8[%dma_start3A_425] : memref<640xi32, #tpu.memory_space<vmem>> -> memref<80xi32, #tpu.memory_space<vmem>>
      %dma_start3A_427 = tpu.memref_slice %arg4[%mul3A_421] : memref<10000xi32, #tpu.memory_space<hbm>> -> memref<80xi32, #tpu.memory_space<hbm>>
      tpu.enqueue_dma source(%dma_start3A_427 : memref<80xi32, #tpu.memory_space<hbm>>) target(%dma_start3A_426 : memref<80xi32, #tpu.memory_space<vmem>>) target_semaphore(%arg12 : memref<!tpu.dma_semaphore, #tpu.memory_space<semaphore_mem>>)
    } else {
    }
    %add3A_32 = arith.constant 80 : i32
    %add3A_33 = arith.addi %add3A_32, %arg1 : i32
    %lt3A_34 = arith.constant 125 : i32
    %lt3A_35 = arith.cmpi slt, %add3A_33, %lt3A_34 : i32
    %convert_element_type3A_36 = arith.extui %lt3A_35 : i1 to i32
    %cond3A_37 = arith.constant 0 : i32
    %cond3A_38 = arith.cmpi ne, %convert_element_type3A_36, %cond3A_37 : i32
    scf.if %cond3A_38 {
      %mul3A_412 = arith.constant 80 : i32
      %mul3A_413 = arith.muli %add3A_33, %mul3A_412 : i32
      %dma_start3A_414 = arith.constant 400 : i32
      %dma_start3A_415 = tpu.memref_slice %arg7[%dma_start3A_414] : memref<640xi32, #tpu.memory_space<vmem>> -> memref<80xi32, #tpu.memory_space<vmem>>
      %dma_start3A_416 = tpu.memref_slice %arg3[%mul3A_413] : memref<10000xi32, #tpu.memory_space<hbm>> -> memref<80xi32, #tpu.memory_space<hbm>>
      %dma_start3A_417 = arith.constant 400 : i32
      %dma_start3A_418 = tpu.memref_slice %arg7[%dma_start3A_417] : memref<640xi32, #tpu.memory_space<vmem>> -> memref<80xi32, #tpu.memory_space<vmem>>
      %dma_start3A_419 = tpu.memref_slice %arg3[%mul3A_413] : memref<10000xi32, #tpu.memory_space<hbm>> -> memref<80xi32, #tpu.memory_space<hbm>>
      tpu.enqueue_dma source(%dma_start3A_419 : memref<80xi32, #tpu.memory_space<hbm>>) target(%dma_start3A_418 : memref<80xi32, #tpu.memory_space<vmem>>) target_semaphore(%arg12 : memref<!tpu.dma_semaphore, #tpu.memory_space<semaphore_mem>>)
      %mul3A_420 = arith.constant 80 : i32
      %mul3A_421 = arith.muli %add3A_33, %mul3A_420 : i32
      %dma_start3A_422 = arith.constant 400 : i32
      %dma_start3A_423 = tpu.memref_slice %arg8[%dma_start3A_422] : memref<640xi32, #tpu.memory_space<vmem>> -> memref<80xi32, #tpu.memory_space<vmem>>
      %dma_start3A_424 = tpu.memref_slice %arg4[%mul3A_421] : memref<10000xi32, #tpu.memory_space<hbm>> -> memref<80xi32, #tpu.memory_space<hbm>>
      %dma_start3A_425 = arith.constant 400 : i32
      %dma_start3A_426 = tpu.memref_slice %arg8[%dma_start3A_425] : memref<640xi32, #tpu.memory_space<vmem>> -> memref<80xi32, #tpu.memory_space<vmem>>
      %dma_start3A_427 = tpu.memref_slice %arg4[%mul3A_421] : memref<10000xi32, #tpu.memory_space<hbm>> -> memref<80xi32, #tpu.memory_space<hbm>>
      tpu.enqueue_dma source(%dma_start3A_427 : memref<80xi32, #tpu.memory_space<hbm>>) target(%dma_start3A_426 : memref<80xi32, #tpu.memory_space<vmem>>) target_semaphore(%arg12 : memref<!tpu.dma_semaphore, #tpu.memory_space<semaphore_mem>>)
    } else {
    }
    %add3A_39 = arith.constant 96 : i32
    %add3A_40 = arith.addi %add3A_39, %arg1 : i32
    %lt3A_41 = arith.constant 125 : i32
    %lt3A_42 = arith.cmpi slt, %add3A_40, %lt3A_41 : i32
    %convert_element_type3A_43 = arith.extui %lt3A_42 : i1 to i32
    %cond3A_44 = arith.constant 0 : i32
    %cond3A_45 = arith.cmpi ne, %convert_element_type3A_43, %cond3A_44 : i32
    scf.if %cond3A_45 {
      %mul3A_412 = arith.constant 80 : i32
      %mul3A_413 = arith.muli %add3A_40, %mul3A_412 : i32
      %dma_start3A_414 = arith.constant 480 : i32
      %dma_start3A_415 = tpu.memref_slice %arg7[%dma_start3A_414] : memref<640xi32, #tpu.memory_space<vmem>> -> memref<80xi32, #tpu.memory_space<vmem>>
      %dma_start3A_416 = tpu.memref_slice %arg3[%mul3A_413] : memref<10000xi32, #tpu.memory_space<hbm>> -> memref<80xi32, #tpu.memory_space<hbm>>
      %dma_start3A_417 = arith.constant 480 : i32
      %dma_start3A_418 = tpu.memref_slice %arg7[%dma_start3A_417] : memref<640xi32, #tpu.memory_space<vmem>> -> memref<80xi32, #tpu.memory_space<vmem>>
      %dma_start3A_419 = tpu.memref_slice %arg3[%mul3A_413] : memref<10000xi32, #tpu.memory_space<hbm>> -> memref<80xi32, #tpu.memory_space<hbm>>
      tpu.enqueue_dma source(%dma_start3A_419 : memref<80xi32, #tpu.memory_space<hbm>>) target(%dma_start3A_418 : memref<80xi32, #tpu.memory_space<vmem>>) target_semaphore(%arg12 : memref<!tpu.dma_semaphore, #tpu.memory_space<semaphore_mem>>)
      %mul3A_420 = arith.constant 80 : i32
      %mul3A_421 = arith.muli %add3A_40, %mul3A_420 : i32
      %dma_start3A_422 = arith.constant 480 : i32
      %dma_start3A_423 = tpu.memref_slice %arg8[%dma_start3A_422] : memref<640xi32, #tpu.memory_space<vmem>> -> memref<80xi32, #tpu.memory_space<vmem>>
      %dma_start3A_424 = tpu.memref_slice %arg4[%mul3A_421] : memref<10000xi32, #tpu.memory_space<hbm>> -> memref<80xi32, #tpu.memory_space<hbm>>
      %dma_start3A_425 = arith.constant 480 : i32
      %dma_start3A_426 = tpu.memref_slice %arg8[%dma_start3A_425] : memref<640xi32, #tpu.memory_space<vmem>> -> memref<80xi32, #tpu.memory_space<vmem>>
      %dma_start3A_427 = tpu.memref_slice %arg4[%mul3A_421] : memref<10000xi32, #tpu.memory_space<hbm>> -> memref<80xi32, #tpu.memory_space<hbm>>
      tpu.enqueue_dma source(%dma_start3A_427 : memref<80xi32, #tpu.memory_space<hbm>>) target(%dma_start3A_426 : memref<80xi32, #tpu.memory_space<vmem>>) target_semaphore(%arg12 : memref<!tpu.dma_semaphore, #tpu.memory_space<semaphore_mem>>)
    } else {
    }
    %add3A_46 = arith.constant 112 : i32
    %add3A_47 = arith.addi %add3A_46, %arg1 : i32
    %lt3A_48 = arith.constant 125 : i32
    %lt3A_49 = arith.cmpi slt, %add3A_47, %lt3A_48 : i32
    %convert_element_type3A_50 = arith.extui %lt3A_49 : i1 to i32
    %cond3A_51 = arith.constant 0 : i32
    %cond3A_52 = arith.cmpi ne, %convert_element_type3A_50, %cond3A_51 : i32
    scf.if %cond3A_52 {
      %mul3A_412 = arith.constant 80 : i32
      %mul3A_413 = arith.muli %add3A_47, %mul3A_412 : i32
      %dma_start3A_414 = arith.constant 560 : i32
      %dma_start3A_415 = tpu.memref_slice %arg7[%dma_start3A_414] : memref<640xi32, #tpu.memory_space<vmem>> -> memref<80xi32, #tpu.memory_space<vmem>>
      %dma_start3A_416 = tpu.memref_slice %arg3[%mul3A_413] : memref<10000xi32, #tpu.memory_space<hbm>> -> memref<80xi32, #tpu.memory_space<hbm>>
      %dma_start3A_417 = arith.constant 560 : i32
      %dma_start3A_418 = tpu.memref_slice %arg7[%dma_start3A_417] : memref<640xi32, #tpu.memory_space<vmem>> -> memref<80xi32, #tpu.memory_space<vmem>>
      %dma_start3A_419 = tpu.memref_slice %arg3[%mul3A_413] : memref<10000xi32, #tpu.memory_space<hbm>> -> memref<80xi32, #tpu.memory_space<hbm>>
      tpu.enqueue_dma source(%dma_start3A_419 : memref<80xi32, #tpu.memory_space<hbm>>) target(%dma_start3A_418 : memref<80xi32, #tpu.memory_space<vmem>>) target_semaphore(%arg12 : memref<!tpu.dma_semaphore, #tpu.memory_space<semaphore_mem>>)
      %mul3A_420 = arith.constant 80 : i32
      %mul3A_421 = arith.muli %add3A_47, %mul3A_420 : i32
      %dma_start3A_422 = arith.constant 560 : i32
      %dma_start3A_423 = tpu.memref_slice %arg8[%dma_start3A_422] : memref<640xi32, #tpu.memory_space<vmem>> -> memref<80xi32, #tpu.memory_space<vmem>>
      %dma_start3A_424 = tpu.memref_slice %arg4[%mul3A_421] : memref<10000xi32, #tpu.memory_space<hbm>> -> memref<80xi32, #tpu.memory_space<hbm>>
      %dma_start3A_425 = arith.constant 560 : i32
      %dma_start3A_426 = tpu.memref_slice %arg8[%dma_start3A_425] : memref<640xi32, #tpu.memory_space<vmem>> -> memref<80xi32, #tpu.memory_space<vmem>>
      %dma_start3A_427 = tpu.memref_slice %arg4[%mul3A_421] : memref<10000xi32, #tpu.memory_space<hbm>> -> memref<80xi32, #tpu.memory_space<hbm>>
      tpu.enqueue_dma source(%dma_start3A_427 : memref<80xi32, #tpu.memory_space<hbm>>) target(%dma_start3A_426 : memref<80xi32, #tpu.memory_space<vmem>>) target_semaphore(%arg12 : memref<!tpu.dma_semaphore, #tpu.memory_space<semaphore_mem>>)
    } else {
    }
    %scan3A = arith.constant 0 : i32
    %scan3A_53 = arith.constant 0 : i32
    %scan3A_54 = arith.constant 40 : i32
    %scan3A_55 = arith.addi %scan3A_53, %scan3A_54 : i32
    %scan3A_56 = arith.constant 1 : i32
    %scan3A_57 = scf.for %scan3A_412 = %scan3A_53 to %scan3A_55 step %scan3A_56 iter_args(%scan3A_413 = %scan3A) -> (i32)  : i32 {
      %broadcast_in_dim3A = arith.constant 0.000000e+00 : f32
      %broadcast_in_dim3A_414 = vector.broadcast %broadcast_in_dim3A : f32 to vector<16xf32>
      %swap3A = arith.index_cast %scan3A_412 : i32 to index
      %swap3A_415 = arith.constant 0 : index
      %swap3A_416 = tpu.vector_load %arg6[%swap3A, %swap3A_415] {strides = array<i32>} : memref<40x128xf32, #tpu.memory_space<vmem>>, vector<1x16xf32>,
      %swap3A_417 = vector.shape_cast %swap3A_416 : vector<1x16xf32> to vector<16xf32>
      %swap3A_418 = vector.shape_cast %broadcast_in_dim3A_414 : vector<16xf32> to vector<1x16xf32>
      tpu.vector_store %arg6[%swap3A, %swap3A_415], %swap3A_418 {strides = array<i32>} : memref<40x128xf32, #tpu.memory_space<vmem>>, vector<1x16xf32>,
      %broadcast_in_dim3A_419 = arith.constant 0.000000e+00 : f32
      %broadcast_in_dim3A_420 = vector.broadcast %broadcast_in_dim3A_419 : f32 to vector<16xf32>
      %swap3A_421 = arith.index_cast %scan3A_412 : i32 to index
      %swap3A_422 = arith.constant 16 : index
      %swap3A_423 = tpu.vector_load %arg6[%swap3A_421, %swap3A_422] {strides = array<i32>} : memref<40x128xf32, #tpu.memory_space<vmem>>, vector<1x16xf32>,
      %swap3A_424 = vector.shape_cast %swap3A_423 : vector<1x16xf32> to vector<16xf32>
      %swap3A_425 = vector.shape_cast %broadcast_in_dim3A_420 : vector<16xf32> to vector<1x16xf32>
      tpu.vector_store %arg6[%swap3A_421, %swap3A_422], %swap3A_425 {strides = array<i32>} : memref<40x128xf32, #tpu.memory_space<vmem>>, vector<1x16xf32>,
      %broadcast_in_dim3A_426 = arith.constant 0.000000e+00 : f32
      %broadcast_in_dim3A_427 = vector.broadcast %broadcast_in_dim3A_426 : f32 to vector<16xf32>
      %swap3A_428 = arith.index_cast %scan3A_412 : i32 to index
      %swap3A_429 = arith.constant 32 : index
      %swap3A_430 = tpu.vector_load %arg6[%swap3A_428, %swap3A_429] {strides = array<i32>} : memref<40x128xf32, #tpu.memory_space<vmem>>, vector<1x16xf32>,
      %swap3A_431 = vector.shape_cast %swap3A_430 : vector<1x16xf32> to vector<16xf32>
      %swap3A_432 = vector.shape_cast %broadcast_in_dim3A_427 : vector<16xf32> to vector<1x16xf32>
      tpu.vector_store %arg6[%swap3A_428, %swap3A_429], %swap3A_432 {strides = array<i32>} : memref<40x128xf32, #tpu.memory_space<vmem>>, vector<1x16xf32>,
      %broadcast_in_dim3A_433 = arith.constant 0.000000e+00 : f32
      %broadcast_in_dim3A_434 = vector.broadcast %broadcast_in_dim3A_433 : f32 to vector<16xf32>
      %swap3A_435 = arith.index_cast %scan3A_412 : i32 to index
      %swap3A_436 = arith.constant 48 : index
      %swap3A_437 = tpu.vector_load %arg6[%swap3A_435, %swap3A_436] {strides = array<i32>} : memref<40x128xf32, #tpu.memory_space<vmem>>, vector<1x16xf32>,
      %swap3A_438 = vector.shape_cast %swap3A_437 : vector<1x16xf32> to vector<16xf32>
      %swap3A_439 = vector.shape_cast %broadcast_in_dim3A_434 : vector<16xf32> to vector<1x16xf32>
      tpu.vector_store %arg6[%swap3A_435, %swap3A_436], %swap3A_439 {strides = array<i32>} : memref<40x128xf32, #tpu.memory_space<vmem>>, vector<1x16xf32>,
      %broadcast_in_dim3A_440 = arith.constant 0.000000e+00 : f32
      %broadcast_in_dim3A_441 = vector.broadcast %broadcast_in_dim3A_440 : f32 to vector<16xf32>
      %swap3A_442 = arith.index_cast %scan3A_412 : i32 to index
      %swap3A_443 = arith.constant 64 : index
      %swap3A_444 = tpu.vector_load %arg6[%swap3A_442, %swap3A_443] {strides = array<i32>} : memref<40x128xf32, #tpu.memory_space<vmem>>, vector<1x16xf32>,
      %swap3A_445 = vector.shape_cast %swap3A_444 : vector<1x16xf32> to vector<16xf32>
      %swap3A_446 = vector.shape_cast %broadcast_in_dim3A_441 : vector<16xf32> to vector<1x16xf32>
      tpu.vector_store %arg6[%swap3A_442, %swap3A_443], %swap3A_446 {strides = array<i32>} : memref<40x128xf32, #tpu.memory_space<vmem>>, vector<1x16xf32>,
      %broadcast_in_dim3A_447 = arith.constant 0.000000e+00 : f32
      %broadcast_in_dim3A_448 = vector.broadcast %broadcast_in_dim3A_447 : f32 to vector<16xf32>
      %swap3A_449 = arith.index_cast %scan3A_412 : i32 to index
      %swap3A_450 = arith.constant 80 : index
      %swap3A_451 = tpu.vector_load %arg6[%swap3A_449, %swap3A_450] {strides = array<i32>} : memref<40x128xf32, #tpu.memory_space<vmem>>, vector<1x16xf32>,
      %swap3A_452 = vector.shape_cast %swap3A_451 : vector<1x16xf32> to vector<16xf32>
      %swap3A_453 = vector.shape_cast %broadcast_in_dim3A_448 : vector<16xf32> to vector<1x16xf32>
      tpu.vector_store %arg6[%swap3A_449, %swap3A_450], %swap3A_453 {strides = array<i32>} : memref<40x128xf32, #tpu.memory_space<vmem>>, vector<1x16xf32>,
      %broadcast_in_dim3A_454 = arith.constant 0.000000e+00 : f32
      %broadcast_in_dim3A_455 = vector.broadcast %broadcast_in_dim3A_454 : f32 to vector<16xf32>
      %swap3A_456 = arith.index_cast %scan3A_412 : i32 to index
      %swap3A_457 = arith.constant 96 : index
      %swap3A_458 = tpu.vector_load %arg6[%swap3A_456, %swap3A_457] {strides = array<i32>} : memref<40x128xf32, #tpu.memory_space<vmem>>, vector<1x16xf32>,
      %swap3A_459 = vector.shape_cast %swap3A_458 : vector<1x16xf32> to vector<16xf32>
      %swap3A_460 = vector.shape_cast %broadcast_in_dim3A_455 : vector<16xf32> to vector<1x16xf32>
      tpu.vector_store %arg6[%swap3A_456, %swap3A_457], %swap3A_460 {strides = array<i32>} : memref<40x128xf32, #tpu.memory_space<vmem>>, vector<1x16xf32>,
      %broadcast_in_dim3A_461 = arith.constant 0.000000e+00 : f32
      %broadcast_in_dim3A_462 = vector.broadcast %broadcast_in_dim3A_461 : f32 to vector<16xf32>
      %swap3A_463 = arith.index_cast %scan3A_412 : i32 to index
      %swap3A_464 = arith.constant 112 : index
      %swap3A_465 = tpu.vector_load %arg6[%swap3A_463, %swap3A_464] {strides = array<i32>} : memref<40x128xf32, #tpu.memory_space<vmem>>, vector<1x16xf32>,
      %swap3A_466 = vector.shape_cast %swap3A_465 : vector<1x16xf32> to vector<16xf32>
      %swap3A_467 = vector.shape_cast %broadcast_in_dim3A_462 : vector<16xf32> to vector<1x16xf32>
      tpu.vector_store %arg6[%swap3A_463, %swap3A_464], %swap3A_467 {strides = array<i32>} : memref<40x128xf32, #tpu.memory_space<vmem>>, vector<1x16xf32>,
      %scan3A_468 = arith.constant 0 : i32
      scf.yield %scan3A_468 : i32
    }
    %scan3A_58 = arith.constant 40 : i32
    %mul3A_59 = arith.constant 200 : i32
    %mul3A_60 = arith.muli %arg1, %mul3A_59 : i32
    %add3A_61 = arith.constant 0 : i32
    %add3A_62 = arith.addi %mul3A_60, %add3A_61 : i32
    %dma_start3A = arith.constant 0 : i32
    %dma_start3A_63 = tpu.memref_slice %arg11[%add3A_62, %dma_start3A] : memref<3201x128xf32, #tpu.memory_space<vmem_shared>> -> memref<40x128xf32, #tpu.memory_space<vmem_shared>>
    %dma_start3A_64 = arith.constant 0 : i32
    %dma_start3A_65 = tpu.memref_slice %arg11[%add3A_62, %dma_start3A_64] : memref<3201x128xf32, #tpu.memory_space<vmem_shared>> -> memref<40x128xf32, #tpu.memory_space<vmem_shared>>
    tpu.enqueue_dma source(%arg6 : memref<40x128xf32, #tpu.memory_space<vmem>>) target(%dma_start3A_65 : memref<40x128xf32, #tpu.memory_space<vmem_shared>>) target_semaphore(%arg13 : memref<!tpu.dma_semaphore, #tpu.memory_space<semaphore_mem>>)
    %mul3A_66 = arith.constant 200 : i32
    %mul3A_67 = arith.muli %arg1, %mul3A_66 : i32
    %add3A_68 = arith.constant 40 : i32
    %add3A_69 = arith.addi %mul3A_67, %add3A_68 : i32
    %dma_start3A_70 = arith.constant 0 : i32
    %dma_start3A_71 = tpu.memref_slice %arg11[%add3A_69, %dma_start3A_70] : memref<3201x128xf32, #tpu.memory_space<vmem_shared>> -> memref<40x128xf32, #tpu.memory_space<vmem_shared>>
    %dma_start3A_72 = arith.constant 0 : i32
    %dma_start3A_73 = tpu.memref_slice %arg11[%add3A_69, %dma_start3A_72] : memref<3201x128xf32, #tpu.memory_space<vmem_shared>> -> memref<40x128xf32, #tpu.memory_space<vmem_shared>>
    tpu.enqueue_dma source(%arg6 : memref<40x128xf32, #tpu.memory_space<vmem>>) target(%dma_start3A_73 : memref<40x128xf32, #tpu.memory_space<vmem_shared>>) target_semaphore(%arg13 : memref<!tpu.dma_semaphore, #tpu.memory_space<semaphore_mem>>)
    %mul3A_74 = arith.constant 200 : i32
    %mul3A_75 = arith.muli %arg1, %mul3A_74 : i32
    %add3A_76 = arith.constant 80 : i32
    %add3A_77 = arith.addi %mul3A_75, %add3A_76 : i32
    %dma_start3A_78 = arith.constant 0 : i32
    %dma_start3A_79 = tpu.memref_slice %arg11[%add3A_77, %dma_start3A_78] : memref<3201x128xf32, #tpu.memory_space<vmem_shared>> -> memref<40x128xf32, #tpu.memory_space<vmem_shared>>
    %dma_start3A_80 = arith.constant 0 : i32
    %dma_start3A_81 = tpu.memref_slice %arg11[%add3A_77, %dma_start3A_80] : memref<3201x128xf32, #tpu.memory_space<vmem_shared>> -> memref<40x128xf32, #tpu.memory_space<vmem_shared>>
    tpu.enqueue_dma source(%arg6 : memref<40x128xf32, #tpu.memory_space<vmem>>) target(%dma_start3A_81 : memref<40x128xf32, #tpu.memory_space<vmem_shared>>) target_semaphore(%arg13 : memref<!tpu.dma_semaphore, #tpu.memory_space<semaphore_mem>>)
    %mul3A_82 = arith.constant 200 : i32
    %mul3A_83 = arith.muli %arg1, %mul3A_82 : i32
    %add3A_84 = arith.constant 120 : i32
    %add3A_85 = arith.addi %mul3A_83, %add3A_84 : i32
    %dma_start3A_86 = arith.constant 0 : i32
    %dma_start3A_87 = tpu.memref_slice %arg11[%add3A_85, %dma_start3A_86] : memref<3201x128xf32, #tpu.memory_space<vmem_shared>> -> memref<40x128xf32, #tpu.memory_space<vmem_shared>>
    %dma_start3A_88 = arith.constant 0 : i32
    %dma_start3A_89 = tpu.memref_slice %arg11[%add3A_85, %dma_start3A_88] : memref<3201x128xf32, #tpu.memory_space<vmem_shared>> -> memref<40x128xf32, #tpu.memory_space<vmem_shared>>
    tpu.enqueue_dma source(%arg6 : memref<40x128xf32, #tpu.memory_space<vmem>>) target(%dma_start3A_89 : memref<40x128xf32, #tpu.memory_space<vmem_shared>>) target_semaphore(%arg13 : memref<!tpu.dma_semaphore, #tpu.memory_space<semaphore_mem>>)
    %mul3A_90 = arith.constant 200 : i32
    %mul3A_91 = arith.muli %arg1, %mul3A_90 : i32
    %add3A_92 = arith.constant 160 : i32
    %add3A_93 = arith.addi %mul3A_91, %add3A_92 : i32
    %dma_start3A_94 = arith.constant 0 : i32
    %dma_start3A_95 = tpu.memref_slice %arg11[%add3A_93, %dma_start3A_94] : memref<3201x128xf32, #tpu.memory_space<vmem_shared>> -> memref<40x128xf32, #tpu.memory_space<vmem_shared>>
    %dma_start3A_96 = arith.constant 0 : i32
    %dma_start3A_97 = tpu.memref_slice %arg11[%add3A_93, %dma_start3A_96] : memref<3201x128xf32, #tpu.memory_space<vmem_shared>> -> memref<40x128xf32, #tpu.memory_space<vmem_shared>>
    tpu.enqueue_dma source(%arg6 : memref<40x128xf32, #tpu.memory_space<vmem>>) target(%dma_start3A_97 : memref<40x128xf32, #tpu.memory_space<vmem_shared>>) target_semaphore(%arg13 : memref<!tpu.dma_semaphore, #tpu.memory_space<semaphore_mem>>)
    %add3A_98 = arith.constant 0 : i32
    %add3A_99 = arith.addi %add3A_98, %arg1 : i32
    %lt3A_100 = arith.constant 125 : i32
    %lt3A_101 = arith.cmpi slt, %add3A_99, %lt3A_100 : i32
    %convert_element_type3A_102 = arith.extui %lt3A_101 : i1 to i32
    %cond3A_103 = arith.constant 0 : i32
    %cond3A_104 = arith.cmpi ne, %convert_element_type3A_102, %cond3A_103 : i32
    scf.if %cond3A_104 {
      %mul3A_412 = arith.constant 80 : i32
      %mul3A_413 = arith.muli %add3A_99, %mul3A_412 : i32
      %dma_wait3A_414 = arith.constant 0 : i32
      %dma_wait3A_415 = tpu.memref_slice %arg7[%dma_wait3A_414] : memref<640xi32, #tpu.memory_space<vmem>> -> memref<80xi32, #tpu.memory_space<vmem>>
      %dma_wait3A_416 = tpu.memref_slice %arg3[%mul3A_413] : memref<10000xi32, #tpu.memory_space<hbm>> -> memref<80xi32, #tpu.memory_space<hbm>>
      %dma_wait3A_417 = arith.constant 0 : i32
      %dma_wait3A_418 = tpu.memref_slice %arg7[%dma_wait3A_417] : memref<640xi32, #tpu.memory_space<vmem>> -> memref<80xi32, #tpu.memory_space<vmem>>
      %dma_wait3A_419 = tpu.memref_slice %arg3[%mul3A_413] : memref<10000xi32, #tpu.memory_space<hbm>> -> memref<80xi32, #tpu.memory_space<hbm>>
      tpu.wait_dma2 semaphore(%arg12 : memref<!tpu.dma_semaphore, #tpu.memory_space<semaphore_mem>>) src(%dma_wait3A_419 : memref<80xi32, #tpu.memory_space<hbm>>) dst(%dma_wait3A_418 : memref<80xi32, #tpu.memory_space<vmem>>)
      %mul3A_420 = arith.constant 80 : i32
      %mul3A_421 = arith.muli %add3A_99, %mul3A_420 : i32
      %dma_wait3A_422 = arith.constant 0 : i32
      %dma_wait3A_423 = tpu.memref_slice %arg8[%dma_wait3A_422] : memref<640xi32, #tpu.memory_space<vmem>> -> memref<80xi32, #tpu.memory_space<vmem>>
      %dma_wait3A_424 = tpu.memref_slice %arg4[%mul3A_421] : memref<10000xi32, #tpu.memory_space<hbm>> -> memref<80xi32, #tpu.memory_space<hbm>>
      %dma_wait3A_425 = arith.constant 0 : i32
      %dma_wait3A_426 = tpu.memref_slice %arg8[%dma_wait3A_425] : memref<640xi32, #tpu.memory_space<vmem>> -> memref<80xi32, #tpu.memory_space<vmem>>
      %dma_wait3A_427 = tpu.memref_slice %arg4[%mul3A_421] : memref<10000xi32, #tpu.memory_space<hbm>> -> memref<80xi32, #tpu.memory_space<hbm>>
      tpu.wait_dma2 semaphore(%arg12 : memref<!tpu.dma_semaphore, #tpu.memory_space<semaphore_mem>>) src(%dma_wait3A_427 : memref<80xi32, #tpu.memory_space<hbm>>) dst(%dma_wait3A_426 : memref<80xi32, #tpu.memory_space<vmem>>)
    } else {
    }
    %get3A = arith.constant 0 : index
    %get3A_105 = tpu.vector_load %arg8[%get3A] {strides = array<i32>} : memref<640xi32, #tpu.memory_space<vmem>>, vector<16xi32>,
    %get3A_106 = vector.shape_cast %get3A_105 : vector<16xi32> to vector<16xi32>
    %slice3A = vector.extract_strided_slice %get3A_106 {offsets = [0], sizes = [1], strides = [1]} : vector<16xi32> to vector<1xi32>
    %squeeze3A = vector.extract %slice3A[0] : i32 from vector<1xi32>
    %get3A_107 = arith.constant 64 : index
    %get3A_108 = tpu.vector_load %arg8[%get3A_107] {strides = array<i32>} : memref<640xi32, #tpu.memory_space<vmem>>, vector<16xi32>,
    %get3A_109 = vector.shape_cast %get3A_108 : vector<16xi32> to vector<16xi32>
    %slice3A_110 = vector.extract_strided_slice %get3A_109 {offsets = [15], sizes = [1], strides = [1]} : vector<16xi32> to vector<1xi32>
    %squeeze3A_111 = vector.extract %slice3A_110[0] : i32 from vector<1xi32>
    %ge3A = arith.cmpi sge, %squeeze3A_111, %mul3A_0 : i32
    %add3A_112 = arith.constant 32 : i32
    %add3A_113 = arith.addi %mul3A_0, %add3A_112 : i32
    %lt3A_114 = arith.cmpi slt, %squeeze3A, %add3A_113 : i32
    %and3A = arith.andi %ge3A, %lt3A_114 : i1
    %and3A_115 = arith.andi %lt3A_101, %and3A : i1
    %convert_element_type3A_116 = arith.extui %and3A_115 : i1 to i32
    %cond3A_117 = arith.constant 0 : i32
    %cond3A_118 = arith.cmpi ne, %convert_element_type3A_116, %cond3A_117 : i32
    scf.if %cond3A_118 {
      %mul3A_412 = arith.constant 80 : i32
      %mul3A_413 = arith.muli %add3A_99, %mul3A_412 : i32
      %dma_start3A_414 = arith.constant 0 : i32
      %dma_start3A_415 = arith.constant 0 : i32
      %dma_start3A_416 = arith.constant 0 : i32
      %dma_start3A_417 = arith.constant 0 : i32
      %dma_start3A_418 = tpu.memref_slice %arg10[%dma_start3A_414, %dma_start3A_416, %dma_start3A_417] : memref<8x80x128xf32, #tpu.memory_space<vmem>> -> memref<1x80x128xf32, #tpu.memory_space<vmem>>
      %dma_start3A_419 = tpu.memref_squeeze %dma_start3A_418 : memref<1x80x128xf32, #tpu.memory_space<vmem>> -> memref<80x128xf32, #tpu.memory_space<vmem>>
      %dma_start3A_420 = arith.constant 0 : i32
      %dma_start3A_421 = tpu.memref_slice %arg2[%mul3A_413, %dma_start3A_420] : memref<10000x128xf32, #tpu.memory_space<hbm>> -> memref<80x128xf32, #tpu.memory_space<hbm>>
      %dma_start3A_422 = tpu.memref_slice %arg14[%dma_start3A_415] : memref<8x!tpu.dma_semaphore, #tpu.memory_space<semaphore_mem>> -> memref<1x!tpu.dma_semaphore, #tpu.memory_space<semaphore_mem>>
      %dma_start3A_423 = tpu.memref_squeeze %dma_start3A_422 : memref<1x!tpu.dma_semaphore, #tpu.memory_space<semaphore_mem>> -> memref<!tpu.dma_semaphore, #tpu.memory_space<semaphore_mem>>
      %dma_start3A_424 = arith.constant 0 : i32
      %dma_start3A_425 = arith.constant 0 : i32
      %dma_start3A_426 = tpu.memref_slice %arg10[%dma_start3A_414, %dma_start3A_424, %dma_start3A_425] : memref<8x80x128xf32, #tpu.memory_space<vmem>> -> memref<1x80x128xf32, #tpu.memory_space<vmem>>
      %dma_start3A_427 = tpu.memref_squeeze %dma_start3A_426 : memref<1x80x128xf32, #tpu.memory_space<vmem>> -> memref<80x128xf32, #tpu.memory_space<vmem>>
      %dma_start3A_428 = arith.constant 0 : i32
      %dma_start3A_429 = tpu.memref_slice %arg2[%mul3A_413, %dma_start3A_428] : memref<10000x128xf32, #tpu.memory_space<hbm>> -> memref<80x128xf32, #tpu.memory_space<hbm>>
      tpu.enqueue_dma source(%dma_start3A_429 : memref<80x128xf32, #tpu.memory_space<hbm>>) target(%dma_start3A_427 : memref<80x128xf32, #tpu.memory_space<vmem>>) target_semaphore(%dma_start3A_423 : memref<!tpu.dma_semaphore, #tpu.memory_space<semaphore_mem>>)
      %scan3A_430 = arith.constant 0 : i32
      %scan3A_431 = arith.constant 0 : i32
      %scan3A_432 = arith.constant 5 : i32
      %scan3A_433 = arith.addi %scan3A_431, %scan3A_432 : i32
      %scan3A_434 = arith.constant 1 : i32
      %scan3A_435 = scf.for %scan3A_437 = %scan3A_431 to %scan3A_433 step %scan3A_434 iter_args(%scan3A_438 = %scan3A_430) -> (i32)  : i32 {
        %mul3A_439 = arith.constant 16 : i32
        %mul3A_440 = arith.muli %scan3A_437, %mul3A_439 : i32
        %add3A_441 = arith.constant 0 : i32
        %add3A_442 = arith.addi %add3A_441, %mul3A_440 : i32
        %get3A_443 = arith.index_cast %add3A_442 : i32 to index
        %get3A_444 = tpu.vector_load %arg7[%get3A_443] {strides = array<i32>} : memref<640xi32, #tpu.memory_space<vmem>>, vector<16xi32>,
        %get3A_445 = vector.shape_cast %get3A_444 : vector<16xi32> to vector<16xi32>
        %mul3A_446 = arith.constant 16 : i32
        %mul3A_447 = arith.muli %scan3A_437, %mul3A_446 : i32
        %add3A_448 = arith.constant 0 : i32
        %add3A_449 = arith.addi %add3A_448, %mul3A_447 : i32
        %get3A_450 = arith.index_cast %add3A_449 : i32 to index
        %get3A_451 = tpu.vector_load %arg8[%get3A_450] {strides = array<i32>} : memref<640xi32, #tpu.memory_space<vmem>>, vector<16xi32>,
        %get3A_452 = vector.shape_cast %get3A_451 : vector<16xi32> to vector<16xi32>
        %sub3A = vector.broadcast %mul3A_0 : i32 to vector<16xi32>
        %sub3A_453 = arith.subi %get3A_452, %sub3A : vector<16xi32>
        %mul3A_454 = arith.constant 100 : i32
        %mul3A_455 = vector.broadcast %mul3A_454 : i32 to vector<16xi32>
        %mul3A_456 = arith.muli %sub3A_453, %mul3A_455 : vector<16xi32>
        %add3A_457 = arith.addi %mul3A_456, %get3A_445 : vector<16xi32>
        %sub3A_458 = arith.constant 1 : i32
        %sub3A_459 = vector.broadcast %sub3A_458 : i32 to vector<16xi32>
        %sub3A_460 = arith.subi %add3A_457, %sub3A_459 : vector<16xi32>
        %ge3A_461 = arith.constant 0 : i32
        %ge3A_462 = vector.broadcast %ge3A_461 : i32 to vector<16xi32>
        %ge3A_463 = arith.cmpi sge, %sub3A_460, %ge3A_462 : vector<16xi32>
        %lt3A_464 = arith.constant 3200 : i32
        %lt3A_465 = vector.broadcast %lt3A_464 : i32 to vector<16xi32>
        %lt3A_466 = arith.cmpi slt, %sub3A_460, %lt3A_465 : vector<16xi32>
        %and3A_467 = arith.andi %ge3A_463, %lt3A_466 : vector<16xi1>
        %jit3A = arith.constant 3200 : i32
        %broadcast_in_dim3A = vector.broadcast %jit3A : i32 to vector<16xi32>
        %select_n3A = arith.select %and3A_467, %sub3A_460, %broadcast_in_dim3A : vector<16xi1>, vector<16xi32>
        %mul3A_468 = arith.constant 16 : i32
        %mul3A_469 = arith.muli %scan3A_437, %mul3A_468 : i32
        %swap3A = arith.constant 0 : i32
        %swap3A_470 = arith.index_cast %swap3A : i32 to index
        %swap3A_471 = arith.index_cast %mul3A_469 : i32 to index
        %swap3A_472 = tpu.vector_load %arg9[%swap3A_470, %swap3A_471] {strides = array<i32>} : memref<8x80xi32, #tpu.memory_space<vmem>>, vector<1x16xi32>,
        %swap3A_473 = vector.shape_cast %swap3A_472 : vector<1x16xi32> to vector<16xi32>
        %swap3A_474 = vector.shape_cast %select_n3A : vector<16xi32> to vector<1x16xi32>
        tpu.vector_store %arg9[%swap3A_470, %swap3A_471], %swap3A_474 {strides = array<i32>} : memref<8x80xi32, #tpu.memory_space<vmem>>, vector<1x16xi32>,
        %scan3A_475 = arith.constant 0 : i32
        scf.yield %scan3A_475 : i32
      }
      %scan3A_436 = arith.constant 5 : i32
    } else {
    }
    %add3A_119 = arith.constant 16 : i32
    %add3A_120 = arith.addi %add3A_119, %arg1 : i32
    %lt3A_121 = arith.constant 125 : i32
    %lt3A_122 = arith.cmpi slt, %add3A_120, %lt3A_121 : i32
    %convert_element_type3A_123 = arith.extui %lt3A_122 : i1 to i32
    %cond3A_124 = arith.constant 0 : i32
    %cond3A_125 = arith.cmpi ne, %convert_element_type3A_123, %cond3A_124 : i32
    scf.if %cond3A_125 {
      %mul3A_412 = arith.constant 80 : i32
      %mul3A_413 = arith.muli %add3A_120, %mul3A_412 : i32
      %dma_wait3A_414 = arith.constant 80 : i32
      %dma_wait3A_415 = tpu.memref_slice %arg7[%dma_wait3A_414] : memref<640xi32, #tpu.memory_space<vmem>> -> memref<80xi32, #tpu.memory_space<vmem>>
      %dma_wait3A_416 = tpu.memref_slice %arg3[%mul3A_413] : memref<10000xi32, #tpu.memory_space<hbm>> -> memref<80xi32, #tpu.memory_space<hbm>>
      %dma_wait3A_417 = arith.constant 80 : i32
      %dma_wait3A_418 = tpu.memref_slice %arg7[%dma_wait3A_417] : memref<640xi32, #tpu.memory_space<vmem>> -> memref<80xi32, #tpu.memory_space<vmem>>
      %dma_wait3A_419 = tpu.memref_slice %arg3[%mul3A_413] : memref<10000xi32, #tpu.memory_space<hbm>> -> memref<80xi32, #tpu.memory_space<hbm>>
      tpu.wait_dma2 semaphore(%arg12 : memref<!tpu.dma_semaphore, #tpu.memory_space<semaphore_mem>>) src(%dma_wait3A_419 : memref<80xi32, #tpu.memory_space<hbm>>) dst(%dma_wait3A_418 : memref<80xi32, #tpu.memory_space<vmem>>)
      %mul3A_420 = arith.constant 80 : i32
      %mul3A_421 = arith.muli %add3A_120, %mul3A_420 : i32
      %dma_wait3A_422 = arith.constant 80 : i32
      %dma_wait3A_423 = tpu.memref_slice %arg8[%dma_wait3A_422] : memref<640xi32, #tpu.memory_space<vmem>> -> memref<80xi32, #tpu.memory_space<vmem>>
      %dma_wait3A_424 = tpu.memref_slice %arg4[%mul3A_421] : memref<10000xi32, #tpu.memory_space<hbm>> -> memref<80xi32, #tpu.memory_space<hbm>>
      %dma_wait3A_425 = arith.constant 80 : i32
      %dma_wait3A_426 = tpu.memref_slice %arg8[%dma_wait3A_425] : memref<640xi32, #tpu.memory_space<vmem>> -> memref<80xi32, #tpu.memory_space<vmem>>
      %dma_wait3A_427 = tpu.memref_slice %arg4[%mul3A_421] : memref<10000xi32, #tpu.memory_space<hbm>> -> memref<80xi32, #tpu.memory_space<hbm>>
      tpu.wait_dma2 semaphore(%arg12 : memref<!tpu.dma_semaphore, #tpu.memory_space<semaphore_mem>>) src(%dma_wait3A_427 : memref<80xi32, #tpu.memory_space<hbm>>) dst(%dma_wait3A_426 : memref<80xi32, #tpu.memory_space<vmem>>)
    } else {
    }
    %get3A_126 = arith.constant 80 : index
    %get3A_127 = tpu.vector_load %arg8[%get3A_126] {strides = array<i32>} : memref<640xi32, #tpu.memory_space<vmem>>, vector<16xi32>,
    %get3A_128 = vector.shape_cast %get3A_127 : vector<16xi32> to vector<16xi32>
    %slice3A_129 = vector.extract_strided_slice %get3A_128 {offsets = [0], sizes = [1], strides = [1]} : vector<16xi32> to vector<1xi32>
    %squeeze3A_130 = vector.extract %slice3A_129[0] : i32 from vector<1xi32>
    %get3A_131 = arith.constant 144 : index
    %get3A_132 = tpu.vector_load %arg8[%get3A_131] {strides = array<i32>} : memref<640xi32, #tpu.memory_space<vmem>>, vector<16xi32>,
    %get3A_133 = vector.shape_cast %get3A_132 : vector<16xi32> to vector<16xi32>
    %slice3A_134 = vector.extract_strided_slice %get3A_133 {offsets = [15], sizes = [1], strides = [1]} : vector<16xi32> to vector<1xi32>
    %squeeze3A_135 = vector.extract %slice3A_134[0] : i32 from vector<1xi32>
    %ge3A_136 = arith.cmpi sge, %squeeze3A_135, %mul3A_0 : i32
    %add3A_137 = arith.constant 32 : i32
    %add3A_138 = arith.addi %mul3A_0, %add3A_137 : i32
    %lt3A_139 = arith.cmpi slt, %squeeze3A_130, %add3A_138 : i32
    %and3A_140 = arith.andi %ge3A_136, %lt3A_139 : i1
    %and3A_141 = arith.andi %lt3A_122, %and3A_140 : i1
    %convert_element_type3A_142 = arith.extui %and3A_141 : i1 to i32
    %cond3A_143 = arith.constant 0 : i32
    %cond3A_144 = arith.cmpi ne, %convert_element_type3A_142, %cond3A_143 : i32
    scf.if %cond3A_144 {
      %mul3A_412 = arith.constant 80 : i32
      %mul3A_413 = arith.muli %add3A_120, %mul3A_412 : i32
      %dma_start3A_414 = arith.constant 1 : i32
      %dma_start3A_415 = arith.constant 1 : i32
      %dma_start3A_416 = arith.constant 0 : i32
      %dma_start3A_417 = arith.constant 0 : i32
      %dma_start3A_418 = tpu.memref_slice %arg10[%dma_start3A_414, %dma_start3A_416, %dma_start3A_417] : memref<8x80x128xf32, #tpu.memory_space<vmem>> -> memref<1x80x128xf32, #tpu.memory_space<vmem>>
      %dma_start3A_419 = tpu.memref_squeeze %dma_start3A_418 : memref<1x80x128xf32, #tpu.memory_space<vmem>> -> memref<80x128xf32, #tpu.memory_space<vmem>>
      %dma_start3A_420 = arith.constant 0 : i32
      %dma_start3A_421 = tpu.memref_slice %arg2[%mul3A_413, %dma_start3A_420] : memref<10000x128xf32, #tpu.memory_space<hbm>> -> memref<80x128xf32, #tpu.memory_space<hbm>>
      %dma_start3A_422 = tpu.memref_slice %arg14[%dma_start3A_415] : memref<8x!tpu.dma_semaphore, #tpu.memory_space<semaphore_mem>> -> memref<1x!tpu.dma_semaphore, #tpu.memory_space<semaphore_mem>>
      %dma_start3A_423 = tpu.memref_squeeze %dma_start3A_422 : memref<1x!tpu.dma_semaphore, #tpu.memory_space<semaphore_mem>> -> memref<!tpu.dma_semaphore, #tpu.memory_space<semaphore_mem>>
      %dma_start3A_424 = arith.constant 0 : i32
      %dma_start3A_425 = arith.constant 0 : i32
      %dma_start3A_426 = tpu.memref_slice %arg10[%dma_start3A_414, %dma_start3A_424, %dma_start3A_425] : memref<8x80x128xf32, #tpu.memory_space<vmem>> -> memref<1x80x128xf32, #tpu.memory_space<vmem>>
      %dma_start3A_427 = tpu.memref_squeeze %dma_start3A_426 : memref<1x80x128xf32, #tpu.memory_space<vmem>> -> memref<80x128xf32, #tpu.memory_space<vmem>>
      %dma_start3A_428 = arith.constant 0 : i32
      %dma_start3A_429 = tpu.memref_slice %arg2[%mul3A_413, %dma_start3A_428] : memref<10000x128xf32, #tpu.memory_space<hbm>> -> memref<80x128xf32, #tpu.memory_space<hbm>>
      tpu.enqueue_dma source(%dma_start3A_429 : memref<80x128xf32, #tpu.memory_space<hbm>>) target(%dma_start3A_427 : memref<80x128xf32, #tpu.memory_space<vmem>>) target_semaphore(%dma_start3A_423 : memref<!tpu.dma_semaphore, #tpu.memory_space<semaphore_mem>>)
      %scan3A_430 = arith.constant 0 : i32
      %scan3A_431 = arith.constant 0 : i32
      %scan3A_432 = arith.constant 5 : i32
      %scan3A_433 = arith.addi %scan3A_431, %scan3A_432 : i32
      %scan3A_434 = arith.constant 1 : i32
      %scan3A_435 = scf.for %scan3A_437 = %scan3A_431 to %scan3A_433 step %scan3A_434 iter_args(%scan3A_438 = %scan3A_430) -> (i32)  : i32 {
        %mul3A_439 = arith.constant 16 : i32
        %mul3A_440 = arith.muli %scan3A_437, %mul3A_439 : i32
        %add3A_441 = arith.constant 80 : i32
        %add3A_442 = arith.addi %add3A_441, %mul3A_440 : i32
        %get3A_443 = arith.index_cast %add3A_442 : i32 to index
        %get3A_444 = tpu.vector_load %arg7[%get3A_443] {strides = array<i32>} : memref<640xi32, #tpu.memory_space<vmem>>, vector<16xi32>,
        %get3A_445 = vector.shape_cast %get3A_444 : vector<16xi32> to vector<16xi32>
        %mul3A_446 = arith.constant 16 : i32
        %mul3A_447 = arith.muli %scan3A_437, %mul3A_446 : i32
        %add3A_448 = arith.constant 80 : i32
        %add3A_449 = arith.addi %add3A_448, %mul3A_447 : i32
        %get3A_450 = arith.index_cast %add3A_449 : i32 to index
        %get3A_451 = tpu.vector_load %arg8[%get3A_450] {strides = array<i32>} : memref<640xi32, #tpu.memory_space<vmem>>, vector<16xi32>,
        %get3A_452 = vector.shape_cast %get3A_451 : vector<16xi32> to vector<16xi32>
        %sub3A = vector.broadcast %mul3A_0 : i32 to vector<16xi32>
        %sub3A_453 = arith.subi %get3A_452, %sub3A : vector<16xi32>
        %mul3A_454 = arith.constant 100 : i32
        %mul3A_455 = vector.broadcast %mul3A_454 : i32 to vector<16xi32>
        %mul3A_456 = arith.muli %sub3A_453, %mul3A_455 : vector<16xi32>
        %add3A_457 = arith.addi %mul3A_456, %get3A_445 : vector<16xi32>
        %sub3A_458 = arith.constant 1 : i32
        %sub3A_459 = vector.broadcast %sub3A_458 : i32 to vector<16xi32>
        %sub3A_460 = arith.subi %add3A_457, %sub3A_459 : vector<16xi32>
        %ge3A_461 = arith.constant 0 : i32
        %ge3A_462 = vector.broadcast %ge3A_461 : i32 to vector<16xi32>
        %ge3A_463 = arith.cmpi sge, %sub3A_460, %ge3A_462 : vector<16xi32>
        %lt3A_464 = arith.constant 3200 : i32
        %lt3A_465 = vector.broadcast %lt3A_464 : i32 to vector<16xi32>
        %lt3A_466 = arith.cmpi slt, %sub3A_460, %lt3A_465 : vector<16xi32>
        %and3A_467 = arith.andi %ge3A_463, %lt3A_466 : vector<16xi1>
        %jit3A = arith.constant 3200 : i32
        %broadcast_in_dim3A = vector.broadcast %jit3A : i32 to vector<16xi32>
        %select_n3A = arith.select %and3A_467, %sub3A_460, %broadcast_in_dim3A : vector<16xi1>, vector<16xi32>
        %mul3A_468 = arith.constant 16 : i32
        %mul3A_469 = arith.muli %scan3A_437, %mul3A_468 : i32
        %swap3A = arith.constant 1 : i32
        %swap3A_470 = arith.index_cast %swap3A : i32 to index
        %swap3A_471 = arith.index_cast %mul3A_469 : i32 to index
        %swap3A_472 = tpu.vector_load %arg9[%swap3A_470, %swap3A_471] {strides = array<i32>} : memref<8x80xi32, #tpu.memory_space<vmem>>, vector<1x16xi32>,
        %swap3A_473 = vector.shape_cast %swap3A_472 : vector<1x16xi32> to vector<16xi32>
        %swap3A_474 = vector.shape_cast %select_n3A : vector<16xi32> to vector<1x16xi32>
        tpu.vector_store %arg9[%swap3A_470, %swap3A_471], %swap3A_474 {strides = array<i32>} : memref<8x80xi32, #tpu.memory_space<vmem>>, vector<1x16xi32>,
        %scan3A_475 = arith.constant 0 : i32
        scf.yield %scan3A_475 : i32
      }
      %scan3A_436 = arith.constant 5 : i32
    } else {
    }
    %add3A_145 = arith.constant 32 : i32
    %add3A_146 = arith.addi %add3A_145, %arg1 : i32
    %lt3A_147 = arith.constant 125 : i32
    %lt3A_148 = arith.cmpi slt, %add3A_146, %lt3A_147 : i32
    %convert_element_type3A_149 = arith.extui %lt3A_148 : i1 to i32
    %cond3A_150 = arith.constant 0 : i32
    %cond3A_151 = arith.cmpi ne, %convert_element_type3A_149, %cond3A_150 : i32
    scf.if %cond3A_151 {
      %mul3A_412 = arith.constant 80 : i32
      %mul3A_413 = arith.muli %add3A_146, %mul3A_412 : i32
      %dma_wait3A_414 = arith.constant 160 : i32
      %dma_wait3A_415 = tpu.memref_slice %arg7[%dma_wait3A_414] : memref<640xi32, #tpu.memory_space<vmem>> -> memref<80xi32, #tpu.memory_space<vmem>>
      %dma_wait3A_416 = tpu.memref_slice %arg3[%mul3A_413] : memref<10000xi32, #tpu.memory_space<hbm>> -> memref<80xi32, #tpu.memory_space<hbm>>
      %dma_wait3A_417 = arith.constant 160 : i32
      %dma_wait3A_418 = tpu.memref_slice %arg7[%dma_wait3A_417] : memref<640xi32, #tpu.memory_space<vmem>> -> memref<80xi32, #tpu.memory_space<vmem>>
      %dma_wait3A_419 = tpu.memref_slice %arg3[%mul3A_413] : memref<10000xi32, #tpu.memory_space<hbm>> -> memref<80xi32, #tpu.memory_space<hbm>>
      tpu.wait_dma2 semaphore(%arg12 : memref<!tpu.dma_semaphore, #tpu.memory_space<semaphore_mem>>) src(%dma_wait3A_419 : memref<80xi32, #tpu.memory_space<hbm>>) dst(%dma_wait3A_418 : memref<80xi32, #tpu.memory_space<vmem>>)
      %mul3A_420 = arith.constant 80 : i32
      %mul3A_421 = arith.muli %add3A_146, %mul3A_420 : i32
      %dma_wait3A_422 = arith.constant 160 : i32
      %dma_wait3A_423 = tpu.memref_slice %arg8[%dma_wait3A_422] : memref<640xi32, #tpu.memory_space<vmem>> -> memref<80xi32, #tpu.memory_space<vmem>>
      %dma_wait3A_424 = tpu.memref_slice %arg4[%mul3A_421] : memref<10000xi32, #tpu.memory_space<hbm>> -> memref<80xi32, #tpu.memory_space<hbm>>
      %dma_wait3A_425 = arith.constant 160 : i32
      %dma_wait3A_426 = tpu.memref_slice %arg8[%dma_wait3A_425] : memref<640xi32, #tpu.memory_space<vmem>> -> memref<80xi32, #tpu.memory_space<vmem>>
      %dma_wait3A_427 = tpu.memref_slice %arg4[%mul3A_421] : memref<10000xi32, #tpu.memory_space<hbm>> -> memref<80xi32, #tpu.memory_space<hbm>>
      tpu.wait_dma2 semaphore(%arg12 : memref<!tpu.dma_semaphore, #tpu.memory_space<semaphore_mem>>) src(%dma_wait3A_427 : memref<80xi32, #tpu.memory_space<hbm>>) dst(%dma_wait3A_426 : memref<80xi32, #tpu.memory_space<vmem>>)
    } else {
    }
    %get3A_152 = arith.constant 160 : index
    %get3A_153 = tpu.vector_load %arg8[%get3A_152] {strides = array<i32>} : memref<640xi32, #tpu.memory_space<vmem>>, vector<16xi32>,
    %get3A_154 = vector.shape_cast %get3A_153 : vector<16xi32> to vector<16xi32>
    %slice3A_155 = vector.extract_strided_slice %get3A_154 {offsets = [0], sizes = [1], strides = [1]} : vector<16xi32> to vector<1xi32>
    %squeeze3A_156 = vector.extract %slice3A_155[0] : i32 from vector<1xi32>
    %get3A_157 = arith.constant 224 : index
    %get3A_158 = tpu.vector_load %arg8[%get3A_157] {strides = array<i32>} : memref<640xi32, #tpu.memory_space<vmem>>, vector<16xi32>,
    %get3A_159 = vector.shape_cast %get3A_158 : vector<16xi32> to vector<16xi32>
    %slice3A_160 = vector.extract_strided_slice %get3A_159 {offsets = [15], sizes = [1], strides = [1]} : vector<16xi32> to vector<1xi32>
    %squeeze3A_161 = vector.extract %slice3A_160[0] : i32 from vector<1xi32>
    %ge3A_162 = arith.cmpi sge, %squeeze3A_161, %mul3A_0 : i32
    %add3A_163 = arith.constant 32 : i32
    %add3A_164 = arith.addi %mul3A_0, %add3A_163 : i32
    %lt3A_165 = arith.cmpi slt, %squeeze3A_156, %add3A_164 : i32
    %and3A_166 = arith.andi %ge3A_162, %lt3A_165 : i1
    %and3A_167 = arith.andi %lt3A_148, %and3A_166 : i1
    %convert_element_type3A_168 = arith.extui %and3A_167 : i1 to i32
    %cond3A_169 = arith.constant 0 : i32
    %cond3A_170 = arith.cmpi ne, %convert_element_type3A_168, %cond3A_169 : i32
    scf.if %cond3A_170 {
      %mul3A_412 = arith.constant 80 : i32
      %mul3A_413 = arith.muli %add3A_146, %mul3A_412 : i32
      %dma_start3A_414 = arith.constant 2 : i32
      %dma_start3A_415 = arith.constant 2 : i32
      %dma_start3A_416 = arith.constant 0 : i32
      %dma_start3A_417 = arith.constant 0 : i32
      %dma_start3A_418 = tpu.memref_slice %arg10[%dma_start3A_414, %dma_start3A_416, %dma_start3A_417] : memref<8x80x128xf32, #tpu.memory_space<vmem>> -> memref<1x80x128xf32, #tpu.memory_space<vmem>>
      %dma_start3A_419 = tpu.memref_squeeze %dma_start3A_418 : memref<1x80x128xf32, #tpu.memory_space<vmem>> -> memref<80x128xf32, #tpu.memory_space<vmem>>
      %dma_start3A_420 = arith.constant 0 : i32
      %dma_start3A_421 = tpu.memref_slice %arg2[%mul3A_413, %dma_start3A_420] : memref<10000x128xf32, #tpu.memory_space<hbm>> -> memref<80x128xf32, #tpu.memory_space<hbm>>
      %dma_start3A_422 = tpu.memref_slice %arg14[%dma_start3A_415] : memref<8x!tpu.dma_semaphore, #tpu.memory_space<semaphore_mem>> -> memref<1x!tpu.dma_semaphore, #tpu.memory_space<semaphore_mem>>
      %dma_start3A_423 = tpu.memref_squeeze %dma_start3A_422 : memref<1x!tpu.dma_semaphore, #tpu.memory_space<semaphore_mem>> -> memref<!tpu.dma_semaphore, #tpu.memory_space<semaphore_mem>>
      %dma_start3A_424 = arith.constant 0 : i32
      %dma_start3A_425 = arith.constant 0 : i32
      %dma_start3A_426 = tpu.memref_slice %arg10[%dma_start3A_414, %dma_start3A_424, %dma_start3A_425] : memref<8x80x128xf32, #tpu.memory_space<vmem>> -> memref<1x80x128xf32, #tpu.memory_space<vmem>>
      %dma_start3A_427 = tpu.memref_squeeze %dma_start3A_426 : memref<1x80x128xf32, #tpu.memory_space<vmem>> -> memref<80x128xf32, #tpu.memory_space<vmem>>
      %dma_start3A_428 = arith.constant 0 : i32
      %dma_start3A_429 = tpu.memref_slice %arg2[%mul3A_413, %dma_start3A_428] : memref<10000x128xf32, #tpu.memory_space<hbm>> -> memref<80x128xf32, #tpu.memory_space<hbm>>
      tpu.enqueue_dma source(%dma_start3A_429 : memref<80x128xf32, #tpu.memory_space<hbm>>) target(%dma_start3A_427 : memref<80x128xf32, #tpu.memory_space<vmem>>) target_semaphore(%dma_start3A_423 : memref<!tpu.dma_semaphore, #tpu.memory_space<semaphore_mem>>)
      %scan3A_430 = arith.constant 0 : i32
      %scan3A_431 = arith.constant 0 : i32
      %scan3A_432 = arith.constant 5 : i32
      %scan3A_433 = arith.addi %scan3A_431, %scan3A_432 : i32
      %scan3A_434 = arith.constant 1 : i32
      %scan3A_435 = scf.for %scan3A_437 = %scan3A_431 to %scan3A_433 step %scan3A_434 iter_args(%scan3A_438 = %scan3A_430) -> (i32)  : i32 {
        %mul3A_439 = arith.constant 16 : i32
        %mul3A_440 = arith.muli %scan3A_437, %mul3A_439 : i32
        %add3A_441 = arith.constant 160 : i32
        %add3A_442 = arith.addi %add3A_441, %mul3A_440 : i32
        %get3A_443 = arith.index_cast %add3A_442 : i32 to index
        %get3A_444 = tpu.vector_load %arg7[%get3A_443] {strides = array<i32>} : memref<640xi32, #tpu.memory_space<vmem>>, vector<16xi32>,
        %get3A_445 = vector.shape_cast %get3A_444 : vector<16xi32> to vector<16xi32>
        %mul3A_446 = arith.constant 16 : i32
        %mul3A_447 = arith.muli %scan3A_437, %mul3A_446 : i32
        %add3A_448 = arith.constant 160 : i32
        %add3A_449 = arith.addi %add3A_448, %mul3A_447 : i32
        %get3A_450 = arith.index_cast %add3A_449 : i32 to index
        %get3A_451 = tpu.vector_load %arg8[%get3A_450] {strides = array<i32>} : memref<640xi32, #tpu.memory_space<vmem>>, vector<16xi32>,
        %get3A_452 = vector.shape_cast %get3A_451 : vector<16xi32> to vector<16xi32>
        %sub3A = vector.broadcast %mul3A_0 : i32 to vector<16xi32>
        %sub3A_453 = arith.subi %get3A_452, %sub3A : vector<16xi32>
        %mul3A_454 = arith.constant 100 : i32
        %mul3A_455 = vector.broadcast %mul3A_454 : i32 to vector<16xi32>
        %mul3A_456 = arith.muli %sub3A_453, %mul3A_455 : vector<16xi32>
        %add3A_457 = arith.addi %mul3A_456, %get3A_445 : vector<16xi32>
        %sub3A_458 = arith.constant 1 : i32
        %sub3A_459 = vector.broadcast %sub3A_458 : i32 to vector<16xi32>
        %sub3A_460 = arith.subi %add3A_457, %sub3A_459 : vector<16xi32>
        %ge3A_461 = arith.constant 0 : i32
        %ge3A_462 = vector.broadcast %ge3A_461 : i32 to vector<16xi32>
        %ge3A_463 = arith.cmpi sge, %sub3A_460, %ge3A_462 : vector<16xi32>
        %lt3A_464 = arith.constant 3200 : i32
        %lt3A_465 = vector.broadcast %lt3A_464 : i32 to vector<16xi32>
        %lt3A_466 = arith.cmpi slt, %sub3A_460, %lt3A_465 : vector<16xi32>
        %and3A_467 = arith.andi %ge3A_463, %lt3A_466 : vector<16xi1>
        %jit3A = arith.constant 3200 : i32
        %broadcast_in_dim3A = vector.broadcast %jit3A : i32 to vector<16xi32>
        %select_n3A = arith.select %and3A_467, %sub3A_460, %broadcast_in_dim3A : vector<16xi1>, vector<16xi32>
        %mul3A_468 = arith.constant 16 : i32
        %mul3A_469 = arith.muli %scan3A_437, %mul3A_468 : i32
        %swap3A = arith.constant 2 : i32
        %swap3A_470 = arith.index_cast %swap3A : i32 to index
        %swap3A_471 = arith.index_cast %mul3A_469 : i32 to index
        %swap3A_472 = tpu.vector_load %arg9[%swap3A_470, %swap3A_471] {strides = array<i32>} : memref<8x80xi32, #tpu.memory_space<vmem>>, vector<1x16xi32>,
        %swap3A_473 = vector.shape_cast %swap3A_472 : vector<1x16xi32> to vector<16xi32>
        %swap3A_474 = vector.shape_cast %select_n3A : vector<16xi32> to vector<1x16xi32>
        tpu.vector_store %arg9[%swap3A_470, %swap3A_471], %swap3A_474 {strides = array<i32>} : memref<8x80xi32, #tpu.memory_space<vmem>>, vector<1x16xi32>,
        %scan3A_475 = arith.constant 0 : i32
        scf.yield %scan3A_475 : i32
      }
      %scan3A_436 = arith.constant 5 : i32
    } else {
    }
    %add3A_171 = arith.constant 48 : i32
    %add3A_172 = arith.addi %add3A_171, %arg1 : i32
    %lt3A_173 = arith.constant 125 : i32
    %lt3A_174 = arith.cmpi slt, %add3A_172, %lt3A_173 : i32
    %convert_element_type3A_175 = arith.extui %lt3A_174 : i1 to i32
    %cond3A_176 = arith.constant 0 : i32
    %cond3A_177 = arith.cmpi ne, %convert_element_type3A_175, %cond3A_176 : i32
    scf.if %cond3A_177 {
      %mul3A_412 = arith.constant 80 : i32
      %mul3A_413 = arith.muli %add3A_172, %mul3A_412 : i32
      %dma_wait3A_414 = arith.constant 240 : i32
      %dma_wait3A_415 = tpu.memref_slice %arg7[%dma_wait3A_414] : memref<640xi32, #tpu.memory_space<vmem>> -> memref<80xi32, #tpu.memory_space<vmem>>
      %dma_wait3A_416 = tpu.memref_slice %arg3[%mul3A_413] : memref<10000xi32, #tpu.memory_space<hbm>> -> memref<80xi32, #tpu.memory_space<hbm>>
      %dma_wait3A_417 = arith.constant 240 : i32
      %dma_wait3A_418 = tpu.memref_slice %arg7[%dma_wait3A_417] : memref<640xi32, #tpu.memory_space<vmem>> -> memref<80xi32, #tpu.memory_space<vmem>>
      %dma_wait3A_419 = tpu.memref_slice %arg3[%mul3A_413] : memref<10000xi32, #tpu.memory_space<hbm>> -> memref<80xi32, #tpu.memory_space<hbm>>
      tpu.wait_dma2 semaphore(%arg12 : memref<!tpu.dma_semaphore, #tpu.memory_space<semaphore_mem>>) src(%dma_wait3A_419 : memref<80xi32, #tpu.memory_space<hbm>>) dst(%dma_wait3A_418 : memref<80xi32, #tpu.memory_space<vmem>>)
      %mul3A_420 = arith.constant 80 : i32
      %mul3A_421 = arith.muli %add3A_172, %mul3A_420 : i32
      %dma_wait3A_422 = arith.constant 240 : i32
      %dma_wait3A_423 = tpu.memref_slice %arg8[%dma_wait3A_422] : memref<640xi32, #tpu.memory_space<vmem>> -> memref<80xi32, #tpu.memory_space<vmem>>
      %dma_wait3A_424 = tpu.memref_slice %arg4[%mul3A_421] : memref<10000xi32, #tpu.memory_space<hbm>> -> memref<80xi32, #tpu.memory_space<hbm>>
      %dma_wait3A_425 = arith.constant 240 : i32
      %dma_wait3A_426 = tpu.memref_slice %arg8[%dma_wait3A_425] : memref<640xi32, #tpu.memory_space<vmem>> -> memref<80xi32, #tpu.memory_space<vmem>>
      %dma_wait3A_427 = tpu.memref_slice %arg4[%mul3A_421] : memref<10000xi32, #tpu.memory_space<hbm>> -> memref<80xi32, #tpu.memory_space<hbm>>
      tpu.wait_dma2 semaphore(%arg12 : memref<!tpu.dma_semaphore, #tpu.memory_space<semaphore_mem>>) src(%dma_wait3A_427 : memref<80xi32, #tpu.memory_space<hbm>>) dst(%dma_wait3A_426 : memref<80xi32, #tpu.memory_space<vmem>>)
    } else {
    }
    %get3A_178 = arith.constant 240 : index
    %get3A_179 = tpu.vector_load %arg8[%get3A_178] {strides = array<i32>} : memref<640xi32, #tpu.memory_space<vmem>>, vector<16xi32>,
    %get3A_180 = vector.shape_cast %get3A_179 : vector<16xi32> to vector<16xi32>
    %slice3A_181 = vector.extract_strided_slice %get3A_180 {offsets = [0], sizes = [1], strides = [1]} : vector<16xi32> to vector<1xi32>
    %squeeze3A_182 = vector.extract %slice3A_181[0] : i32 from vector<1xi32>
    %get3A_183 = arith.constant 304 : index
    %get3A_184 = tpu.vector_load %arg8[%get3A_183] {strides = array<i32>} : memref<640xi32, #tpu.memory_space<vmem>>, vector<16xi32>,
    %get3A_185 = vector.shape_cast %get3A_184 : vector<16xi32> to vector<16xi32>
    %slice3A_186 = vector.extract_strided_slice %get3A_185 {offsets = [15], sizes = [1], strides = [1]} : vector<16xi32> to vector<1xi32>
    %squeeze3A_187 = vector.extract %slice3A_186[0] : i32 from vector<1xi32>
    %ge3A_188 = arith.cmpi sge, %squeeze3A_187, %mul3A_0 : i32
    %add3A_189 = arith.constant 32 : i32
    %add3A_190 = arith.addi %mul3A_0, %add3A_189 : i32
    %lt3A_191 = arith.cmpi slt, %squeeze3A_182, %add3A_190 : i32
    %and3A_192 = arith.andi %ge3A_188, %lt3A_191 : i1
    %and3A_193 = arith.andi %lt3A_174, %and3A_192 : i1
    %convert_element_type3A_194 = arith.extui %and3A_193 : i1 to i32
    %cond3A_195 = arith.constant 0 : i32
    %cond3A_196 = arith.cmpi ne, %convert_element_type3A_194, %cond3A_195 : i32
    scf.if %cond3A_196 {
      %mul3A_412 = arith.constant 80 : i32
      %mul3A_413 = arith.muli %add3A_172, %mul3A_412 : i32
      %dma_start3A_414 = arith.constant 3 : i32
      %dma_start3A_415 = arith.constant 3 : i32
      %dma_start3A_416 = arith.constant 0 : i32
      %dma_start3A_417 = arith.constant 0 : i32
      %dma_start3A_418 = tpu.memref_slice %arg10[%dma_start3A_414, %dma_start3A_416, %dma_start3A_417] : memref<8x80x128xf32, #tpu.memory_space<vmem>> -> memref<1x80x128xf32, #tpu.memory_space<vmem>>
      %dma_start3A_419 = tpu.memref_squeeze %dma_start3A_418 : memref<1x80x128xf32, #tpu.memory_space<vmem>> -> memref<80x128xf32, #tpu.memory_space<vmem>>
      %dma_start3A_420 = arith.constant 0 : i32
      %dma_start3A_421 = tpu.memref_slice %arg2[%mul3A_413, %dma_start3A_420] : memref<10000x128xf32, #tpu.memory_space<hbm>> -> memref<80x128xf32, #tpu.memory_space<hbm>>
      %dma_start3A_422 = tpu.memref_slice %arg14[%dma_start3A_415] : memref<8x!tpu.dma_semaphore, #tpu.memory_space<semaphore_mem>> -> memref<1x!tpu.dma_semaphore, #tpu.memory_space<semaphore_mem>>
      %dma_start3A_423 = tpu.memref_squeeze %dma_start3A_422 : memref<1x!tpu.dma_semaphore, #tpu.memory_space<semaphore_mem>> -> memref<!tpu.dma_semaphore, #tpu.memory_space<semaphore_mem>>
      %dma_start3A_424 = arith.constant 0 : i32
      %dma_start3A_425 = arith.constant 0 : i32
      %dma_start3A_426 = tpu.memref_slice %arg10[%dma_start3A_414, %dma_start3A_424, %dma_start3A_425] : memref<8x80x128xf32, #tpu.memory_space<vmem>> -> memref<1x80x128xf32, #tpu.memory_space<vmem>>
      %dma_start3A_427 = tpu.memref_squeeze %dma_start3A_426 : memref<1x80x128xf32, #tpu.memory_space<vmem>> -> memref<80x128xf32, #tpu.memory_space<vmem>>
      %dma_start3A_428 = arith.constant 0 : i32
      %dma_start3A_429 = tpu.memref_slice %arg2[%mul3A_413, %dma_start3A_428] : memref<10000x128xf32, #tpu.memory_space<hbm>> -> memref<80x128xf32, #tpu.memory_space<hbm>>
      tpu.enqueue_dma source(%dma_start3A_429 : memref<80x128xf32, #tpu.memory_space<hbm>>) target(%dma_start3A_427 : memref<80x128xf32, #tpu.memory_space<vmem>>) target_semaphore(%dma_start3A_423 : memref<!tpu.dma_semaphore, #tpu.memory_space<semaphore_mem>>)
      %scan3A_430 = arith.constant 0 : i32
      %scan3A_431 = arith.constant 0 : i32
      %scan3A_432 = arith.constant 5 : i32
      %scan3A_433 = arith.addi %scan3A_431, %scan3A_432 : i32
      %scan3A_434 = arith.constant 1 : i32
      %scan3A_435 = scf.for %scan3A_437 = %scan3A_431 to %scan3A_433 step %scan3A_434 iter_args(%scan3A_438 = %scan3A_430) -> (i32)  : i32 {
        %mul3A_439 = arith.constant 16 : i32
        %mul3A_440 = arith.muli %scan3A_437, %mul3A_439 : i32
        %add3A_441 = arith.constant 240 : i32
        %add3A_442 = arith.addi %add3A_441, %mul3A_440 : i32
        %get3A_443 = arith.index_cast %add3A_442 : i32 to index
        %get3A_444 = tpu.vector_load %arg7[%get3A_443] {strides = array<i32>} : memref<640xi32, #tpu.memory_space<vmem>>, vector<16xi32>,
        %get3A_445 = vector.shape_cast %get3A_444 : vector<16xi32> to vector<16xi32>
        %mul3A_446 = arith.constant 16 : i32
        %mul3A_447 = arith.muli %scan3A_437, %mul3A_446 : i32
        %add3A_448 = arith.constant 240 : i32
        %add3A_449 = arith.addi %add3A_448, %mul3A_447 : i32
        %get3A_450 = arith.index_cast %add3A_449 : i32 to index
        %get3A_451 = tpu.vector_load %arg8[%get3A_450] {strides = array<i32>} : memref<640xi32, #tpu.memory_space<vmem>>, vector<16xi32>,
        %get3A_452 = vector.shape_cast %get3A_451 : vector<16xi32> to vector<16xi32>
        %sub3A = vector.broadcast %mul3A_0 : i32 to vector<16xi32>
        %sub3A_453 = arith.subi %get3A_452, %sub3A : vector<16xi32>
        %mul3A_454 = arith.constant 100 : i32
        %mul3A_455 = vector.broadcast %mul3A_454 : i32 to vector<16xi32>
        %mul3A_456 = arith.muli %sub3A_453, %mul3A_455 : vector<16xi32>
        %add3A_457 = arith.addi %mul3A_456, %get3A_445 : vector<16xi32>
        %sub3A_458 = arith.constant 1 : i32
        %sub3A_459 = vector.broadcast %sub3A_458 : i32 to vector<16xi32>
        %sub3A_460 = arith.subi %add3A_457, %sub3A_459 : vector<16xi32>
        %ge3A_461 = arith.constant 0 : i32
        %ge3A_462 = vector.broadcast %ge3A_461 : i32 to vector<16xi32>
        %ge3A_463 = arith.cmpi sge, %sub3A_460, %ge3A_462 : vector<16xi32>
        %lt3A_464 = arith.constant 3200 : i32
        %lt3A_465 = vector.broadcast %lt3A_464 : i32 to vector<16xi32>
        %lt3A_466 = arith.cmpi slt, %sub3A_460, %lt3A_465 : vector<16xi32>
        %and3A_467 = arith.andi %ge3A_463, %lt3A_466 : vector<16xi1>
        %jit3A = arith.constant 3200 : i32
        %broadcast_in_dim3A = vector.broadcast %jit3A : i32 to vector<16xi32>
        %select_n3A = arith.select %and3A_467, %sub3A_460, %broadcast_in_dim3A : vector<16xi1>, vector<16xi32>
        %mul3A_468 = arith.constant 16 : i32
        %mul3A_469 = arith.muli %scan3A_437, %mul3A_468 : i32
        %swap3A = arith.constant 3 : i32
        %swap3A_470 = arith.index_cast %swap3A : i32 to index
        %swap3A_471 = arith.index_cast %mul3A_469 : i32 to index
        %swap3A_472 = tpu.vector_load %arg9[%swap3A_470, %swap3A_471] {strides = array<i32>} : memref<8x80xi32, #tpu.memory_space<vmem>>, vector<1x16xi32>,
        %swap3A_473 = vector.shape_cast %swap3A_472 : vector<1x16xi32> to vector<16xi32>
        %swap3A_474 = vector.shape_cast %select_n3A : vector<16xi32> to vector<1x16xi32>
        tpu.vector_store %arg9[%swap3A_470, %swap3A_471], %swap3A_474 {strides = array<i32>} : memref<8x80xi32, #tpu.memory_space<vmem>>, vector<1x16xi32>,
        %scan3A_475 = arith.constant 0 : i32
        scf.yield %scan3A_475 : i32
      }
      %scan3A_436 = arith.constant 5 : i32
    } else {
    }
    %add3A_197 = arith.constant 64 : i32
    %add3A_198 = arith.addi %add3A_197, %arg1 : i32
    %lt3A_199 = arith.constant 125 : i32
    %lt3A_200 = arith.cmpi slt, %add3A_198, %lt3A_199 : i32
    %convert_element_type3A_201 = arith.extui %lt3A_200 : i1 to i32
    %cond3A_202 = arith.constant 0 : i32
    %cond3A_203 = arith.cmpi ne, %convert_element_type3A_201, %cond3A_202 : i32
    scf.if %cond3A_203 {
      %mul3A_412 = arith.constant 80 : i32
      %mul3A_413 = arith.muli %add3A_198, %mul3A_412 : i32
      %dma_wait3A_414 = arith.constant 320 : i32
      %dma_wait3A_415 = tpu.memref_slice %arg7[%dma_wait3A_414] : memref<640xi32, #tpu.memory_space<vmem>> -> memref<80xi32, #tpu.memory_space<vmem>>
      %dma_wait3A_416 = tpu.memref_slice %arg3[%mul3A_413] : memref<10000xi32, #tpu.memory_space<hbm>> -> memref<80xi32, #tpu.memory_space<hbm>>
      %dma_wait3A_417 = arith.constant 320 : i32
      %dma_wait3A_418 = tpu.memref_slice %arg7[%dma_wait3A_417] : memref<640xi32, #tpu.memory_space<vmem>> -> memref<80xi32, #tpu.memory_space<vmem>>
      %dma_wait3A_419 = tpu.memref_slice %arg3[%mul3A_413] : memref<10000xi32, #tpu.memory_space<hbm>> -> memref<80xi32, #tpu.memory_space<hbm>>
      tpu.wait_dma2 semaphore(%arg12 : memref<!tpu.dma_semaphore, #tpu.memory_space<semaphore_mem>>) src(%dma_wait3A_419 : memref<80xi32, #tpu.memory_space<hbm>>) dst(%dma_wait3A_418 : memref<80xi32, #tpu.memory_space<vmem>>)
      %mul3A_420 = arith.constant 80 : i32
      %mul3A_421 = arith.muli %add3A_198, %mul3A_420 : i32
      %dma_wait3A_422 = arith.constant 320 : i32
      %dma_wait3A_423 = tpu.memref_slice %arg8[%dma_wait3A_422] : memref<640xi32, #tpu.memory_space<vmem>> -> memref<80xi32, #tpu.memory_space<vmem>>
      %dma_wait3A_424 = tpu.memref_slice %arg4[%mul3A_421] : memref<10000xi32, #tpu.memory_space<hbm>> -> memref<80xi32, #tpu.memory_space<hbm>>
      %dma_wait3A_425 = arith.constant 320 : i32
      %dma_wait3A_426 = tpu.memref_slice %arg8[%dma_wait3A_425] : memref<640xi32, #tpu.memory_space<vmem>> -> memref<80xi32, #tpu.memory_space<vmem>>
      %dma_wait3A_427 = tpu.memref_slice %arg4[%mul3A_421] : memref<10000xi32, #tpu.memory_space<hbm>> -> memref<80xi32, #tpu.memory_space<hbm>>
      tpu.wait_dma2 semaphore(%arg12 : memref<!tpu.dma_semaphore, #tpu.memory_space<semaphore_mem>>) src(%dma_wait3A_427 : memref<80xi32, #tpu.memory_space<hbm>>) dst(%dma_wait3A_426 : memref<80xi32, #tpu.memory_space<vmem>>)
    } else {
    }
    %get3A_204 = arith.constant 320 : index
    %get3A_205 = tpu.vector_load %arg8[%get3A_204] {strides = array<i32>} : memref<640xi32, #tpu.memory_space<vmem>>, vector<16xi32>,
    %get3A_206 = vector.shape_cast %get3A_205 : vector<16xi32> to vector<16xi32>
    %slice3A_207 = vector.extract_strided_slice %get3A_206 {offsets = [0], sizes = [1], strides = [1]} : vector<16xi32> to vector<1xi32>
    %squeeze3A_208 = vector.extract %slice3A_207[0] : i32 from vector<1xi32>
    %get3A_209 = arith.constant 384 : index
    %get3A_210 = tpu.vector_load %arg8[%get3A_209] {strides = array<i32>} : memref<640xi32, #tpu.memory_space<vmem>>, vector<16xi32>,
    %get3A_211 = vector.shape_cast %get3A_210 : vector<16xi32> to vector<16xi32>
    %slice3A_212 = vector.extract_strided_slice %get3A_211 {offsets = [15], sizes = [1], strides = [1]} : vector<16xi32> to vector<1xi32>
    %squeeze3A_213 = vector.extract %slice3A_212[0] : i32 from vector<1xi32>
    %ge3A_214 = arith.cmpi sge, %squeeze3A_213, %mul3A_0 : i32
    %add3A_215 = arith.constant 32 : i32
    %add3A_216 = arith.addi %mul3A_0, %add3A_215 : i32
    %lt3A_217 = arith.cmpi slt, %squeeze3A_208, %add3A_216 : i32
    %and3A_218 = arith.andi %ge3A_214, %lt3A_217 : i1
    %and3A_219 = arith.andi %lt3A_200, %and3A_218 : i1
    %convert_element_type3A_220 = arith.extui %and3A_219 : i1 to i32
    %cond3A_221 = arith.constant 0 : i32
    %cond3A_222 = arith.cmpi ne, %convert_element_type3A_220, %cond3A_221 : i32
    scf.if %cond3A_222 {
      %mul3A_412 = arith.constant 80 : i32
      %mul3A_413 = arith.muli %add3A_198, %mul3A_412 : i32
      %dma_start3A_414 = arith.constant 4 : i32
      %dma_start3A_415 = arith.constant 4 : i32
      %dma_start3A_416 = arith.constant 0 : i32
      %dma_start3A_417 = arith.constant 0 : i32
      %dma_start3A_418 = tpu.memref_slice %arg10[%dma_start3A_414, %dma_start3A_416, %dma_start3A_417] : memref<8x80x128xf32, #tpu.memory_space<vmem>> -> memref<1x80x128xf32, #tpu.memory_space<vmem>>
      %dma_start3A_419 = tpu.memref_squeeze %dma_start3A_418 : memref<1x80x128xf32, #tpu.memory_space<vmem>> -> memref<80x128xf32, #tpu.memory_space<vmem>>
      %dma_start3A_420 = arith.constant 0 : i32
      %dma_start3A_421 = tpu.memref_slice %arg2[%mul3A_413, %dma_start3A_420] : memref<10000x128xf32, #tpu.memory_space<hbm>> -> memref<80x128xf32, #tpu.memory_space<hbm>>
      %dma_start3A_422 = tpu.memref_slice %arg14[%dma_start3A_415] : memref<8x!tpu.dma_semaphore, #tpu.memory_space<semaphore_mem>> -> memref<1x!tpu.dma_semaphore, #tpu.memory_space<semaphore_mem>>
      %dma_start3A_423 = tpu.memref_squeeze %dma_start3A_422 : memref<1x!tpu.dma_semaphore, #tpu.memory_space<semaphore_mem>> -> memref<!tpu.dma_semaphore, #tpu.memory_space<semaphore_mem>>
      %dma_start3A_424 = arith.constant 0 : i32
      %dma_start3A_425 = arith.constant 0 : i32
      %dma_start3A_426 = tpu.memref_slice %arg10[%dma_start3A_414, %dma_start3A_424, %dma_start3A_425] : memref<8x80x128xf32, #tpu.memory_space<vmem>> -> memref<1x80x128xf32, #tpu.memory_space<vmem>>
      %dma_start3A_427 = tpu.memref_squeeze %dma_start3A_426 : memref<1x80x128xf32, #tpu.memory_space<vmem>> -> memref<80x128xf32, #tpu.memory_space<vmem>>
      %dma_start3A_428 = arith.constant 0 : i32
      %dma_start3A_429 = tpu.memref_slice %arg2[%mul3A_413, %dma_start3A_428] : memref<10000x128xf32, #tpu.memory_space<hbm>> -> memref<80x128xf32, #tpu.memory_space<hbm>>
      tpu.enqueue_dma source(%dma_start3A_429 : memref<80x128xf32, #tpu.memory_space<hbm>>) target(%dma_start3A_427 : memref<80x128xf32, #tpu.memory_space<vmem>>) target_semaphore(%dma_start3A_423 : memref<!tpu.dma_semaphore, #tpu.memory_space<semaphore_mem>>)
      %scan3A_430 = arith.constant 0 : i32
      %scan3A_431 = arith.constant 0 : i32
      %scan3A_432 = arith.constant 5 : i32
      %scan3A_433 = arith.addi %scan3A_431, %scan3A_432 : i32
      %scan3A_434 = arith.constant 1 : i32
      %scan3A_435 = scf.for %scan3A_437 = %scan3A_431 to %scan3A_433 step %scan3A_434 iter_args(%scan3A_438 = %scan3A_430) -> (i32)  : i32 {
        %mul3A_439 = arith.constant 16 : i32
        %mul3A_440 = arith.muli %scan3A_437, %mul3A_439 : i32
        %add3A_441 = arith.constant 320 : i32
        %add3A_442 = arith.addi %add3A_441, %mul3A_440 : i32
        %get3A_443 = arith.index_cast %add3A_442 : i32 to index
        %get3A_444 = tpu.vector_load %arg7[%get3A_443] {strides = array<i32>} : memref<640xi32, #tpu.memory_space<vmem>>, vector<16xi32>,
        %get3A_445 = vector.shape_cast %get3A_444 : vector<16xi32> to vector<16xi32>
        %mul3A_446 = arith.constant 16 : i32
        %mul3A_447 = arith.muli %scan3A_437, %mul3A_446 : i32
        %add3A_448 = arith.constant 320 : i32
        %add3A_449 = arith.addi %add3A_448, %mul3A_447 : i32
        %get3A_450 = arith.index_cast %add3A_449 : i32 to index
        %get3A_451 = tpu.vector_load %arg8[%get3A_450] {strides = array<i32>} : memref<640xi32, #tpu.memory_space<vmem>>, vector<16xi32>,
        %get3A_452 = vector.shape_cast %get3A_451 : vector<16xi32> to vector<16xi32>
        %sub3A = vector.broadcast %mul3A_0 : i32 to vector<16xi32>
        %sub3A_453 = arith.subi %get3A_452, %sub3A : vector<16xi32>
        %mul3A_454 = arith.constant 100 : i32
        %mul3A_455 = vector.broadcast %mul3A_454 : i32 to vector<16xi32>
        %mul3A_456 = arith.muli %sub3A_453, %mul3A_455 : vector<16xi32>
        %add3A_457 = arith.addi %mul3A_456, %get3A_445 : vector<16xi32>
        %sub3A_458 = arith.constant 1 : i32
        %sub3A_459 = vector.broadcast %sub3A_458 : i32 to vector<16xi32>
        %sub3A_460 = arith.subi %add3A_457, %sub3A_459 : vector<16xi32>
        %ge3A_461 = arith.constant 0 : i32
        %ge3A_462 = vector.broadcast %ge3A_461 : i32 to vector<16xi32>
        %ge3A_463 = arith.cmpi sge, %sub3A_460, %ge3A_462 : vector<16xi32>
        %lt3A_464 = arith.constant 3200 : i32
        %lt3A_465 = vector.broadcast %lt3A_464 : i32 to vector<16xi32>
        %lt3A_466 = arith.cmpi slt, %sub3A_460, %lt3A_465 : vector<16xi32>
        %and3A_467 = arith.andi %ge3A_463, %lt3A_466 : vector<16xi1>
        %jit3A = arith.constant 3200 : i32
        %broadcast_in_dim3A = vector.broadcast %jit3A : i32 to vector<16xi32>
        %select_n3A = arith.select %and3A_467, %sub3A_460, %broadcast_in_dim3A : vector<16xi1>, vector<16xi32>
        %mul3A_468 = arith.constant 16 : i32
        %mul3A_469 = arith.muli %scan3A_437, %mul3A_468 : i32
        %swap3A = arith.constant 4 : i32
        %swap3A_470 = arith.index_cast %swap3A : i32 to index
        %swap3A_471 = arith.index_cast %mul3A_469 : i32 to index
        %swap3A_472 = tpu.vector_load %arg9[%swap3A_470, %swap3A_471] {strides = array<i32>} : memref<8x80xi32, #tpu.memory_space<vmem>>, vector<1x16xi32>,
        %swap3A_473 = vector.shape_cast %swap3A_472 : vector<1x16xi32> to vector<16xi32>
        %swap3A_474 = vector.shape_cast %select_n3A : vector<16xi32> to vector<1x16xi32>
        tpu.vector_store %arg9[%swap3A_470, %swap3A_471], %swap3A_474 {strides = array<i32>} : memref<8x80xi32, #tpu.memory_space<vmem>>, vector<1x16xi32>,
        %scan3A_475 = arith.constant 0 : i32
        scf.yield %scan3A_475 : i32
      }
      %scan3A_436 = arith.constant 5 : i32
    } else {
    }
    %add3A_223 = arith.constant 80 : i32
    %add3A_224 = arith.addi %add3A_223, %arg1 : i32
    %lt3A_225 = arith.constant 125 : i32
    %lt3A_226 = arith.cmpi slt, %add3A_224, %lt3A_225 : i32
    %convert_element_type3A_227 = arith.extui %lt3A_226 : i1 to i32
    %cond3A_228 = arith.constant 0 : i32
    %cond3A_229 = arith.cmpi ne, %convert_element_type3A_227, %cond3A_228 : i32
    scf.if %cond3A_229 {
      %mul3A_412 = arith.constant 80 : i32
      %mul3A_413 = arith.muli %add3A_224, %mul3A_412 : i32
      %dma_wait3A_414 = arith.constant 400 : i32
      %dma_wait3A_415 = tpu.memref_slice %arg7[%dma_wait3A_414] : memref<640xi32, #tpu.memory_space<vmem>> -> memref<80xi32, #tpu.memory_space<vmem>>
      %dma_wait3A_416 = tpu.memref_slice %arg3[%mul3A_413] : memref<10000xi32, #tpu.memory_space<hbm>> -> memref<80xi32, #tpu.memory_space<hbm>>
      %dma_wait3A_417 = arith.constant 400 : i32
      %dma_wait3A_418 = tpu.memref_slice %arg7[%dma_wait3A_417] : memref<640xi32, #tpu.memory_space<vmem>> -> memref<80xi32, #tpu.memory_space<vmem>>
      %dma_wait3A_419 = tpu.memref_slice %arg3[%mul3A_413] : memref<10000xi32, #tpu.memory_space<hbm>> -> memref<80xi32, #tpu.memory_space<hbm>>
      tpu.wait_dma2 semaphore(%arg12 : memref<!tpu.dma_semaphore, #tpu.memory_space<semaphore_mem>>) src(%dma_wait3A_419 : memref<80xi32, #tpu.memory_space<hbm>>) dst(%dma_wait3A_418 : memref<80xi32, #tpu.memory_space<vmem>>)
      %mul3A_420 = arith.constant 80 : i32
      %mul3A_421 = arith.muli %add3A_224, %mul3A_420 : i32
      %dma_wait3A_422 = arith.constant 400 : i32
      %dma_wait3A_423 = tpu.memref_slice %arg8[%dma_wait3A_422] : memref<640xi32, #tpu.memory_space<vmem>> -> memref<80xi32, #tpu.memory_space<vmem>>
      %dma_wait3A_424 = tpu.memref_slice %arg4[%mul3A_421] : memref<10000xi32, #tpu.memory_space<hbm>> -> memref<80xi32, #tpu.memory_space<hbm>>
      %dma_wait3A_425 = arith.constant 400 : i32
      %dma_wait3A_426 = tpu.memref_slice %arg8[%dma_wait3A_425] : memref<640xi32, #tpu.memory_space<vmem>> -> memref<80xi32, #tpu.memory_space<vmem>>
      %dma_wait3A_427 = tpu.memref_slice %arg4[%mul3A_421] : memref<10000xi32, #tpu.memory_space<hbm>> -> memref<80xi32, #tpu.memory_space<hbm>>
      tpu.wait_dma2 semaphore(%arg12 : memref<!tpu.dma_semaphore, #tpu.memory_space<semaphore_mem>>) src(%dma_wait3A_427 : memref<80xi32, #tpu.memory_space<hbm>>) dst(%dma_wait3A_426 : memref<80xi32, #tpu.memory_space<vmem>>)
    } else {
    }
    %get3A_230 = arith.constant 400 : index
    %get3A_231 = tpu.vector_load %arg8[%get3A_230] {strides = array<i32>} : memref<640xi32, #tpu.memory_space<vmem>>, vector<16xi32>,
    %get3A_232 = vector.shape_cast %get3A_231 : vector<16xi32> to vector<16xi32>
    %slice3A_233 = vector.extract_strided_slice %get3A_232 {offsets = [0], sizes = [1], strides = [1]} : vector<16xi32> to vector<1xi32>
    %squeeze3A_234 = vector.extract %slice3A_233[0] : i32 from vector<1xi32>
    %get3A_235 = arith.constant 464 : index
    %get3A_236 = tpu.vector_load %arg8[%get3A_235] {strides = array<i32>} : memref<640xi32, #tpu.memory_space<vmem>>, vector<16xi32>,
    %get3A_237 = vector.shape_cast %get3A_236 : vector<16xi32> to vector<16xi32>
    %slice3A_238 = vector.extract_strided_slice %get3A_237 {offsets = [15], sizes = [1], strides = [1]} : vector<16xi32> to vector<1xi32>
    %squeeze3A_239 = vector.extract %slice3A_238[0] : i32 from vector<1xi32>
    %ge3A_240 = arith.cmpi sge, %squeeze3A_239, %mul3A_0 : i32
    %add3A_241 = arith.constant 32 : i32
    %add3A_242 = arith.addi %mul3A_0, %add3A_241 : i32
    %lt3A_243 = arith.cmpi slt, %squeeze3A_234, %add3A_242 : i32
    %and3A_244 = arith.andi %ge3A_240, %lt3A_243 : i1
    %and3A_245 = arith.andi %lt3A_226, %and3A_244 : i1
    %convert_element_type3A_246 = arith.extui %and3A_245 : i1 to i32
    %cond3A_247 = arith.constant 0 : i32
    %cond3A_248 = arith.cmpi ne, %convert_element_type3A_246, %cond3A_247 : i32
    scf.if %cond3A_248 {
      %mul3A_412 = arith.constant 80 : i32
      %mul3A_413 = arith.muli %add3A_224, %mul3A_412 : i32
      %dma_start3A_414 = arith.constant 5 : i32
      %dma_start3A_415 = arith.constant 5 : i32
      %dma_start3A_416 = arith.constant 0 : i32
      %dma_start3A_417 = arith.constant 0 : i32
      %dma_start3A_418 = tpu.memref_slice %arg10[%dma_start3A_414, %dma_start3A_416, %dma_start3A_417] : memref<8x80x128xf32, #tpu.memory_space<vmem>> -> memref<1x80x128xf32, #tpu.memory_space<vmem>>
      %dma_start3A_419 = tpu.memref_squeeze %dma_start3A_418 : memref<1x80x128xf32, #tpu.memory_space<vmem>> -> memref<80x128xf32, #tpu.memory_space<vmem>>
      %dma_start3A_420 = arith.constant 0 : i32
      %dma_start3A_421 = tpu.memref_slice %arg2[%mul3A_413, %dma_start3A_420] : memref<10000x128xf32, #tpu.memory_space<hbm>> -> memref<80x128xf32, #tpu.memory_space<hbm>>
      %dma_start3A_422 = tpu.memref_slice %arg14[%dma_start3A_415] : memref<8x!tpu.dma_semaphore, #tpu.memory_space<semaphore_mem>> -> memref<1x!tpu.dma_semaphore, #tpu.memory_space<semaphore_mem>>
      %dma_start3A_423 = tpu.memref_squeeze %dma_start3A_422 : memref<1x!tpu.dma_semaphore, #tpu.memory_space<semaphore_mem>> -> memref<!tpu.dma_semaphore, #tpu.memory_space<semaphore_mem>>
      %dma_start3A_424 = arith.constant 0 : i32
      %dma_start3A_425 = arith.constant 0 : i32
      %dma_start3A_426 = tpu.memref_slice %arg10[%dma_start3A_414, %dma_start3A_424, %dma_start3A_425] : memref<8x80x128xf32, #tpu.memory_space<vmem>> -> memref<1x80x128xf32, #tpu.memory_space<vmem>>
      %dma_start3A_427 = tpu.memref_squeeze %dma_start3A_426 : memref<1x80x128xf32, #tpu.memory_space<vmem>> -> memref<80x128xf32, #tpu.memory_space<vmem>>
      %dma_start3A_428 = arith.constant 0 : i32
      %dma_start3A_429 = tpu.memref_slice %arg2[%mul3A_413, %dma_start3A_428] : memref<10000x128xf32, #tpu.memory_space<hbm>> -> memref<80x128xf32, #tpu.memory_space<hbm>>
      tpu.enqueue_dma source(%dma_start3A_429 : memref<80x128xf32, #tpu.memory_space<hbm>>) target(%dma_start3A_427 : memref<80x128xf32, #tpu.memory_space<vmem>>) target_semaphore(%dma_start3A_423 : memref<!tpu.dma_semaphore, #tpu.memory_space<semaphore_mem>>)
      %scan3A_430 = arith.constant 0 : i32
      %scan3A_431 = arith.constant 0 : i32
      %scan3A_432 = arith.constant 5 : i32
      %scan3A_433 = arith.addi %scan3A_431, %scan3A_432 : i32
      %scan3A_434 = arith.constant 1 : i32
      %scan3A_435 = scf.for %scan3A_437 = %scan3A_431 to %scan3A_433 step %scan3A_434 iter_args(%scan3A_438 = %scan3A_430) -> (i32)  : i32 {
        %mul3A_439 = arith.constant 16 : i32
        %mul3A_440 = arith.muli %scan3A_437, %mul3A_439 : i32
        %add3A_441 = arith.constant 400 : i32
        %add3A_442 = arith.addi %add3A_441, %mul3A_440 : i32
        %get3A_443 = arith.index_cast %add3A_442 : i32 to index
        %get3A_444 = tpu.vector_load %arg7[%get3A_443] {strides = array<i32>} : memref<640xi32, #tpu.memory_space<vmem>>, vector<16xi32>,
        %get3A_445 = vector.shape_cast %get3A_444 : vector<16xi32> to vector<16xi32>
        %mul3A_446 = arith.constant 16 : i32
        %mul3A_447 = arith.muli %scan3A_437, %mul3A_446 : i32
        %add3A_448 = arith.constant 400 : i32
        %add3A_449 = arith.addi %add3A_448, %mul3A_447 : i32
        %get3A_450 = arith.index_cast %add3A_449 : i32 to index
        %get3A_451 = tpu.vector_load %arg8[%get3A_450] {strides = array<i32>} : memref<640xi32, #tpu.memory_space<vmem>>, vector<16xi32>,
        %get3A_452 = vector.shape_cast %get3A_451 : vector<16xi32> to vector<16xi32>
        %sub3A = vector.broadcast %mul3A_0 : i32 to vector<16xi32>
        %sub3A_453 = arith.subi %get3A_452, %sub3A : vector<16xi32>
        %mul3A_454 = arith.constant 100 : i32
        %mul3A_455 = vector.broadcast %mul3A_454 : i32 to vector<16xi32>
        %mul3A_456 = arith.muli %sub3A_453, %mul3A_455 : vector<16xi32>
        %add3A_457 = arith.addi %mul3A_456, %get3A_445 : vector<16xi32>
        %sub3A_458 = arith.constant 1 : i32
        %sub3A_459 = vector.broadcast %sub3A_458 : i32 to vector<16xi32>
        %sub3A_460 = arith.subi %add3A_457, %sub3A_459 : vector<16xi32>
        %ge3A_461 = arith.constant 0 : i32
        %ge3A_462 = vector.broadcast %ge3A_461 : i32 to vector<16xi32>
        %ge3A_463 = arith.cmpi sge, %sub3A_460, %ge3A_462 : vector<16xi32>
        %lt3A_464 = arith.constant 3200 : i32
        %lt3A_465 = vector.broadcast %lt3A_464 : i32 to vector<16xi32>
        %lt3A_466 = arith.cmpi slt, %sub3A_460, %lt3A_465 : vector<16xi32>
        %and3A_467 = arith.andi %ge3A_463, %lt3A_466 : vector<16xi1>
        %jit3A = arith.constant 3200 : i32
        %broadcast_in_dim3A = vector.broadcast %jit3A : i32 to vector<16xi32>
        %select_n3A = arith.select %and3A_467, %sub3A_460, %broadcast_in_dim3A : vector<16xi1>, vector<16xi32>
        %mul3A_468 = arith.constant 16 : i32
        %mul3A_469 = arith.muli %scan3A_437, %mul3A_468 : i32
        %swap3A = arith.constant 5 : i32
        %swap3A_470 = arith.index_cast %swap3A : i32 to index
        %swap3A_471 = arith.index_cast %mul3A_469 : i32 to index
        %swap3A_472 = tpu.vector_load %arg9[%swap3A_470, %swap3A_471] {strides = array<i32>} : memref<8x80xi32, #tpu.memory_space<vmem>>, vector<1x16xi32>,
        %swap3A_473 = vector.shape_cast %swap3A_472 : vector<1x16xi32> to vector<16xi32>
        %swap3A_474 = vector.shape_cast %select_n3A : vector<16xi32> to vector<1x16xi32>
        tpu.vector_store %arg9[%swap3A_470, %swap3A_471], %swap3A_474 {strides = array<i32>} : memref<8x80xi32, #tpu.memory_space<vmem>>, vector<1x16xi32>,
        %scan3A_475 = arith.constant 0 : i32
        scf.yield %scan3A_475 : i32
      }
      %scan3A_436 = arith.constant 5 : i32
    } else {
    }
    %add3A_249 = arith.constant 96 : i32
    %add3A_250 = arith.addi %add3A_249, %arg1 : i32
    %lt3A_251 = arith.constant 125 : i32
    %lt3A_252 = arith.cmpi slt, %add3A_250, %lt3A_251 : i32
    %convert_element_type3A_253 = arith.extui %lt3A_252 : i1 to i32
    %cond3A_254 = arith.constant 0 : i32
    %cond3A_255 = arith.cmpi ne, %convert_element_type3A_253, %cond3A_254 : i32
    scf.if %cond3A_255 {
      %mul3A_412 = arith.constant 80 : i32
      %mul3A_413 = arith.muli %add3A_250, %mul3A_412 : i32
      %dma_wait3A_414 = arith.constant 480 : i32
      %dma_wait3A_415 = tpu.memref_slice %arg7[%dma_wait3A_414] : memref<640xi32, #tpu.memory_space<vmem>> -> memref<80xi32, #tpu.memory_space<vmem>>
      %dma_wait3A_416 = tpu.memref_slice %arg3[%mul3A_413] : memref<10000xi32, #tpu.memory_space<hbm>> -> memref<80xi32, #tpu.memory_space<hbm>>
      %dma_wait3A_417 = arith.constant 480 : i32
      %dma_wait3A_418 = tpu.memref_slice %arg7[%dma_wait3A_417] : memref<640xi32, #tpu.memory_space<vmem>> -> memref<80xi32, #tpu.memory_space<vmem>>
      %dma_wait3A_419 = tpu.memref_slice %arg3[%mul3A_413] : memref<10000xi32, #tpu.memory_space<hbm>> -> memref<80xi32, #tpu.memory_space<hbm>>
      tpu.wait_dma2 semaphore(%arg12 : memref<!tpu.dma_semaphore, #tpu.memory_space<semaphore_mem>>) src(%dma_wait3A_419 : memref<80xi32, #tpu.memory_space<hbm>>) dst(%dma_wait3A_418 : memref<80xi32, #tpu.memory_space<vmem>>)
      %mul3A_420 = arith.constant 80 : i32
      %mul3A_421 = arith.muli %add3A_250, %mul3A_420 : i32
      %dma_wait3A_422 = arith.constant 480 : i32
      %dma_wait3A_423 = tpu.memref_slice %arg8[%dma_wait3A_422] : memref<640xi32, #tpu.memory_space<vmem>> -> memref<80xi32, #tpu.memory_space<vmem>>
      %dma_wait3A_424 = tpu.memref_slice %arg4[%mul3A_421] : memref<10000xi32, #tpu.memory_space<hbm>> -> memref<80xi32, #tpu.memory_space<hbm>>
      %dma_wait3A_425 = arith.constant 480 : i32
      %dma_wait3A_426 = tpu.memref_slice %arg8[%dma_wait3A_425] : memref<640xi32, #tpu.memory_space<vmem>> -> memref<80xi32, #tpu.memory_space<vmem>>
      %dma_wait3A_427 = tpu.memref_slice %arg4[%mul3A_421] : memref<10000xi32, #tpu.memory_space<hbm>> -> memref<80xi32, #tpu.memory_space<hbm>>
      tpu.wait_dma2 semaphore(%arg12 : memref<!tpu.dma_semaphore, #tpu.memory_space<semaphore_mem>>) src(%dma_wait3A_427 : memref<80xi32, #tpu.memory_space<hbm>>) dst(%dma_wait3A_426 : memref<80xi32, #tpu.memory_space<vmem>>)
    } else {
    }
    %get3A_256 = arith.constant 480 : index
    %get3A_257 = tpu.vector_load %arg8[%get3A_256] {strides = array<i32>} : memref<640xi32, #tpu.memory_space<vmem>>, vector<16xi32>,
    %get3A_258 = vector.shape_cast %get3A_257 : vector<16xi32> to vector<16xi32>
    %slice3A_259 = vector.extract_strided_slice %get3A_258 {offsets = [0], sizes = [1], strides = [1]} : vector<16xi32> to vector<1xi32>
    %squeeze3A_260 = vector.extract %slice3A_259[0] : i32 from vector<1xi32>
    %get3A_261 = arith.constant 544 : index
    %get3A_262 = tpu.vector_load %arg8[%get3A_261] {strides = array<i32>} : memref<640xi32, #tpu.memory_space<vmem>>, vector<16xi32>,
    %get3A_263 = vector.shape_cast %get3A_262 : vector<16xi32> to vector<16xi32>
    %slice3A_264 = vector.extract_strided_slice %get3A_263 {offsets = [15], sizes = [1], strides = [1]} : vector<16xi32> to vector<1xi32>
    %squeeze3A_265 = vector.extract %slice3A_264[0] : i32 from vector<1xi32>
    %ge3A_266 = arith.cmpi sge, %squeeze3A_265, %mul3A_0 : i32
    %add3A_267 = arith.constant 32 : i32
    %add3A_268 = arith.addi %mul3A_0, %add3A_267 : i32
    %lt3A_269 = arith.cmpi slt, %squeeze3A_260, %add3A_268 : i32
    %and3A_270 = arith.andi %ge3A_266, %lt3A_269 : i1
    %and3A_271 = arith.andi %lt3A_252, %and3A_270 : i1
    %convert_element_type3A_272 = arith.extui %and3A_271 : i1 to i32
    %cond3A_273 = arith.constant 0 : i32
    %cond3A_274 = arith.cmpi ne, %convert_element_type3A_272, %cond3A_273 : i32
    scf.if %cond3A_274 {
      %mul3A_412 = arith.constant 80 : i32
      %mul3A_413 = arith.muli %add3A_250, %mul3A_412 : i32
      %dma_start3A_414 = arith.constant 6 : i32
      %dma_start3A_415 = arith.constant 6 : i32
      %dma_start3A_416 = arith.constant 0 : i32
      %dma_start3A_417 = arith.constant 0 : i32
      %dma_start3A_418 = tpu.memref_slice %arg10[%dma_start3A_414, %dma_start3A_416, %dma_start3A_417] : memref<8x80x128xf32, #tpu.memory_space<vmem>> -> memref<1x80x128xf32, #tpu.memory_space<vmem>>
      %dma_start3A_419 = tpu.memref_squeeze %dma_start3A_418 : memref<1x80x128xf32, #tpu.memory_space<vmem>> -> memref<80x128xf32, #tpu.memory_space<vmem>>
      %dma_start3A_420 = arith.constant 0 : i32
      %dma_start3A_421 = tpu.memref_slice %arg2[%mul3A_413, %dma_start3A_420] : memref<10000x128xf32, #tpu.memory_space<hbm>> -> memref<80x128xf32, #tpu.memory_space<hbm>>
      %dma_start3A_422 = tpu.memref_slice %arg14[%dma_start3A_415] : memref<8x!tpu.dma_semaphore, #tpu.memory_space<semaphore_mem>> -> memref<1x!tpu.dma_semaphore, #tpu.memory_space<semaphore_mem>>
      %dma_start3A_423 = tpu.memref_squeeze %dma_start3A_422 : memref<1x!tpu.dma_semaphore, #tpu.memory_space<semaphore_mem>> -> memref<!tpu.dma_semaphore, #tpu.memory_space<semaphore_mem>>
      %dma_start3A_424 = arith.constant 0 : i32
      %dma_start3A_425 = arith.constant 0 : i32
      %dma_start3A_426 = tpu.memref_slice %arg10[%dma_start3A_414, %dma_start3A_424, %dma_start3A_425] : memref<8x80x128xf32, #tpu.memory_space<vmem>> -> memref<1x80x128xf32, #tpu.memory_space<vmem>>
      %dma_start3A_427 = tpu.memref_squeeze %dma_start3A_426 : memref<1x80x128xf32, #tpu.memory_space<vmem>> -> memref<80x128xf32, #tpu.memory_space<vmem>>
      %dma_start3A_428 = arith.constant 0 : i32
      %dma_start3A_429 = tpu.memref_slice %arg2[%mul3A_413, %dma_start3A_428] : memref<10000x128xf32, #tpu.memory_space<hbm>> -> memref<80x128xf32, #tpu.memory_space<hbm>>
      tpu.enqueue_dma source(%dma_start3A_429 : memref<80x128xf32, #tpu.memory_space<hbm>>) target(%dma_start3A_427 : memref<80x128xf32, #tpu.memory_space<vmem>>) target_semaphore(%dma_start3A_423 : memref<!tpu.dma_semaphore, #tpu.memory_space<semaphore_mem>>)
      %scan3A_430 = arith.constant 0 : i32
      %scan3A_431 = arith.constant 0 : i32
      %scan3A_432 = arith.constant 5 : i32
      %scan3A_433 = arith.addi %scan3A_431, %scan3A_432 : i32
      %scan3A_434 = arith.constant 1 : i32
      %scan3A_435 = scf.for %scan3A_437 = %scan3A_431 to %scan3A_433 step %scan3A_434 iter_args(%scan3A_438 = %scan3A_430) -> (i32)  : i32 {
        %mul3A_439 = arith.constant 16 : i32
        %mul3A_440 = arith.muli %scan3A_437, %mul3A_439 : i32
        %add3A_441 = arith.constant 480 : i32
        %add3A_442 = arith.addi %add3A_441, %mul3A_440 : i32
        %get3A_443 = arith.index_cast %add3A_442 : i32 to index
        %get3A_444 = tpu.vector_load %arg7[%get3A_443] {strides = array<i32>} : memref<640xi32, #tpu.memory_space<vmem>>, vector<16xi32>,
        %get3A_445 = vector.shape_cast %get3A_444 : vector<16xi32> to vector<16xi32>
        %mul3A_446 = arith.constant 16 : i32
        %mul3A_447 = arith.muli %scan3A_437, %mul3A_446 : i32
        %add3A_448 = arith.constant 480 : i32
        %add3A_449 = arith.addi %add3A_448, %mul3A_447 : i32
        %get3A_450 = arith.index_cast %add3A_449 : i32 to index
        %get3A_451 = tpu.vector_load %arg8[%get3A_450] {strides = array<i32>} : memref<640xi32, #tpu.memory_space<vmem>>, vector<16xi32>,
        %get3A_452 = vector.shape_cast %get3A_451 : vector<16xi32> to vector<16xi32>
        %sub3A = vector.broadcast %mul3A_0 : i32 to vector<16xi32>
        %sub3A_453 = arith.subi %get3A_452, %sub3A : vector<16xi32>
        %mul3A_454 = arith.constant 100 : i32
        %mul3A_455 = vector.broadcast %mul3A_454 : i32 to vector<16xi32>
        %mul3A_456 = arith.muli %sub3A_453, %mul3A_455 : vector<16xi32>
        %add3A_457 = arith.addi %mul3A_456, %get3A_445 : vector<16xi32>
        %sub3A_458 = arith.constant 1 : i32
        %sub3A_459 = vector.broadcast %sub3A_458 : i32 to vector<16xi32>
        %sub3A_460 = arith.subi %add3A_457, %sub3A_459 : vector<16xi32>
        %ge3A_461 = arith.constant 0 : i32
        %ge3A_462 = vector.broadcast %ge3A_461 : i32 to vector<16xi32>
        %ge3A_463 = arith.cmpi sge, %sub3A_460, %ge3A_462 : vector<16xi32>
        %lt3A_464 = arith.constant 3200 : i32
        %lt3A_465 = vector.broadcast %lt3A_464 : i32 to vector<16xi32>
        %lt3A_466 = arith.cmpi slt, %sub3A_460, %lt3A_465 : vector<16xi32>
        %and3A_467 = arith.andi %ge3A_463, %lt3A_466 : vector<16xi1>
        %jit3A = arith.constant 3200 : i32
        %broadcast_in_dim3A = vector.broadcast %jit3A : i32 to vector<16xi32>
        %select_n3A = arith.select %and3A_467, %sub3A_460, %broadcast_in_dim3A : vector<16xi1>, vector<16xi32>
        %mul3A_468 = arith.constant 16 : i32
        %mul3A_469 = arith.muli %scan3A_437, %mul3A_468 : i32
        %swap3A = arith.constant 6 : i32
        %swap3A_470 = arith.index_cast %swap3A : i32 to index
        %swap3A_471 = arith.index_cast %mul3A_469 : i32 to index
        %swap3A_472 = tpu.vector_load %arg9[%swap3A_470, %swap3A_471] {strides = array<i32>} : memref<8x80xi32, #tpu.memory_space<vmem>>, vector<1x16xi32>,
        %swap3A_473 = vector.shape_cast %swap3A_472 : vector<1x16xi32> to vector<16xi32>
        %swap3A_474 = vector.shape_cast %select_n3A : vector<16xi32> to vector<1x16xi32>
        tpu.vector_store %arg9[%swap3A_470, %swap3A_471], %swap3A_474 {strides = array<i32>} : memref<8x80xi32, #tpu.memory_space<vmem>>, vector<1x16xi32>,
        %scan3A_475 = arith.constant 0 : i32
        scf.yield %scan3A_475 : i32
      }
      %scan3A_436 = arith.constant 5 : i32
    } else {
    }
    %add3A_275 = arith.constant 112 : i32
    %add3A_276 = arith.addi %add3A_275, %arg1 : i32
    %lt3A_277 = arith.constant 125 : i32
    %lt3A_278 = arith.cmpi slt, %add3A_276, %lt3A_277 : i32
    %convert_element_type3A_279 = arith.extui %lt3A_278 : i1 to i32
    %cond3A_280 = arith.constant 0 : i32
    %cond3A_281 = arith.cmpi ne, %convert_element_type3A_279, %cond3A_280 : i32
    scf.if %cond3A_281 {
      %mul3A_412 = arith.constant 80 : i32
      %mul3A_413 = arith.muli %add3A_276, %mul3A_412 : i32
      %dma_wait3A_414 = arith.constant 560 : i32
      %dma_wait3A_415 = tpu.memref_slice %arg7[%dma_wait3A_414] : memref<640xi32, #tpu.memory_space<vmem>> -> memref<80xi32, #tpu.memory_space<vmem>>
      %dma_wait3A_416 = tpu.memref_slice %arg3[%mul3A_413] : memref<10000xi32, #tpu.memory_space<hbm>> -> memref<80xi32, #tpu.memory_space<hbm>>
      %dma_wait3A_417 = arith.constant 560 : i32
      %dma_wait3A_418 = tpu.memref_slice %arg7[%dma_wait3A_417] : memref<640xi32, #tpu.memory_space<vmem>> -> memref<80xi32, #tpu.memory_space<vmem>>
      %dma_wait3A_419 = tpu.memref_slice %arg3[%mul3A_413] : memref<10000xi32, #tpu.memory_space<hbm>> -> memref<80xi32, #tpu.memory_space<hbm>>
      tpu.wait_dma2 semaphore(%arg12 : memref<!tpu.dma_semaphore, #tpu.memory_space<semaphore_mem>>) src(%dma_wait3A_419 : memref<80xi32, #tpu.memory_space<hbm>>) dst(%dma_wait3A_418 : memref<80xi32, #tpu.memory_space<vmem>>)
      %mul3A_420 = arith.constant 80 : i32
      %mul3A_421 = arith.muli %add3A_276, %mul3A_420 : i32
      %dma_wait3A_422 = arith.constant 560 : i32
      %dma_wait3A_423 = tpu.memref_slice %arg8[%dma_wait3A_422] : memref<640xi32, #tpu.memory_space<vmem>> -> memref<80xi32, #tpu.memory_space<vmem>>
      %dma_wait3A_424 = tpu.memref_slice %arg4[%mul3A_421] : memref<10000xi32, #tpu.memory_space<hbm>> -> memref<80xi32, #tpu.memory_space<hbm>>
      %dma_wait3A_425 = arith.constant 560 : i32
      %dma_wait3A_426 = tpu.memref_slice %arg8[%dma_wait3A_425] : memref<640xi32, #tpu.memory_space<vmem>> -> memref<80xi32, #tpu.memory_space<vmem>>
      %dma_wait3A_427 = tpu.memref_slice %arg4[%mul3A_421] : memref<10000xi32, #tpu.memory_space<hbm>> -> memref<80xi32, #tpu.memory_space<hbm>>
      tpu.wait_dma2 semaphore(%arg12 : memref<!tpu.dma_semaphore, #tpu.memory_space<semaphore_mem>>) src(%dma_wait3A_427 : memref<80xi32, #tpu.memory_space<hbm>>) dst(%dma_wait3A_426 : memref<80xi32, #tpu.memory_space<vmem>>)
    } else {
    }
    %get3A_282 = arith.constant 560 : index
    %get3A_283 = tpu.vector_load %arg8[%get3A_282] {strides = array<i32>} : memref<640xi32, #tpu.memory_space<vmem>>, vector<16xi32>,
    %get3A_284 = vector.shape_cast %get3A_283 : vector<16xi32> to vector<16xi32>
    %slice3A_285 = vector.extract_strided_slice %get3A_284 {offsets = [0], sizes = [1], strides = [1]} : vector<16xi32> to vector<1xi32>
    %squeeze3A_286 = vector.extract %slice3A_285[0] : i32 from vector<1xi32>
    %get3A_287 = arith.constant 624 : index
    %get3A_288 = tpu.vector_load %arg8[%get3A_287] {strides = array<i32>} : memref<640xi32, #tpu.memory_space<vmem>>, vector<16xi32>,
    %get3A_289 = vector.shape_cast %get3A_288 : vector<16xi32> to vector<16xi32>
    %slice3A_290 = vector.extract_strided_slice %get3A_289 {offsets = [15], sizes = [1], strides = [1]} : vector<16xi32> to vector<1xi32>
    %squeeze3A_291 = vector.extract %slice3A_290[0] : i32 from vector<1xi32>
    %ge3A_292 = arith.cmpi sge, %squeeze3A_291, %mul3A_0 : i32
    %add3A_293 = arith.constant 32 : i32
    %add3A_294 = arith.addi %mul3A_0, %add3A_293 : i32
    %lt3A_295 = arith.cmpi slt, %squeeze3A_286, %add3A_294 : i32
    %and3A_296 = arith.andi %ge3A_292, %lt3A_295 : i1
    %and3A_297 = arith.andi %lt3A_278, %and3A_296 : i1
    %convert_element_type3A_298 = arith.extui %and3A_297 : i1 to i32
    %cond3A_299 = arith.constant 0 : i32
    %cond3A_300 = arith.cmpi ne, %convert_element_type3A_298, %cond3A_299 : i32
    scf.if %cond3A_300 {
      %mul3A_412 = arith.constant 80 : i32
      %mul3A_413 = arith.muli %add3A_276, %mul3A_412 : i32
      %dma_start3A_414 = arith.constant 7 : i32
      %dma_start3A_415 = arith.constant 7 : i32
      %dma_start3A_416 = arith.constant 0 : i32
      %dma_start3A_417 = arith.constant 0 : i32
      %dma_start3A_418 = tpu.memref_slice %arg10[%dma_start3A_414, %dma_start3A_416, %dma_start3A_417] : memref<8x80x128xf32, #tpu.memory_space<vmem>> -> memref<1x80x128xf32, #tpu.memory_space<vmem>>
      %dma_start3A_419 = tpu.memref_squeeze %dma_start3A_418 : memref<1x80x128xf32, #tpu.memory_space<vmem>> -> memref<80x128xf32, #tpu.memory_space<vmem>>
      %dma_start3A_420 = arith.constant 0 : i32
      %dma_start3A_421 = tpu.memref_slice %arg2[%mul3A_413, %dma_start3A_420] : memref<10000x128xf32, #tpu.memory_space<hbm>> -> memref<80x128xf32, #tpu.memory_space<hbm>>
      %dma_start3A_422 = tpu.memref_slice %arg14[%dma_start3A_415] : memref<8x!tpu.dma_semaphore, #tpu.memory_space<semaphore_mem>> -> memref<1x!tpu.dma_semaphore, #tpu.memory_space<semaphore_mem>>
      %dma_start3A_423 = tpu.memref_squeeze %dma_start3A_422 : memref<1x!tpu.dma_semaphore, #tpu.memory_space<semaphore_mem>> -> memref<!tpu.dma_semaphore, #tpu.memory_space<semaphore_mem>>
      %dma_start3A_424 = arith.constant 0 : i32
      %dma_start3A_425 = arith.constant 0 : i32
      %dma_start3A_426 = tpu.memref_slice %arg10[%dma_start3A_414, %dma_start3A_424, %dma_start3A_425] : memref<8x80x128xf32, #tpu.memory_space<vmem>> -> memref<1x80x128xf32, #tpu.memory_space<vmem>>
      %dma_start3A_427 = tpu.memref_squeeze %dma_start3A_426 : memref<1x80x128xf32, #tpu.memory_space<vmem>> -> memref<80x128xf32, #tpu.memory_space<vmem>>
      %dma_start3A_428 = arith.constant 0 : i32
      %dma_start3A_429 = tpu.memref_slice %arg2[%mul3A_413, %dma_start3A_428] : memref<10000x128xf32, #tpu.memory_space<hbm>> -> memref<80x128xf32, #tpu.memory_space<hbm>>
      tpu.enqueue_dma source(%dma_start3A_429 : memref<80x128xf32, #tpu.memory_space<hbm>>) target(%dma_start3A_427 : memref<80x128xf32, #tpu.memory_space<vmem>>) target_semaphore(%dma_start3A_423 : memref<!tpu.dma_semaphore, #tpu.memory_space<semaphore_mem>>)
      %scan3A_430 = arith.constant 0 : i32
      %scan3A_431 = arith.constant 0 : i32
      %scan3A_432 = arith.constant 5 : i32
      %scan3A_433 = arith.addi %scan3A_431, %scan3A_432 : i32
      %scan3A_434 = arith.constant 1 : i32
      %scan3A_435 = scf.for %scan3A_437 = %scan3A_431 to %scan3A_433 step %scan3A_434 iter_args(%scan3A_438 = %scan3A_430) -> (i32)  : i32 {
        %mul3A_439 = arith.constant 16 : i32
        %mul3A_440 = arith.muli %scan3A_437, %mul3A_439 : i32
        %add3A_441 = arith.constant 560 : i32
        %add3A_442 = arith.addi %add3A_441, %mul3A_440 : i32
        %get3A_443 = arith.index_cast %add3A_442 : i32 to index
        %get3A_444 = tpu.vector_load %arg7[%get3A_443] {strides = array<i32>} : memref<640xi32, #tpu.memory_space<vmem>>, vector<16xi32>,
        %get3A_445 = vector.shape_cast %get3A_444 : vector<16xi32> to vector<16xi32>
        %mul3A_446 = arith.constant 16 : i32
        %mul3A_447 = arith.muli %scan3A_437, %mul3A_446 : i32
        %add3A_448 = arith.constant 560 : i32
        %add3A_449 = arith.addi %add3A_448, %mul3A_447 : i32
        %get3A_450 = arith.index_cast %add3A_449 : i32 to index
        %get3A_451 = tpu.vector_load %arg8[%get3A_450] {strides = array<i32>} : memref<640xi32, #tpu.memory_space<vmem>>, vector<16xi32>,
        %get3A_452 = vector.shape_cast %get3A_451 : vector<16xi32> to vector<16xi32>
        %sub3A = vector.broadcast %mul3A_0 : i32 to vector<16xi32>
        %sub3A_453 = arith.subi %get3A_452, %sub3A : vector<16xi32>
        %mul3A_454 = arith.constant 100 : i32
        %mul3A_455 = vector.broadcast %mul3A_454 : i32 to vector<16xi32>
        %mul3A_456 = arith.muli %sub3A_453, %mul3A_455 : vector<16xi32>
        %add3A_457 = arith.addi %mul3A_456, %get3A_445 : vector<16xi32>
        %sub3A_458 = arith.constant 1 : i32
        %sub3A_459 = vector.broadcast %sub3A_458 : i32 to vector<16xi32>
        %sub3A_460 = arith.subi %add3A_457, %sub3A_459 : vector<16xi32>
        %ge3A_461 = arith.constant 0 : i32
        %ge3A_462 = vector.broadcast %ge3A_461 : i32 to vector<16xi32>
        %ge3A_463 = arith.cmpi sge, %sub3A_460, %ge3A_462 : vector<16xi32>
        %lt3A_464 = arith.constant 3200 : i32
        %lt3A_465 = vector.broadcast %lt3A_464 : i32 to vector<16xi32>
        %lt3A_466 = arith.cmpi slt, %sub3A_460, %lt3A_465 : vector<16xi32>
        %and3A_467 = arith.andi %ge3A_463, %lt3A_466 : vector<16xi1>
        %jit3A = arith.constant 3200 : i32
        %broadcast_in_dim3A = vector.broadcast %jit3A : i32 to vector<16xi32>
        %select_n3A = arith.select %and3A_467, %sub3A_460, %broadcast_in_dim3A : vector<16xi1>, vector<16xi32>
        %mul3A_468 = arith.constant 16 : i32
        %mul3A_469 = arith.muli %scan3A_437, %mul3A_468 : i32
        %swap3A = arith.constant 7 : i32
        %swap3A_470 = arith.index_cast %swap3A : i32 to index
        %swap3A_471 = arith.index_cast %mul3A_469 : i32 to index
        %swap3A_472 = tpu.vector_load %arg9[%swap3A_470, %swap3A_471] {strides = array<i32>} : memref<8x80xi32, #tpu.memory_space<vmem>>, vector<1x16xi32>,
        %swap3A_473 = vector.shape_cast %swap3A_472 : vector<1x16xi32> to vector<16xi32>
        %swap3A_474 = vector.shape_cast %select_n3A : vector<16xi32> to vector<1x16xi32>
        tpu.vector_store %arg9[%swap3A_470, %swap3A_471], %swap3A_474 {strides = array<i32>} : memref<8x80xi32, #tpu.memory_space<vmem>>, vector<1x16xi32>,
        %scan3A_475 = arith.constant 0 : i32
        scf.yield %scan3A_475 : i32
      }
      %scan3A_436 = arith.constant 5 : i32
    } else {
    }
    %mul3A_301 = arith.constant 200 : i32
    %mul3A_302 = arith.muli %arg1, %mul3A_301 : i32
    %add3A_303 = arith.constant 0 : i32
    %add3A_304 = arith.addi %mul3A_302, %add3A_303 : i32
    %dma_wait3A = arith.constant 0 : i32
    %dma_wait3A_305 = tpu.memref_slice %arg11[%add3A_304, %dma_wait3A] : memref<3201x128xf32, #tpu.memory_space<vmem_shared>> -> memref<40x128xf32, #tpu.memory_space<vmem_shared>>
    %dma_wait3A_306 = arith.constant 0 : i32
    %dma_wait3A_307 = tpu.memref_slice %arg11[%add3A_304, %dma_wait3A_306] : memref<3201x128xf32, #tpu.memory_space<vmem_shared>> -> memref<40x128xf32, #tpu.memory_space<vmem_shared>>
    tpu.wait_dma2 semaphore(%arg13 : memref<!tpu.dma_semaphore, #tpu.memory_space<semaphore_mem>>) src(%arg6 : memref<40x128xf32, #tpu.memory_space<vmem>>) dst(%dma_wait3A_307 : memref<40x128xf32, #tpu.memory_space<vmem_shared>>)
    %mul3A_308 = arith.constant 200 : i32
    %mul3A_309 = arith.muli %arg1, %mul3A_308 : i32
    %add3A_310 = arith.constant 40 : i32
    %add3A_311 = arith.addi %mul3A_309, %add3A_310 : i32
    %dma_wait3A_312 = arith.constant 0 : i32
    %dma_wait3A_313 = tpu.memref_slice %arg11[%add3A_311, %dma_wait3A_312] : memref<3201x128xf32, #tpu.memory_space<vmem_shared>> -> memref<40x128xf32, #tpu.memory_space<vmem_shared>>
    %dma_wait3A_314 = arith.constant 0 : i32
    %dma_wait3A_315 = tpu.memref_slice %arg11[%add3A_311, %dma_wait3A_314] : memref<3201x128xf32, #tpu.memory_space<vmem_shared>> -> memref<40x128xf32, #tpu.memory_space<vmem_shared>>
    tpu.wait_dma2 semaphore(%arg13 : memref<!tpu.dma_semaphore, #tpu.memory_space<semaphore_mem>>) src(%arg6 : memref<40x128xf32, #tpu.memory_space<vmem>>) dst(%dma_wait3A_315 : memref<40x128xf32, #tpu.memory_space<vmem_shared>>)
    %mul3A_316 = arith.constant 200 : i32
    %mul3A_317 = arith.muli %arg1, %mul3A_316 : i32
    %add3A_318 = arith.constant 80 : i32
    %add3A_319 = arith.addi %mul3A_317, %add3A_318 : i32
    %dma_wait3A_320 = arith.constant 0 : i32
    %dma_wait3A_321 = tpu.memref_slice %arg11[%add3A_319, %dma_wait3A_320] : memref<3201x128xf32, #tpu.memory_space<vmem_shared>> -> memref<40x128xf32, #tpu.memory_space<vmem_shared>>
    %dma_wait3A_322 = arith.constant 0 : i32
    %dma_wait3A_323 = tpu.memref_slice %arg11[%add3A_319, %dma_wait3A_322] : memref<3201x128xf32, #tpu.memory_space<vmem_shared>> -> memref<40x128xf32, #tpu.memory_space<vmem_shared>>
    tpu.wait_dma2 semaphore(%arg13 : memref<!tpu.dma_semaphore, #tpu.memory_space<semaphore_mem>>) src(%arg6 : memref<40x128xf32, #tpu.memory_space<vmem>>) dst(%dma_wait3A_323 : memref<40x128xf32, #tpu.memory_space<vmem_shared>>)
    %mul3A_324 = arith.constant 200 : i32
    %mul3A_325 = arith.muli %arg1, %mul3A_324 : i32
    %add3A_326 = arith.constant 120 : i32
    %add3A_327 = arith.addi %mul3A_325, %add3A_326 : i32
    %dma_wait3A_328 = arith.constant 0 : i32
    %dma_wait3A_329 = tpu.memref_slice %arg11[%add3A_327, %dma_wait3A_328] : memref<3201x128xf32, #tpu.memory_space<vmem_shared>> -> memref<40x128xf32, #tpu.memory_space<vmem_shared>>
    %dma_wait3A_330 = arith.constant 0 : i32
    %dma_wait3A_331 = tpu.memref_slice %arg11[%add3A_327, %dma_wait3A_330] : memref<3201x128xf32, #tpu.memory_space<vmem_shared>> -> memref<40x128xf32, #tpu.memory_space<vmem_shared>>
    tpu.wait_dma2 semaphore(%arg13 : memref<!tpu.dma_semaphore, #tpu.memory_space<semaphore_mem>>) src(%arg6 : memref<40x128xf32, #tpu.memory_space<vmem>>) dst(%dma_wait3A_331 : memref<40x128xf32, #tpu.memory_space<vmem_shared>>)
    %mul3A_332 = arith.constant 200 : i32
    %mul3A_333 = arith.muli %arg1, %mul3A_332 : i32
    %add3A_334 = arith.constant 160 : i32
    %add3A_335 = arith.addi %mul3A_333, %add3A_334 : i32
    %dma_wait3A_336 = arith.constant 0 : i32
    %dma_wait3A_337 = tpu.memref_slice %arg11[%add3A_335, %dma_wait3A_336] : memref<3201x128xf32, #tpu.memory_space<vmem_shared>> -> memref<40x128xf32, #tpu.memory_space<vmem_shared>>
    %dma_wait3A_338 = arith.constant 0 : i32
    %dma_wait3A_339 = tpu.memref_slice %arg11[%add3A_335, %dma_wait3A_338] : memref<3201x128xf32, #tpu.memory_space<vmem_shared>> -> memref<40x128xf32, #tpu.memory_space<vmem_shared>>
    tpu.wait_dma2 semaphore(%arg13 : memref<!tpu.dma_semaphore, #tpu.memory_space<semaphore_mem>>) src(%arg6 : memref<40x128xf32, #tpu.memory_space<vmem>>) dst(%dma_wait3A_339 : memref<40x128xf32, #tpu.memory_space<vmem_shared>>)
    %barrier3A = arith.constant 0 : index
    tpu.barrier barrier_id(%barrier3A)
    %add3A_340 = arith.constant 0 : i32
    %add3A_341 = arith.addi %add3A_340, %arg1 : i32
    %convert_element_type3A_342 = arith.extui %and3A_115 : i1 to i32
    %cond3A_343 = arith.constant 0 : i32
    %cond3A_344 = arith.cmpi ne, %convert_element_type3A_342, %cond3A_343 : i32
    scf.if %cond3A_344 {
      %mul3A_412 = arith.constant 80 : i32
      %mul3A_413 = arith.muli %add3A_341, %mul3A_412 : i32
      %dma_wait3A_414 = arith.constant 0 : i32
      %dma_wait3A_415 = arith.constant 0 : i32
      %dma_wait3A_416 = arith.constant 0 : i32
      %dma_wait3A_417 = arith.constant 0 : i32
      %dma_wait3A_418 = tpu.memref_slice %arg10[%dma_wait3A_414, %dma_wait3A_416, %dma_wait3A_417] : memref<8x80x128xf32, #tpu.memory_space<vmem>> -> memref<1x80x128xf32, #tpu.memory_space<vmem>>
      %dma_wait3A_419 = tpu.memref_squeeze %dma_wait3A_418 : memref<1x80x128xf32, #tpu.memory_space<vmem>> -> memref<80x128xf32, #tpu.memory_space<vmem>>
      %dma_wait3A_420 = arith.constant 0 : i32
      %dma_wait3A_421 = tpu.memref_slice %arg2[%mul3A_413, %dma_wait3A_420] : memref<10000x128xf32, #tpu.memory_space<hbm>> -> memref<80x128xf32, #tpu.memory_space<hbm>>
      %dma_wait3A_422 = tpu.memref_slice %arg14[%dma_wait3A_415] : memref<8x!tpu.dma_semaphore, #tpu.memory_space<semaphore_mem>> -> memref<1x!tpu.dma_semaphore, #tpu.memory_space<semaphore_mem>>
      %dma_wait3A_423 = tpu.memref_squeeze %dma_wait3A_422 : memref<1x!tpu.dma_semaphore, #tpu.memory_space<semaphore_mem>> -> memref<!tpu.dma_semaphore, #tpu.memory_space<semaphore_mem>>
      %dma_wait3A_424 = arith.constant 0 : i32
      %dma_wait3A_425 = arith.constant 0 : i32
      %dma_wait3A_426 = tpu.memref_slice %arg10[%dma_wait3A_414, %dma_wait3A_424, %dma_wait3A_425] : memref<8x80x128xf32, #tpu.memory_space<vmem>> -> memref<1x80x128xf32, #tpu.memory_space<vmem>>
      %dma_wait3A_427 = tpu.memref_squeeze %dma_wait3A_426 : memref<1x80x128xf32, #tpu.memory_space<vmem>> -> memref<80x128xf32, #tpu.memory_space<vmem>>
      %dma_wait3A_428 = arith.constant 0 : i32
      %dma_wait3A_429 = tpu.memref_slice %arg2[%mul3A_413, %dma_wait3A_428] : memref<10000x128xf32, #tpu.memory_space<hbm>> -> memref<80x128xf32, #tpu.memory_space<hbm>>
      tpu.wait_dma2 semaphore(%dma_wait3A_423 : memref<!tpu.dma_semaphore, #tpu.memory_space<semaphore_mem>>) src(%dma_wait3A_429 : memref<80x128xf32, #tpu.memory_space<hbm>>) dst(%dma_wait3A_427 : memref<80x128xf32, #tpu.memory_space<vmem>>)
      %dma_start3A_430 = arith.constant 0 : i32
      %dma_start3A_431 = arith.constant 0 : i32
      %dma_start3A_432 = arith.constant 0 : i32
      %dma_start3A_433 = arith.constant 0 : i32
      %dma_start3A_434 = arith.constant 0 : i32
      %dma_start3A_435 = tpu.memref_slice %arg10[%dma_start3A_430, %dma_start3A_433, %dma_start3A_434] : memref<8x80x128xf32, #tpu.memory_space<vmem>> -> memref<1x80x128xf32, #tpu.memory_space<vmem>>
      %dma_start3A_436 = tpu.memref_squeeze %dma_start3A_435 : memref<1x80x128xf32, #tpu.memory_space<vmem>> -> memref<80x128xf32, #tpu.memory_space<vmem>>
      %dma_start3A_437 = arith.constant 0 : i32
      %dma_start3A_438 = tpu.memref_slice %arg9[%dma_start3A_431, %dma_start3A_437] : memref<8x80xi32, #tpu.memory_space<vmem>> -> memref<1x80xi32, #tpu.memory_space<vmem>>
      %dma_start3A_439 = tpu.memref_squeeze %dma_start3A_438 : memref<1x80xi32, #tpu.memory_space<vmem>> -> memref<80xi32, #tpu.memory_space<vmem>>
      %dma_start3A_440 = arith.constant 0 : i32
      %dma_start3A_441 = arith.constant 0 : i32
      %dma_start3A_442 = tpu.memref_slice %arg11[%dma_start3A_440, %dma_start3A_441] : memref<3201x128xf32, #tpu.memory_space<vmem_shared>> -> memref<3201x128xf32, #tpu.memory_space<vmem_shared>>
      %dma_start3A_443 = tpu.memref_slice %arg15[%dma_start3A_432] : memref<8x!tpu.dma_semaphore, #tpu.memory_space<semaphore_mem>> -> memref<1x!tpu.dma_semaphore, #tpu.memory_space<semaphore_mem>>
      %dma_start3A_444 = tpu.memref_squeeze %dma_start3A_443 : memref<1x!tpu.dma_semaphore, #tpu.memory_space<semaphore_mem>> -> memref<!tpu.dma_semaphore, #tpu.memory_space<semaphore_mem>>
      tpu.enqueue_indirect_dma source(%dma_start3A_436 : memref<80x128xf32, #tpu.memory_space<vmem>>) target(%dma_start3A_442 : memref<3201x128xf32, #tpu.memory_space<vmem_shared>>) offsets(%dma_start3A_439 : memref<80xi32, #tpu.memory_space<vmem>>) semaphore(%dma_start3A_444 : memref<!tpu.dma_semaphore, #tpu.memory_space<semaphore_mem>>) {add = true}
    } else {
    }
    %add3A_345 = arith.constant 16 : i32
    %add3A_346 = arith.addi %add3A_345, %arg1 : i32
    %convert_element_type3A_347 = arith.extui %and3A_141 : i1 to i32
    %cond3A_348 = arith.constant 0 : i32
    %cond3A_349 = arith.cmpi ne, %convert_element_type3A_347, %cond3A_348 : i32
    scf.if %cond3A_349 {
      %mul3A_412 = arith.constant 80 : i32
      %mul3A_413 = arith.muli %add3A_346, %mul3A_412 : i32
      %dma_wait3A_414 = arith.constant 1 : i32
      %dma_wait3A_415 = arith.constant 1 : i32
      %dma_wait3A_416 = arith.constant 0 : i32
      %dma_wait3A_417 = arith.constant 0 : i32
      %dma_wait3A_418 = tpu.memref_slice %arg10[%dma_wait3A_414, %dma_wait3A_416, %dma_wait3A_417] : memref<8x80x128xf32, #tpu.memory_space<vmem>> -> memref<1x80x128xf32, #tpu.memory_space<vmem>>
      %dma_wait3A_419 = tpu.memref_squeeze %dma_wait3A_418 : memref<1x80x128xf32, #tpu.memory_space<vmem>> -> memref<80x128xf32, #tpu.memory_space<vmem>>
      %dma_wait3A_420 = arith.constant 0 : i32
      %dma_wait3A_421 = tpu.memref_slice %arg2[%mul3A_413, %dma_wait3A_420] : memref<10000x128xf32, #tpu.memory_space<hbm>> -> memref<80x128xf32, #tpu.memory_space<hbm>>
      %dma_wait3A_422 = tpu.memref_slice %arg14[%dma_wait3A_415] : memref<8x!tpu.dma_semaphore, #tpu.memory_space<semaphore_mem>> -> memref<1x!tpu.dma_semaphore, #tpu.memory_space<semaphore_mem>>
      %dma_wait3A_423 = tpu.memref_squeeze %dma_wait3A_422 : memref<1x!tpu.dma_semaphore, #tpu.memory_space<semaphore_mem>> -> memref<!tpu.dma_semaphore, #tpu.memory_space<semaphore_mem>>
      %dma_wait3A_424 = arith.constant 0 : i32
      %dma_wait3A_425 = arith.constant 0 : i32
      %dma_wait3A_426 = tpu.memref_slice %arg10[%dma_wait3A_414, %dma_wait3A_424, %dma_wait3A_425] : memref<8x80x128xf32, #tpu.memory_space<vmem>> -> memref<1x80x128xf32, #tpu.memory_space<vmem>>
      %dma_wait3A_427 = tpu.memref_squeeze %dma_wait3A_426 : memref<1x80x128xf32, #tpu.memory_space<vmem>> -> memref<80x128xf32, #tpu.memory_space<vmem>>
      %dma_wait3A_428 = arith.constant 0 : i32
      %dma_wait3A_429 = tpu.memref_slice %arg2[%mul3A_413, %dma_wait3A_428] : memref<10000x128xf32, #tpu.memory_space<hbm>> -> memref<80x128xf32, #tpu.memory_space<hbm>>
      tpu.wait_dma2 semaphore(%dma_wait3A_423 : memref<!tpu.dma_semaphore, #tpu.memory_space<semaphore_mem>>) src(%dma_wait3A_429 : memref<80x128xf32, #tpu.memory_space<hbm>>) dst(%dma_wait3A_427 : memref<80x128xf32, #tpu.memory_space<vmem>>)
      %dma_start3A_430 = arith.constant 1 : i32
      %dma_start3A_431 = arith.constant 1 : i32
      %dma_start3A_432 = arith.constant 1 : i32
      %dma_start3A_433 = arith.constant 0 : i32
      %dma_start3A_434 = arith.constant 0 : i32
      %dma_start3A_435 = tpu.memref_slice %arg10[%dma_start3A_430, %dma_start3A_433, %dma_start3A_434] : memref<8x80x128xf32, #tpu.memory_space<vmem>> -> memref<1x80x128xf32, #tpu.memory_space<vmem>>
      %dma_start3A_436 = tpu.memref_squeeze %dma_start3A_435 : memref<1x80x128xf32, #tpu.memory_space<vmem>> -> memref<80x128xf32, #tpu.memory_space<vmem>>
      %dma_start3A_437 = arith.constant 0 : i32
      %dma_start3A_438 = tpu.memref_slice %arg9[%dma_start3A_431, %dma_start3A_437] : memref<8x80xi32, #tpu.memory_space<vmem>> -> memref<1x80xi32, #tpu.memory_space<vmem>>
      %dma_start3A_439 = tpu.memref_squeeze %dma_start3A_438 : memref<1x80xi32, #tpu.memory_space<vmem>> -> memref<80xi32, #tpu.memory_space<vmem>>
      %dma_start3A_440 = arith.constant 0 : i32
      %dma_start3A_441 = arith.constant 0 : i32
      %dma_start3A_442 = tpu.memref_slice %arg11[%dma_start3A_440, %dma_start3A_441] : memref<3201x128xf32, #tpu.memory_space<vmem_shared>> -> memref<3201x128xf32, #tpu.memory_space<vmem_shared>>
      %dma_start3A_443 = tpu.memref_slice %arg15[%dma_start3A_432] : memref<8x!tpu.dma_semaphore, #tpu.memory_space<semaphore_mem>> -> memref<1x!tpu.dma_semaphore, #tpu.memory_space<semaphore_mem>>
      %dma_start3A_444 = tpu.memref_squeeze %dma_start3A_443 : memref<1x!tpu.dma_semaphore, #tpu.memory_space<semaphore_mem>> -> memref<!tpu.dma_semaphore, #tpu.memory_space<semaphore_mem>>
      tpu.enqueue_indirect_dma source(%dma_start3A_436 : memref<80x128xf32, #tpu.memory_space<vmem>>) target(%dma_start3A_442 : memref<3201x128xf32, #tpu.memory_space<vmem_shared>>) offsets(%dma_start3A_439 : memref<80xi32, #tpu.memory_space<vmem>>) semaphore(%dma_start3A_444 : memref<!tpu.dma_semaphore, #tpu.memory_space<semaphore_mem>>) {add = true}
    } else {
    }
    %add3A_350 = arith.constant 32 : i32
    %add3A_351 = arith.addi %add3A_350, %arg1 : i32
    %convert_element_type3A_352 = arith.extui %and3A_167 : i1 to i32
    %cond3A_353 = arith.constant 0 : i32
    %cond3A_354 = arith.cmpi ne, %convert_element_type3A_352, %cond3A_353 : i32
    scf.if %cond3A_354 {
      %mul3A_412 = arith.constant 80 : i32
      %mul3A_413 = arith.muli %add3A_351, %mul3A_412 : i32
      %dma_wait3A_414 = arith.constant 2 : i32
      %dma_wait3A_415 = arith.constant 2 : i32
      %dma_wait3A_416 = arith.constant 0 : i32
      %dma_wait3A_417 = arith.constant 0 : i32
      %dma_wait3A_418 = tpu.memref_slice %arg10[%dma_wait3A_414, %dma_wait3A_416, %dma_wait3A_417] : memref<8x80x128xf32, #tpu.memory_space<vmem>> -> memref<1x80x128xf32, #tpu.memory_space<vmem>>
      %dma_wait3A_419 = tpu.memref_squeeze %dma_wait3A_418 : memref<1x80x128xf32, #tpu.memory_space<vmem>> -> memref<80x128xf32, #tpu.memory_space<vmem>>
      %dma_wait3A_420 = arith.constant 0 : i32
      %dma_wait3A_421 = tpu.memref_slice %arg2[%mul3A_413, %dma_wait3A_420] : memref<10000x128xf32, #tpu.memory_space<hbm>> -> memref<80x128xf32, #tpu.memory_space<hbm>>
      %dma_wait3A_422 = tpu.memref_slice %arg14[%dma_wait3A_415] : memref<8x!tpu.dma_semaphore, #tpu.memory_space<semaphore_mem>> -> memref<1x!tpu.dma_semaphore, #tpu.memory_space<semaphore_mem>>
      %dma_wait3A_423 = tpu.memref_squeeze %dma_wait3A_422 : memref<1x!tpu.dma_semaphore, #tpu.memory_space<semaphore_mem>> -> memref<!tpu.dma_semaphore, #tpu.memory_space<semaphore_mem>>
      %dma_wait3A_424 = arith.constant 0 : i32
      %dma_wait3A_425 = arith.constant 0 : i32
      %dma_wait3A_426 = tpu.memref_slice %arg10[%dma_wait3A_414, %dma_wait3A_424, %dma_wait3A_425] : memref<8x80x128xf32, #tpu.memory_space<vmem>> -> memref<1x80x128xf32, #tpu.memory_space<vmem>>
      %dma_wait3A_427 = tpu.memref_squeeze %dma_wait3A_426 : memref<1x80x128xf32, #tpu.memory_space<vmem>> -> memref<80x128xf32, #tpu.memory_space<vmem>>
      %dma_wait3A_428 = arith.constant 0 : i32
      %dma_wait3A_429 = tpu.memref_slice %arg2[%mul3A_413, %dma_wait3A_428] : memref<10000x128xf32, #tpu.memory_space<hbm>> -> memref<80x128xf32, #tpu.memory_space<hbm>>
      tpu.wait_dma2 semaphore(%dma_wait3A_423 : memref<!tpu.dma_semaphore, #tpu.memory_space<semaphore_mem>>) src(%dma_wait3A_429 : memref<80x128xf32, #tpu.memory_space<hbm>>) dst(%dma_wait3A_427 : memref<80x128xf32, #tpu.memory_space<vmem>>)
      %dma_start3A_430 = arith.constant 2 : i32
      %dma_start3A_431 = arith.constant 2 : i32
      %dma_start3A_432 = arith.constant 2 : i32
      %dma_start3A_433 = arith.constant 0 : i32
      %dma_start3A_434 = arith.constant 0 : i32
      %dma_start3A_435 = tpu.memref_slice %arg10[%dma_start3A_430, %dma_start3A_433, %dma_start3A_434] : memref<8x80x128xf32, #tpu.memory_space<vmem>> -> memref<1x80x128xf32, #tpu.memory_space<vmem>>
      %dma_start3A_436 = tpu.memref_squeeze %dma_start3A_435 : memref<1x80x128xf32, #tpu.memory_space<vmem>> -> memref<80x128xf32, #tpu.memory_space<vmem>>
      %dma_start3A_437 = arith.constant 0 : i32
      %dma_start3A_438 = tpu.memref_slice %arg9[%dma_start3A_431, %dma_start3A_437] : memref<8x80xi32, #tpu.memory_space<vmem>> -> memref<1x80xi32, #tpu.memory_space<vmem>>
      %dma_start3A_439 = tpu.memref_squeeze %dma_start3A_438 : memref<1x80xi32, #tpu.memory_space<vmem>> -> memref<80xi32, #tpu.memory_space<vmem>>
      %dma_start3A_440 = arith.constant 0 : i32
      %dma_start3A_441 = arith.constant 0 : i32
      %dma_start3A_442 = tpu.memref_slice %arg11[%dma_start3A_440, %dma_start3A_441] : memref<3201x128xf32, #tpu.memory_space<vmem_shared>> -> memref<3201x128xf32, #tpu.memory_space<vmem_shared>>
      %dma_start3A_443 = tpu.memref_slice %arg15[%dma_start3A_432] : memref<8x!tpu.dma_semaphore, #tpu.memory_space<semaphore_mem>> -> memref<1x!tpu.dma_semaphore, #tpu.memory_space<semaphore_mem>>
      %dma_start3A_444 = tpu.memref_squeeze %dma_start3A_443 : memref<1x!tpu.dma_semaphore, #tpu.memory_space<semaphore_mem>> -> memref<!tpu.dma_semaphore, #tpu.memory_space<semaphore_mem>>
      tpu.enqueue_indirect_dma source(%dma_start3A_436 : memref<80x128xf32, #tpu.memory_space<vmem>>) target(%dma_start3A_442 : memref<3201x128xf32, #tpu.memory_space<vmem_shared>>) offsets(%dma_start3A_439 : memref<80xi32, #tpu.memory_space<vmem>>) semaphore(%dma_start3A_444 : memref<!tpu.dma_semaphore, #tpu.memory_space<semaphore_mem>>) {add = true}
    } else {
    }
    %add3A_355 = arith.constant 48 : i32
    %add3A_356 = arith.addi %add3A_355, %arg1 : i32
    %convert_element_type3A_357 = arith.extui %and3A_193 : i1 to i32
    %cond3A_358 = arith.constant 0 : i32
    %cond3A_359 = arith.cmpi ne, %convert_element_type3A_357, %cond3A_358 : i32
    scf.if %cond3A_359 {
      %mul3A_412 = arith.constant 80 : i32
      %mul3A_413 = arith.muli %add3A_356, %mul3A_412 : i32
      %dma_wait3A_414 = arith.constant 3 : i32
      %dma_wait3A_415 = arith.constant 3 : i32
      %dma_wait3A_416 = arith.constant 0 : i32
      %dma_wait3A_417 = arith.constant 0 : i32
      %dma_wait3A_418 = tpu.memref_slice %arg10[%dma_wait3A_414, %dma_wait3A_416, %dma_wait3A_417] : memref<8x80x128xf32, #tpu.memory_space<vmem>> -> memref<1x80x128xf32, #tpu.memory_space<vmem>>
      %dma_wait3A_419 = tpu.memref_squeeze %dma_wait3A_418 : memref<1x80x128xf32, #tpu.memory_space<vmem>> -> memref<80x128xf32, #tpu.memory_space<vmem>>
      %dma_wait3A_420 = arith.constant 0 : i32
      %dma_wait3A_421 = tpu.memref_slice %arg2[%mul3A_413, %dma_wait3A_420] : memref<10000x128xf32, #tpu.memory_space<hbm>> -> memref<80x128xf32, #tpu.memory_space<hbm>>
      %dma_wait3A_422 = tpu.memref_slice %arg14[%dma_wait3A_415] : memref<8x!tpu.dma_semaphore, #tpu.memory_space<semaphore_mem>> -> memref<1x!tpu.dma_semaphore, #tpu.memory_space<semaphore_mem>>
      %dma_wait3A_423 = tpu.memref_squeeze %dma_wait3A_422 : memref<1x!tpu.dma_semaphore, #tpu.memory_space<semaphore_mem>> -> memref<!tpu.dma_semaphore, #tpu.memory_space<semaphore_mem>>
      %dma_wait3A_424 = arith.constant 0 : i32
      %dma_wait3A_425 = arith.constant 0 : i32
      %dma_wait3A_426 = tpu.memref_slice %arg10[%dma_wait3A_414, %dma_wait3A_424, %dma_wait3A_425] : memref<8x80x128xf32, #tpu.memory_space<vmem>> -> memref<1x80x128xf32, #tpu.memory_space<vmem>>
      %dma_wait3A_427 = tpu.memref_squeeze %dma_wait3A_426 : memref<1x80x128xf32, #tpu.memory_space<vmem>> -> memref<80x128xf32, #tpu.memory_space<vmem>>
      %dma_wait3A_428 = arith.constant 0 : i32
      %dma_wait3A_429 = tpu.memref_slice %arg2[%mul3A_413, %dma_wait3A_428] : memref<10000x128xf32, #tpu.memory_space<hbm>> -> memref<80x128xf32, #tpu.memory_space<hbm>>
      tpu.wait_dma2 semaphore(%dma_wait3A_423 : memref<!tpu.dma_semaphore, #tpu.memory_space<semaphore_mem>>) src(%dma_wait3A_429 : memref<80x128xf32, #tpu.memory_space<hbm>>) dst(%dma_wait3A_427 : memref<80x128xf32, #tpu.memory_space<vmem>>)
      %dma_start3A_430 = arith.constant 3 : i32
      %dma_start3A_431 = arith.constant 3 : i32
      %dma_start3A_432 = arith.constant 3 : i32
      %dma_start3A_433 = arith.constant 0 : i32
      %dma_start3A_434 = arith.constant 0 : i32
      %dma_start3A_435 = tpu.memref_slice %arg10[%dma_start3A_430, %dma_start3A_433, %dma_start3A_434] : memref<8x80x128xf32, #tpu.memory_space<vmem>> -> memref<1x80x128xf32, #tpu.memory_space<vmem>>
      %dma_start3A_436 = tpu.memref_squeeze %dma_start3A_435 : memref<1x80x128xf32, #tpu.memory_space<vmem>> -> memref<80x128xf32, #tpu.memory_space<vmem>>
      %dma_start3A_437 = arith.constant 0 : i32
      %dma_start3A_438 = tpu.memref_slice %arg9[%dma_start3A_431, %dma_start3A_437] : memref<8x80xi32, #tpu.memory_space<vmem>> -> memref<1x80xi32, #tpu.memory_space<vmem>>
      %dma_start3A_439 = tpu.memref_squeeze %dma_start3A_438 : memref<1x80xi32, #tpu.memory_space<vmem>> -> memref<80xi32, #tpu.memory_space<vmem>>
      %dma_start3A_440 = arith.constant 0 : i32
      %dma_start3A_441 = arith.constant 0 : i32
      %dma_start3A_442 = tpu.memref_slice %arg11[%dma_start3A_440, %dma_start3A_441] : memref<3201x128xf32, #tpu.memory_space<vmem_shared>> -> memref<3201x128xf32, #tpu.memory_space<vmem_shared>>
      %dma_start3A_443 = tpu.memref_slice %arg15[%dma_start3A_432] : memref<8x!tpu.dma_semaphore, #tpu.memory_space<semaphore_mem>> -> memref<1x!tpu.dma_semaphore, #tpu.memory_space<semaphore_mem>>
      %dma_start3A_444 = tpu.memref_squeeze %dma_start3A_443 : memref<1x!tpu.dma_semaphore, #tpu.memory_space<semaphore_mem>> -> memref<!tpu.dma_semaphore, #tpu.memory_space<semaphore_mem>>
      tpu.enqueue_indirect_dma source(%dma_start3A_436 : memref<80x128xf32, #tpu.memory_space<vmem>>) target(%dma_start3A_442 : memref<3201x128xf32, #tpu.memory_space<vmem_shared>>) offsets(%dma_start3A_439 : memref<80xi32, #tpu.memory_space<vmem>>) semaphore(%dma_start3A_444 : memref<!tpu.dma_semaphore, #tpu.memory_space<semaphore_mem>>) {add = true}
    } else {
    }
    %add3A_360 = arith.constant 64 : i32
    %add3A_361 = arith.addi %add3A_360, %arg1 : i32
    %convert_element_type3A_362 = arith.extui %and3A_219 : i1 to i32
    %cond3A_363 = arith.constant 0 : i32
    %cond3A_364 = arith.cmpi ne, %convert_element_type3A_362, %cond3A_363 : i32
    scf.if %cond3A_364 {
      %mul3A_412 = arith.constant 80 : i32
      %mul3A_413 = arith.muli %add3A_361, %mul3A_412 : i32
      %dma_wait3A_414 = arith.constant 4 : i32
      %dma_wait3A_415 = arith.constant 4 : i32
      %dma_wait3A_416 = arith.constant 0 : i32
      %dma_wait3A_417 = arith.constant 0 : i32
      %dma_wait3A_418 = tpu.memref_slice %arg10[%dma_wait3A_414, %dma_wait3A_416, %dma_wait3A_417] : memref<8x80x128xf32, #tpu.memory_space<vmem>> -> memref<1x80x128xf32, #tpu.memory_space<vmem>>
      %dma_wait3A_419 = tpu.memref_squeeze %dma_wait3A_418 : memref<1x80x128xf32, #tpu.memory_space<vmem>> -> memref<80x128xf32, #tpu.memory_space<vmem>>
      %dma_wait3A_420 = arith.constant 0 : i32
      %dma_wait3A_421 = tpu.memref_slice %arg2[%mul3A_413, %dma_wait3A_420] : memref<10000x128xf32, #tpu.memory_space<hbm>> -> memref<80x128xf32, #tpu.memory_space<hbm>>
      %dma_wait3A_422 = tpu.memref_slice %arg14[%dma_wait3A_415] : memref<8x!tpu.dma_semaphore, #tpu.memory_space<semaphore_mem>> -> memref<1x!tpu.dma_semaphore, #tpu.memory_space<semaphore_mem>>
      %dma_wait3A_423 = tpu.memref_squeeze %dma_wait3A_422 : memref<1x!tpu.dma_semaphore, #tpu.memory_space<semaphore_mem>> -> memref<!tpu.dma_semaphore, #tpu.memory_space<semaphore_mem>>
      %dma_wait3A_424 = arith.constant 0 : i32
      %dma_wait3A_425 = arith.constant 0 : i32
      %dma_wait3A_426 = tpu.memref_slice %arg10[%dma_wait3A_414, %dma_wait3A_424, %dma_wait3A_425] : memref<8x80x128xf32, #tpu.memory_space<vmem>> -> memref<1x80x128xf32, #tpu.memory_space<vmem>>
      %dma_wait3A_427 = tpu.memref_squeeze %dma_wait3A_426 : memref<1x80x128xf32, #tpu.memory_space<vmem>> -> memref<80x128xf32, #tpu.memory_space<vmem>>
      %dma_wait3A_428 = arith.constant 0 : i32
      %dma_wait3A_429 = tpu.memref_slice %arg2[%mul3A_413, %dma_wait3A_428] : memref<10000x128xf32, #tpu.memory_space<hbm>> -> memref<80x128xf32, #tpu.memory_space<hbm>>
      tpu.wait_dma2 semaphore(%dma_wait3A_423 : memref<!tpu.dma_semaphore, #tpu.memory_space<semaphore_mem>>) src(%dma_wait3A_429 : memref<80x128xf32, #tpu.memory_space<hbm>>) dst(%dma_wait3A_427 : memref<80x128xf32, #tpu.memory_space<vmem>>)
      %dma_start3A_430 = arith.constant 4 : i32
      %dma_start3A_431 = arith.constant 4 : i32
      %dma_start3A_432 = arith.constant 4 : i32
      %dma_start3A_433 = arith.constant 0 : i32
      %dma_start3A_434 = arith.constant 0 : i32
      %dma_start3A_435 = tpu.memref_slice %arg10[%dma_start3A_430, %dma_start3A_433, %dma_start3A_434] : memref<8x80x128xf32, #tpu.memory_space<vmem>> -> memref<1x80x128xf32, #tpu.memory_space<vmem>>
      %dma_start3A_436 = tpu.memref_squeeze %dma_start3A_435 : memref<1x80x128xf32, #tpu.memory_space<vmem>> -> memref<80x128xf32, #tpu.memory_space<vmem>>
      %dma_start3A_437 = arith.constant 0 : i32
      %dma_start3A_438 = tpu.memref_slice %arg9[%dma_start3A_431, %dma_start3A_437] : memref<8x80xi32, #tpu.memory_space<vmem>> -> memref<1x80xi32, #tpu.memory_space<vmem>>
      %dma_start3A_439 = tpu.memref_squeeze %dma_start3A_438 : memref<1x80xi32, #tpu.memory_space<vmem>> -> memref<80xi32, #tpu.memory_space<vmem>>
      %dma_start3A_440 = arith.constant 0 : i32
      %dma_start3A_441 = arith.constant 0 : i32
      %dma_start3A_442 = tpu.memref_slice %arg11[%dma_start3A_440, %dma_start3A_441] : memref<3201x128xf32, #tpu.memory_space<vmem_shared>> -> memref<3201x128xf32, #tpu.memory_space<vmem_shared>>
      %dma_start3A_443 = tpu.memref_slice %arg15[%dma_start3A_432] : memref<8x!tpu.dma_semaphore, #tpu.memory_space<semaphore_mem>> -> memref<1x!tpu.dma_semaphore, #tpu.memory_space<semaphore_mem>>
      %dma_start3A_444 = tpu.memref_squeeze %dma_start3A_443 : memref<1x!tpu.dma_semaphore, #tpu.memory_space<semaphore_mem>> -> memref<!tpu.dma_semaphore, #tpu.memory_space<semaphore_mem>>
      tpu.enqueue_indirect_dma source(%dma_start3A_436 : memref<80x128xf32, #tpu.memory_space<vmem>>) target(%dma_start3A_442 : memref<3201x128xf32, #tpu.memory_space<vmem_shared>>) offsets(%dma_start3A_439 : memref<80xi32, #tpu.memory_space<vmem>>) semaphore(%dma_start3A_444 : memref<!tpu.dma_semaphore, #tpu.memory_space<semaphore_mem>>) {add = true}
    } else {
    }
    %add3A_365 = arith.constant 80 : i32
    %add3A_366 = arith.addi %add3A_365, %arg1 : i32
    %convert_element_type3A_367 = arith.extui %and3A_245 : i1 to i32
    %cond3A_368 = arith.constant 0 : i32
    %cond3A_369 = arith.cmpi ne, %convert_element_type3A_367, %cond3A_368 : i32
    scf.if %cond3A_369 {
      %mul3A_412 = arith.constant 80 : i32
      %mul3A_413 = arith.muli %add3A_366, %mul3A_412 : i32
      %dma_wait3A_414 = arith.constant 5 : i32
      %dma_wait3A_415 = arith.constant 5 : i32
      %dma_wait3A_416 = arith.constant 0 : i32
      %dma_wait3A_417 = arith.constant 0 : i32
      %dma_wait3A_418 = tpu.memref_slice %arg10[%dma_wait3A_414, %dma_wait3A_416, %dma_wait3A_417] : memref<8x80x128xf32, #tpu.memory_space<vmem>> -> memref<1x80x128xf32, #tpu.memory_space<vmem>>
      %dma_wait3A_419 = tpu.memref_squeeze %dma_wait3A_418 : memref<1x80x128xf32, #tpu.memory_space<vmem>> -> memref<80x128xf32, #tpu.memory_space<vmem>>
      %dma_wait3A_420 = arith.constant 0 : i32
      %dma_wait3A_421 = tpu.memref_slice %arg2[%mul3A_413, %dma_wait3A_420] : memref<10000x128xf32, #tpu.memory_space<hbm>> -> memref<80x128xf32, #tpu.memory_space<hbm>>
      %dma_wait3A_422 = tpu.memref_slice %arg14[%dma_wait3A_415] : memref<8x!tpu.dma_semaphore, #tpu.memory_space<semaphore_mem>> -> memref<1x!tpu.dma_semaphore, #tpu.memory_space<semaphore_mem>>
      %dma_wait3A_423 = tpu.memref_squeeze %dma_wait3A_422 : memref<1x!tpu.dma_semaphore, #tpu.memory_space<semaphore_mem>> -> memref<!tpu.dma_semaphore, #tpu.memory_space<semaphore_mem>>
      %dma_wait3A_424 = arith.constant 0 : i32
      %dma_wait3A_425 = arith.constant 0 : i32
      %dma_wait3A_426 = tpu.memref_slice %arg10[%dma_wait3A_414, %dma_wait3A_424, %dma_wait3A_425] : memref<8x80x128xf32, #tpu.memory_space<vmem>> -> memref<1x80x128xf32, #tpu.memory_space<vmem>>
      %dma_wait3A_427 = tpu.memref_squeeze %dma_wait3A_426 : memref<1x80x128xf32, #tpu.memory_space<vmem>> -> memref<80x128xf32, #tpu.memory_space<vmem>>
      %dma_wait3A_428 = arith.constant 0 : i32
      %dma_wait3A_429 = tpu.memref_slice %arg2[%mul3A_413, %dma_wait3A_428] : memref<10000x128xf32, #tpu.memory_space<hbm>> -> memref<80x128xf32, #tpu.memory_space<hbm>>
      tpu.wait_dma2 semaphore(%dma_wait3A_423 : memref<!tpu.dma_semaphore, #tpu.memory_space<semaphore_mem>>) src(%dma_wait3A_429 : memref<80x128xf32, #tpu.memory_space<hbm>>) dst(%dma_wait3A_427 : memref<80x128xf32, #tpu.memory_space<vmem>>)
      %dma_start3A_430 = arith.constant 5 : i32
      %dma_start3A_431 = arith.constant 5 : i32
      %dma_start3A_432 = arith.constant 5 : i32
      %dma_start3A_433 = arith.constant 0 : i32
      %dma_start3A_434 = arith.constant 0 : i32
      %dma_start3A_435 = tpu.memref_slice %arg10[%dma_start3A_430, %dma_start3A_433, %dma_start3A_434] : memref<8x80x128xf32, #tpu.memory_space<vmem>> -> memref<1x80x128xf32, #tpu.memory_space<vmem>>
      %dma_start3A_436 = tpu.memref_squeeze %dma_start3A_435 : memref<1x80x128xf32, #tpu.memory_space<vmem>> -> memref<80x128xf32, #tpu.memory_space<vmem>>
      %dma_start3A_437 = arith.constant 0 : i32
      %dma_start3A_438 = tpu.memref_slice %arg9[%dma_start3A_431, %dma_start3A_437] : memref<8x80xi32, #tpu.memory_space<vmem>> -> memref<1x80xi32, #tpu.memory_space<vmem>>
      %dma_start3A_439 = tpu.memref_squeeze %dma_start3A_438 : memref<1x80xi32, #tpu.memory_space<vmem>> -> memref<80xi32, #tpu.memory_space<vmem>>
      %dma_start3A_440 = arith.constant 0 : i32
      %dma_start3A_441 = arith.constant 0 : i32
      %dma_start3A_442 = tpu.memref_slice %arg11[%dma_start3A_440, %dma_start3A_441] : memref<3201x128xf32, #tpu.memory_space<vmem_shared>> -> memref<3201x128xf32, #tpu.memory_space<vmem_shared>>
      %dma_start3A_443 = tpu.memref_slice %arg15[%dma_start3A_432] : memref<8x!tpu.dma_semaphore, #tpu.memory_space<semaphore_mem>> -> memref<1x!tpu.dma_semaphore, #tpu.memory_space<semaphore_mem>>
      %dma_start3A_444 = tpu.memref_squeeze %dma_start3A_443 : memref<1x!tpu.dma_semaphore, #tpu.memory_space<semaphore_mem>> -> memref<!tpu.dma_semaphore, #tpu.memory_space<semaphore_mem>>
      tpu.enqueue_indirect_dma source(%dma_start3A_436 : memref<80x128xf32, #tpu.memory_space<vmem>>) target(%dma_start3A_442 : memref<3201x128xf32, #tpu.memory_space<vmem_shared>>) offsets(%dma_start3A_439 : memref<80xi32, #tpu.memory_space<vmem>>) semaphore(%dma_start3A_444 : memref<!tpu.dma_semaphore, #tpu.memory_space<semaphore_mem>>) {add = true}
    } else {
    }
    %add3A_370 = arith.constant 96 : i32
    %add3A_371 = arith.addi %add3A_370, %arg1 : i32
    %convert_element_type3A_372 = arith.extui %and3A_271 : i1 to i32
    %cond3A_373 = arith.constant 0 : i32
    %cond3A_374 = arith.cmpi ne, %convert_element_type3A_372, %cond3A_373 : i32
    scf.if %cond3A_374 {
      %mul3A_412 = arith.constant 80 : i32
      %mul3A_413 = arith.muli %add3A_371, %mul3A_412 : i32
      %dma_wait3A_414 = arith.constant 6 : i32
      %dma_wait3A_415 = arith.constant 6 : i32
      %dma_wait3A_416 = arith.constant 0 : i32
      %dma_wait3A_417 = arith.constant 0 : i32
      %dma_wait3A_418 = tpu.memref_slice %arg10[%dma_wait3A_414, %dma_wait3A_416, %dma_wait3A_417] : memref<8x80x128xf32, #tpu.memory_space<vmem>> -> memref<1x80x128xf32, #tpu.memory_space<vmem>>
      %dma_wait3A_419 = tpu.memref_squeeze %dma_wait3A_418 : memref<1x80x128xf32, #tpu.memory_space<vmem>> -> memref<80x128xf32, #tpu.memory_space<vmem>>
      %dma_wait3A_420 = arith.constant 0 : i32
      %dma_wait3A_421 = tpu.memref_slice %arg2[%mul3A_413, %dma_wait3A_420] : memref<10000x128xf32, #tpu.memory_space<hbm>> -> memref<80x128xf32, #tpu.memory_space<hbm>>
      %dma_wait3A_422 = tpu.memref_slice %arg14[%dma_wait3A_415] : memref<8x!tpu.dma_semaphore, #tpu.memory_space<semaphore_mem>> -> memref<1x!tpu.dma_semaphore, #tpu.memory_space<semaphore_mem>>
      %dma_wait3A_423 = tpu.memref_squeeze %dma_wait3A_422 : memref<1x!tpu.dma_semaphore, #tpu.memory_space<semaphore_mem>> -> memref<!tpu.dma_semaphore, #tpu.memory_space<semaphore_mem>>
      %dma_wait3A_424 = arith.constant 0 : i32
      %dma_wait3A_425 = arith.constant 0 : i32
      %dma_wait3A_426 = tpu.memref_slice %arg10[%dma_wait3A_414, %dma_wait3A_424, %dma_wait3A_425] : memref<8x80x128xf32, #tpu.memory_space<vmem>> -> memref<1x80x128xf32, #tpu.memory_space<vmem>>
      %dma_wait3A_427 = tpu.memref_squeeze %dma_wait3A_426 : memref<1x80x128xf32, #tpu.memory_space<vmem>> -> memref<80x128xf32, #tpu.memory_space<vmem>>
      %dma_wait3A_428 = arith.constant 0 : i32
      %dma_wait3A_429 = tpu.memref_slice %arg2[%mul3A_413, %dma_wait3A_428] : memref<10000x128xf32, #tpu.memory_space<hbm>> -> memref<80x128xf32, #tpu.memory_space<hbm>>
      tpu.wait_dma2 semaphore(%dma_wait3A_423 : memref<!tpu.dma_semaphore, #tpu.memory_space<semaphore_mem>>) src(%dma_wait3A_429 : memref<80x128xf32, #tpu.memory_space<hbm>>) dst(%dma_wait3A_427 : memref<80x128xf32, #tpu.memory_space<vmem>>)
      %dma_start3A_430 = arith.constant 6 : i32
      %dma_start3A_431 = arith.constant 6 : i32
      %dma_start3A_432 = arith.constant 6 : i32
      %dma_start3A_433 = arith.constant 0 : i32
      %dma_start3A_434 = arith.constant 0 : i32
      %dma_start3A_435 = tpu.memref_slice %arg10[%dma_start3A_430, %dma_start3A_433, %dma_start3A_434] : memref<8x80x128xf32, #tpu.memory_space<vmem>> -> memref<1x80x128xf32, #tpu.memory_space<vmem>>
      %dma_start3A_436 = tpu.memref_squeeze %dma_start3A_435 : memref<1x80x128xf32, #tpu.memory_space<vmem>> -> memref<80x128xf32, #tpu.memory_space<vmem>>
      %dma_start3A_437 = arith.constant 0 : i32
      %dma_start3A_438 = tpu.memref_slice %arg9[%dma_start3A_431, %dma_start3A_437] : memref<8x80xi32, #tpu.memory_space<vmem>> -> memref<1x80xi32, #tpu.memory_space<vmem>>
      %dma_start3A_439 = tpu.memref_squeeze %dma_start3A_438 : memref<1x80xi32, #tpu.memory_space<vmem>> -> memref<80xi32, #tpu.memory_space<vmem>>
      %dma_start3A_440 = arith.constant 0 : i32
      %dma_start3A_441 = arith.constant 0 : i32
      %dma_start3A_442 = tpu.memref_slice %arg11[%dma_start3A_440, %dma_start3A_441] : memref<3201x128xf32, #tpu.memory_space<vmem_shared>> -> memref<3201x128xf32, #tpu.memory_space<vmem_shared>>
      %dma_start3A_443 = tpu.memref_slice %arg15[%dma_start3A_432] : memref<8x!tpu.dma_semaphore, #tpu.memory_space<semaphore_mem>> -> memref<1x!tpu.dma_semaphore, #tpu.memory_space<semaphore_mem>>
      %dma_start3A_444 = tpu.memref_squeeze %dma_start3A_443 : memref<1x!tpu.dma_semaphore, #tpu.memory_space<semaphore_mem>> -> memref<!tpu.dma_semaphore, #tpu.memory_space<semaphore_mem>>
      tpu.enqueue_indirect_dma source(%dma_start3A_436 : memref<80x128xf32, #tpu.memory_space<vmem>>) target(%dma_start3A_442 : memref<3201x128xf32, #tpu.memory_space<vmem_shared>>) offsets(%dma_start3A_439 : memref<80xi32, #tpu.memory_space<vmem>>) semaphore(%dma_start3A_444 : memref<!tpu.dma_semaphore, #tpu.memory_space<semaphore_mem>>) {add = true}
    } else {
    }
    %add3A_375 = arith.constant 112 : i32
    %add3A_376 = arith.addi %add3A_375, %arg1 : i32
    %convert_element_type3A_377 = arith.extui %and3A_297 : i1 to i32
    %cond3A_378 = arith.constant 0 : i32
    %cond3A_379 = arith.cmpi ne, %convert_element_type3A_377, %cond3A_378 : i32
    scf.if %cond3A_379 {
      %mul3A_412 = arith.constant 80 : i32
      %mul3A_413 = arith.muli %add3A_376, %mul3A_412 : i32
      %dma_wait3A_414 = arith.constant 7 : i32
      %dma_wait3A_415 = arith.constant 7 : i32
      %dma_wait3A_416 = arith.constant 0 : i32
      %dma_wait3A_417 = arith.constant 0 : i32
      %dma_wait3A_418 = tpu.memref_slice %arg10[%dma_wait3A_414, %dma_wait3A_416, %dma_wait3A_417] : memref<8x80x128xf32, #tpu.memory_space<vmem>> -> memref<1x80x128xf32, #tpu.memory_space<vmem>>
      %dma_wait3A_419 = tpu.memref_squeeze %dma_wait3A_418 : memref<1x80x128xf32, #tpu.memory_space<vmem>> -> memref<80x128xf32, #tpu.memory_space<vmem>>
      %dma_wait3A_420 = arith.constant 0 : i32
      %dma_wait3A_421 = tpu.memref_slice %arg2[%mul3A_413, %dma_wait3A_420] : memref<10000x128xf32, #tpu.memory_space<hbm>> -> memref<80x128xf32, #tpu.memory_space<hbm>>
      %dma_wait3A_422 = tpu.memref_slice %arg14[%dma_wait3A_415] : memref<8x!tpu.dma_semaphore, #tpu.memory_space<semaphore_mem>> -> memref<1x!tpu.dma_semaphore, #tpu.memory_space<semaphore_mem>>
      %dma_wait3A_423 = tpu.memref_squeeze %dma_wait3A_422 : memref<1x!tpu.dma_semaphore, #tpu.memory_space<semaphore_mem>> -> memref<!tpu.dma_semaphore, #tpu.memory_space<semaphore_mem>>
      %dma_wait3A_424 = arith.constant 0 : i32
      %dma_wait3A_425 = arith.constant 0 : i32
      %dma_wait3A_426 = tpu.memref_slice %arg10[%dma_wait3A_414, %dma_wait3A_424, %dma_wait3A_425] : memref<8x80x128xf32, #tpu.memory_space<vmem>> -> memref<1x80x128xf32, #tpu.memory_space<vmem>>
      %dma_wait3A_427 = tpu.memref_squeeze %dma_wait3A_426 : memref<1x80x128xf32, #tpu.memory_space<vmem>> -> memref<80x128xf32, #tpu.memory_space<vmem>>
      %dma_wait3A_428 = arith.constant 0 : i32
      %dma_wait3A_429 = tpu.memref_slice %arg2[%mul3A_413, %dma_wait3A_428] : memref<10000x128xf32, #tpu.memory_space<hbm>> -> memref<80x128xf32, #tpu.memory_space<hbm>>
      tpu.wait_dma2 semaphore(%dma_wait3A_423 : memref<!tpu.dma_semaphore, #tpu.memory_space<semaphore_mem>>) src(%dma_wait3A_429 : memref<80x128xf32, #tpu.memory_space<hbm>>) dst(%dma_wait3A_427 : memref<80x128xf32, #tpu.memory_space<vmem>>)
      %dma_start3A_430 = arith.constant 7 : i32
      %dma_start3A_431 = arith.constant 7 : i32
      %dma_start3A_432 = arith.constant 7 : i32
      %dma_start3A_433 = arith.constant 0 : i32
      %dma_start3A_434 = arith.constant 0 : i32
      %dma_start3A_435 = tpu.memref_slice %arg10[%dma_start3A_430, %dma_start3A_433, %dma_start3A_434] : memref<8x80x128xf32, #tpu.memory_space<vmem>> -> memref<1x80x128xf32, #tpu.memory_space<vmem>>
      %dma_start3A_436 = tpu.memref_squeeze %dma_start3A_435 : memref<1x80x128xf32, #tpu.memory_space<vmem>> -> memref<80x128xf32, #tpu.memory_space<vmem>>
      %dma_start3A_437 = arith.constant 0 : i32
      %dma_start3A_438 = tpu.memref_slice %arg9[%dma_start3A_431, %dma_start3A_437] : memref<8x80xi32, #tpu.memory_space<vmem>> -> memref<1x80xi32, #tpu.memory_space<vmem>>
      %dma_start3A_439 = tpu.memref_squeeze %dma_start3A_438 : memref<1x80xi32, #tpu.memory_space<vmem>> -> memref<80xi32, #tpu.memory_space<vmem>>
      %dma_start3A_440 = arith.constant 0 : i32
      %dma_start3A_441 = arith.constant 0 : i32
      %dma_start3A_442 = tpu.memref_slice %arg11[%dma_start3A_440, %dma_start3A_441] : memref<3201x128xf32, #tpu.memory_space<vmem_shared>> -> memref<3201x128xf32, #tpu.memory_space<vmem_shared>>
      %dma_start3A_443 = tpu.memref_slice %arg15[%dma_start3A_432] : memref<8x!tpu.dma_semaphore, #tpu.memory_space<semaphore_mem>> -> memref<1x!tpu.dma_semaphore, #tpu.memory_space<semaphore_mem>>
      %dma_start3A_444 = tpu.memref_squeeze %dma_start3A_443 : memref<1x!tpu.dma_semaphore, #tpu.memory_space<semaphore_mem>> -> memref<!tpu.dma_semaphore, #tpu.memory_space<semaphore_mem>>
      tpu.enqueue_indirect_dma source(%dma_start3A_436 : memref<80x128xf32, #tpu.memory_space<vmem>>) target(%dma_start3A_442 : memref<3201x128xf32, #tpu.memory_space<vmem_shared>>) offsets(%dma_start3A_439 : memref<80xi32, #tpu.memory_space<vmem>>) semaphore(%dma_start3A_444 : memref<!tpu.dma_semaphore, #tpu.memory_space<semaphore_mem>>) {add = true}
    } else {
    }
    %convert_element_type3A_380 = arith.extui %and3A_115 : i1 to i32
    %cond3A_381 = arith.constant 0 : i32
    %cond3A_382 = arith.cmpi ne, %convert_element_type3A_380, %cond3A_381 : i32
    scf.if %cond3A_382 {
      %dma_wait3A_412 = arith.constant 0 : i32
      %dma_wait3A_413 = arith.constant 0 : i32
      %dma_wait3A_414 = arith.constant 0 : i32
      %dma_wait3A_415 = arith.constant 0 : i32
      %dma_wait3A_416 = arith.constant 0 : i32
      %dma_wait3A_417 = tpu.memref_slice %arg10[%dma_wait3A_412, %dma_wait3A_415, %dma_wait3A_416] : memref<8x80x128xf32, #tpu.memory_space<vmem>> -> memref<1x80x128xf32, #tpu.memory_space<vmem>>
      %dma_wait3A_418 = tpu.memref_squeeze %dma_wait3A_417 : memref<1x80x128xf32, #tpu.memory_space<vmem>> -> memref<80x128xf32, #tpu.memory_space<vmem>>
      %dma_wait3A_419 = arith.constant 0 : i32
      %dma_wait3A_420 = tpu.memref_slice %arg9[%dma_wait3A_413, %dma_wait3A_419] : memref<8x80xi32, #tpu.memory_space<vmem>> -> memref<1x80xi32, #tpu.memory_space<vmem>>
      %dma_wait3A_421 = tpu.memref_squeeze %dma_wait3A_420 : memref<1x80xi32, #tpu.memory_space<vmem>> -> memref<80xi32, #tpu.memory_space<vmem>>
      %dma_wait3A_422 = arith.constant 0 : i32
      %dma_wait3A_423 = arith.constant 0 : i32
      %dma_wait3A_424 = tpu.memref_slice %arg11[%dma_wait3A_422, %dma_wait3A_423] : memref<3201x128xf32, #tpu.memory_space<vmem_shared>> -> memref<3201x128xf32, #tpu.memory_space<vmem_shared>>
      %dma_wait3A_425 = tpu.memref_slice %arg15[%dma_wait3A_414] : memref<8x!tpu.dma_semaphore, #tpu.memory_space<semaphore_mem>> -> memref<1x!tpu.dma_semaphore, #tpu.memory_space<semaphore_mem>>
      %dma_wait3A_426 = tpu.memref_squeeze %dma_wait3A_425 : memref<1x!tpu.dma_semaphore, #tpu.memory_space<semaphore_mem>> -> memref<!tpu.dma_semaphore, #tpu.memory_space<semaphore_mem>>
      tpu.wait_indirect_dma semaphore(%dma_wait3A_426 : memref<!tpu.dma_semaphore, #tpu.memory_space<semaphore_mem>>) src(%dma_wait3A_418 : memref<80x128xf32, #tpu.memory_space<vmem>>) dst(%dma_wait3A_424 : memref<3201x128xf32, #tpu.memory_space<vmem_shared>>)
    } else {
    }
    %convert_element_type3A_383 = arith.extui %and3A_141 : i1 to i32
    %cond3A_384 = arith.constant 0 : i32
    %cond3A_385 = arith.cmpi ne, %convert_element_type3A_383, %cond3A_384 : i32
    scf.if %cond3A_385 {
      %dma_wait3A_412 = arith.constant 1 : i32
      %dma_wait3A_413 = arith.constant 1 : i32
      %dma_wait3A_414 = arith.constant 1 : i32
      %dma_wait3A_415 = arith.constant 0 : i32
      %dma_wait3A_416 = arith.constant 0 : i32
      %dma_wait3A_417 = tpu.memref_slice %arg10[%dma_wait3A_412, %dma_wait3A_415, %dma_wait3A_416] : memref<8x80x128xf32, #tpu.memory_space<vmem>> -> memref<1x80x128xf32, #tpu.memory_space<vmem>>
      %dma_wait3A_418 = tpu.memref_squeeze %dma_wait3A_417 : memref<1x80x128xf32, #tpu.memory_space<vmem>> -> memref<80x128xf32, #tpu.memory_space<vmem>>
      %dma_wait3A_419 = arith.constant 0 : i32
      %dma_wait3A_420 = tpu.memref_slice %arg9[%dma_wait3A_413, %dma_wait3A_419] : memref<8x80xi32, #tpu.memory_space<vmem>> -> memref<1x80xi32, #tpu.memory_space<vmem>>
      %dma_wait3A_421 = tpu.memref_squeeze %dma_wait3A_420 : memref<1x80xi32, #tpu.memory_space<vmem>> -> memref<80xi32, #tpu.memory_space<vmem>>
      %dma_wait3A_422 = arith.constant 0 : i32
      %dma_wait3A_423 = arith.constant 0 : i32
      %dma_wait3A_424 = tpu.memref_slice %arg11[%dma_wait3A_422, %dma_wait3A_423] : memref<3201x128xf32, #tpu.memory_space<vmem_shared>> -> memref<3201x128xf32, #tpu.memory_space<vmem_shared>>
      %dma_wait3A_425 = tpu.memref_slice %arg15[%dma_wait3A_414] : memref<8x!tpu.dma_semaphore, #tpu.memory_space<semaphore_mem>> -> memref<1x!tpu.dma_semaphore, #tpu.memory_space<semaphore_mem>>
      %dma_wait3A_426 = tpu.memref_squeeze %dma_wait3A_425 : memref<1x!tpu.dma_semaphore, #tpu.memory_space<semaphore_mem>> -> memref<!tpu.dma_semaphore, #tpu.memory_space<semaphore_mem>>
      tpu.wait_indirect_dma semaphore(%dma_wait3A_426 : memref<!tpu.dma_semaphore, #tpu.memory_space<semaphore_mem>>) src(%dma_wait3A_418 : memref<80x128xf32, #tpu.memory_space<vmem>>) dst(%dma_wait3A_424 : memref<3201x128xf32, #tpu.memory_space<vmem_shared>>)
    } else {
    }
    %convert_element_type3A_386 = arith.extui %and3A_167 : i1 to i32
    %cond3A_387 = arith.constant 0 : i32
    %cond3A_388 = arith.cmpi ne, %convert_element_type3A_386, %cond3A_387 : i32
    scf.if %cond3A_388 {
      %dma_wait3A_412 = arith.constant 2 : i32
      %dma_wait3A_413 = arith.constant 2 : i32
      %dma_wait3A_414 = arith.constant 2 : i32
      %dma_wait3A_415 = arith.constant 0 : i32
      %dma_wait3A_416 = arith.constant 0 : i32
      %dma_wait3A_417 = tpu.memref_slice %arg10[%dma_wait3A_412, %dma_wait3A_415, %dma_wait3A_416] : memref<8x80x128xf32, #tpu.memory_space<vmem>> -> memref<1x80x128xf32, #tpu.memory_space<vmem>>
      %dma_wait3A_418 = tpu.memref_squeeze %dma_wait3A_417 : memref<1x80x128xf32, #tpu.memory_space<vmem>> -> memref<80x128xf32, #tpu.memory_space<vmem>>
      %dma_wait3A_419 = arith.constant 0 : i32
      %dma_wait3A_420 = tpu.memref_slice %arg9[%dma_wait3A_413, %dma_wait3A_419] : memref<8x80xi32, #tpu.memory_space<vmem>> -> memref<1x80xi32, #tpu.memory_space<vmem>>
      %dma_wait3A_421 = tpu.memref_squeeze %dma_wait3A_420 : memref<1x80xi32, #tpu.memory_space<vmem>> -> memref<80xi32, #tpu.memory_space<vmem>>
      %dma_wait3A_422 = arith.constant 0 : i32
      %dma_wait3A_423 = arith.constant 0 : i32
      %dma_wait3A_424 = tpu.memref_slice %arg11[%dma_wait3A_422, %dma_wait3A_423] : memref<3201x128xf32, #tpu.memory_space<vmem_shared>> -> memref<3201x128xf32, #tpu.memory_space<vmem_shared>>
      %dma_wait3A_425 = tpu.memref_slice %arg15[%dma_wait3A_414] : memref<8x!tpu.dma_semaphore, #tpu.memory_space<semaphore_mem>> -> memref<1x!tpu.dma_semaphore, #tpu.memory_space<semaphore_mem>>
      %dma_wait3A_426 = tpu.memref_squeeze %dma_wait3A_425 : memref<1x!tpu.dma_semaphore, #tpu.memory_space<semaphore_mem>> -> memref<!tpu.dma_semaphore, #tpu.memory_space<semaphore_mem>>
      tpu.wait_indirect_dma semaphore(%dma_wait3A_426 : memref<!tpu.dma_semaphore, #tpu.memory_space<semaphore_mem>>) src(%dma_wait3A_418 : memref<80x128xf32, #tpu.memory_space<vmem>>) dst(%dma_wait3A_424 : memref<3201x128xf32, #tpu.memory_space<vmem_shared>>)
    } else {
    }
    %convert_element_type3A_389 = arith.extui %and3A_193 : i1 to i32
    %cond3A_390 = arith.constant 0 : i32
    %cond3A_391 = arith.cmpi ne, %convert_element_type3A_389, %cond3A_390 : i32
    scf.if %cond3A_391 {
      %dma_wait3A_412 = arith.constant 3 : i32
      %dma_wait3A_413 = arith.constant 3 : i32
      %dma_wait3A_414 = arith.constant 3 : i32
      %dma_wait3A_415 = arith.constant 0 : i32
      %dma_wait3A_416 = arith.constant 0 : i32
      %dma_wait3A_417 = tpu.memref_slice %arg10[%dma_wait3A_412, %dma_wait3A_415, %dma_wait3A_416] : memref<8x80x128xf32, #tpu.memory_space<vmem>> -> memref<1x80x128xf32, #tpu.memory_space<vmem>>
      %dma_wait3A_418 = tpu.memref_squeeze %dma_wait3A_417 : memref<1x80x128xf32, #tpu.memory_space<vmem>> -> memref<80x128xf32, #tpu.memory_space<vmem>>
      %dma_wait3A_419 = arith.constant 0 : i32
      %dma_wait3A_420 = tpu.memref_slice %arg9[%dma_wait3A_413, %dma_wait3A_419] : memref<8x80xi32, #tpu.memory_space<vmem>> -> memref<1x80xi32, #tpu.memory_space<vmem>>
      %dma_wait3A_421 = tpu.memref_squeeze %dma_wait3A_420 : memref<1x80xi32, #tpu.memory_space<vmem>> -> memref<80xi32, #tpu.memory_space<vmem>>
      %dma_wait3A_422 = arith.constant 0 : i32
      %dma_wait3A_423 = arith.constant 0 : i32
      %dma_wait3A_424 = tpu.memref_slice %arg11[%dma_wait3A_422, %dma_wait3A_423] : memref<3201x128xf32, #tpu.memory_space<vmem_shared>> -> memref<3201x128xf32, #tpu.memory_space<vmem_shared>>
      %dma_wait3A_425 = tpu.memref_slice %arg15[%dma_wait3A_414] : memref<8x!tpu.dma_semaphore, #tpu.memory_space<semaphore_mem>> -> memref<1x!tpu.dma_semaphore, #tpu.memory_space<semaphore_mem>>
      %dma_wait3A_426 = tpu.memref_squeeze %dma_wait3A_425 : memref<1x!tpu.dma_semaphore, #tpu.memory_space<semaphore_mem>> -> memref<!tpu.dma_semaphore, #tpu.memory_space<semaphore_mem>>
      tpu.wait_indirect_dma semaphore(%dma_wait3A_426 : memref<!tpu.dma_semaphore, #tpu.memory_space<semaphore_mem>>) src(%dma_wait3A_418 : memref<80x128xf32, #tpu.memory_space<vmem>>) dst(%dma_wait3A_424 : memref<3201x128xf32, #tpu.memory_space<vmem_shared>>)
    } else {
    }
    %convert_element_type3A_392 = arith.extui %and3A_219 : i1 to i32
    %cond3A_393 = arith.constant 0 : i32
    %cond3A_394 = arith.cmpi ne, %convert_element_type3A_392, %cond3A_393 : i32
    scf.if %cond3A_394 {
      %dma_wait3A_412 = arith.constant 4 : i32
      %dma_wait3A_413 = arith.constant 4 : i32
      %dma_wait3A_414 = arith.constant 4 : i32
      %dma_wait3A_415 = arith.constant 0 : i32
      %dma_wait3A_416 = arith.constant 0 : i32
      %dma_wait3A_417 = tpu.memref_slice %arg10[%dma_wait3A_412, %dma_wait3A_415, %dma_wait3A_416] : memref<8x80x128xf32, #tpu.memory_space<vmem>> -> memref<1x80x128xf32, #tpu.memory_space<vmem>>
      %dma_wait3A_418 = tpu.memref_squeeze %dma_wait3A_417 : memref<1x80x128xf32, #tpu.memory_space<vmem>> -> memref<80x128xf32, #tpu.memory_space<vmem>>
      %dma_wait3A_419 = arith.constant 0 : i32
      %dma_wait3A_420 = tpu.memref_slice %arg9[%dma_wait3A_413, %dma_wait3A_419] : memref<8x80xi32, #tpu.memory_space<vmem>> -> memref<1x80xi32, #tpu.memory_space<vmem>>
      %dma_wait3A_421 = tpu.memref_squeeze %dma_wait3A_420 : memref<1x80xi32, #tpu.memory_space<vmem>> -> memref<80xi32, #tpu.memory_space<vmem>>
      %dma_wait3A_422 = arith.constant 0 : i32
      %dma_wait3A_423 = arith.constant 0 : i32
      %dma_wait3A_424 = tpu.memref_slice %arg11[%dma_wait3A_422, %dma_wait3A_423] : memref<3201x128xf32, #tpu.memory_space<vmem_shared>> -> memref<3201x128xf32, #tpu.memory_space<vmem_shared>>
      %dma_wait3A_425 = tpu.memref_slice %arg15[%dma_wait3A_414] : memref<8x!tpu.dma_semaphore, #tpu.memory_space<semaphore_mem>> -> memref<1x!tpu.dma_semaphore, #tpu.memory_space<semaphore_mem>>
      %dma_wait3A_426 = tpu.memref_squeeze %dma_wait3A_425 : memref<1x!tpu.dma_semaphore, #tpu.memory_space<semaphore_mem>> -> memref<!tpu.dma_semaphore, #tpu.memory_space<semaphore_mem>>
      tpu.wait_indirect_dma semaphore(%dma_wait3A_426 : memref<!tpu.dma_semaphore, #tpu.memory_space<semaphore_mem>>) src(%dma_wait3A_418 : memref<80x128xf32, #tpu.memory_space<vmem>>) dst(%dma_wait3A_424 : memref<3201x128xf32, #tpu.memory_space<vmem_shared>>)
    } else {
    }
    %convert_element_type3A_395 = arith.extui %and3A_245 : i1 to i32
    %cond3A_396 = arith.constant 0 : i32
    %cond3A_397 = arith.cmpi ne, %convert_element_type3A_395, %cond3A_396 : i32
    scf.if %cond3A_397 {
      %dma_wait3A_412 = arith.constant 5 : i32
      %dma_wait3A_413 = arith.constant 5 : i32
      %dma_wait3A_414 = arith.constant 5 : i32
      %dma_wait3A_415 = arith.constant 0 : i32
      %dma_wait3A_416 = arith.constant 0 : i32
      %dma_wait3A_417 = tpu.memref_slice %arg10[%dma_wait3A_412, %dma_wait3A_415, %dma_wait3A_416] : memref<8x80x128xf32, #tpu.memory_space<vmem>> -> memref<1x80x128xf32, #tpu.memory_space<vmem>>
      %dma_wait3A_418 = tpu.memref_squeeze %dma_wait3A_417 : memref<1x80x128xf32, #tpu.memory_space<vmem>> -> memref<80x128xf32, #tpu.memory_space<vmem>>
      %dma_wait3A_419 = arith.constant 0 : i32
      %dma_wait3A_420 = tpu.memref_slice %arg9[%dma_wait3A_413, %dma_wait3A_419] : memref<8x80xi32, #tpu.memory_space<vmem>> -> memref<1x80xi32, #tpu.memory_space<vmem>>
      %dma_wait3A_421 = tpu.memref_squeeze %dma_wait3A_420 : memref<1x80xi32, #tpu.memory_space<vmem>> -> memref<80xi32, #tpu.memory_space<vmem>>
      %dma_wait3A_422 = arith.constant 0 : i32
      %dma_wait3A_423 = arith.constant 0 : i32
      %dma_wait3A_424 = tpu.memref_slice %arg11[%dma_wait3A_422, %dma_wait3A_423] : memref<3201x128xf32, #tpu.memory_space<vmem_shared>> -> memref<3201x128xf32, #tpu.memory_space<vmem_shared>>
      %dma_wait3A_425 = tpu.memref_slice %arg15[%dma_wait3A_414] : memref<8x!tpu.dma_semaphore, #tpu.memory_space<semaphore_mem>> -> memref<1x!tpu.dma_semaphore, #tpu.memory_space<semaphore_mem>>
      %dma_wait3A_426 = tpu.memref_squeeze %dma_wait3A_425 : memref<1x!tpu.dma_semaphore, #tpu.memory_space<semaphore_mem>> -> memref<!tpu.dma_semaphore, #tpu.memory_space<semaphore_mem>>
      tpu.wait_indirect_dma semaphore(%dma_wait3A_426 : memref<!tpu.dma_semaphore, #tpu.memory_space<semaphore_mem>>) src(%dma_wait3A_418 : memref<80x128xf32, #tpu.memory_space<vmem>>) dst(%dma_wait3A_424 : memref<3201x128xf32, #tpu.memory_space<vmem_shared>>)
    } else {
    }
    %convert_element_type3A_398 = arith.extui %and3A_271 : i1 to i32
    %cond3A_399 = arith.constant 0 : i32
    %cond3A_400 = arith.cmpi ne, %convert_element_type3A_398, %cond3A_399 : i32
    scf.if %cond3A_400 {
      %dma_wait3A_412 = arith.constant 6 : i32
      %dma_wait3A_413 = arith.constant 6 : i32
      %dma_wait3A_414 = arith.constant 6 : i32
      %dma_wait3A_415 = arith.constant 0 : i32
      %dma_wait3A_416 = arith.constant 0 : i32
      %dma_wait3A_417 = tpu.memref_slice %arg10[%dma_wait3A_412, %dma_wait3A_415, %dma_wait3A_416] : memref<8x80x128xf32, #tpu.memory_space<vmem>> -> memref<1x80x128xf32, #tpu.memory_space<vmem>>
      %dma_wait3A_418 = tpu.memref_squeeze %dma_wait3A_417 : memref<1x80x128xf32, #tpu.memory_space<vmem>> -> memref<80x128xf32, #tpu.memory_space<vmem>>
      %dma_wait3A_419 = arith.constant 0 : i32
      %dma_wait3A_420 = tpu.memref_slice %arg9[%dma_wait3A_413, %dma_wait3A_419] : memref<8x80xi32, #tpu.memory_space<vmem>> -> memref<1x80xi32, #tpu.memory_space<vmem>>
      %dma_wait3A_421 = tpu.memref_squeeze %dma_wait3A_420 : memref<1x80xi32, #tpu.memory_space<vmem>> -> memref<80xi32, #tpu.memory_space<vmem>>
      %dma_wait3A_422 = arith.constant 0 : i32
      %dma_wait3A_423 = arith.constant 0 : i32
      %dma_wait3A_424 = tpu.memref_slice %arg11[%dma_wait3A_422, %dma_wait3A_423] : memref<3201x128xf32, #tpu.memory_space<vmem_shared>> -> memref<3201x128xf32, #tpu.memory_space<vmem_shared>>
      %dma_wait3A_425 = tpu.memref_slice %arg15[%dma_wait3A_414] : memref<8x!tpu.dma_semaphore, #tpu.memory_space<semaphore_mem>> -> memref<1x!tpu.dma_semaphore, #tpu.memory_space<semaphore_mem>>
      %dma_wait3A_426 = tpu.memref_squeeze %dma_wait3A_425 : memref<1x!tpu.dma_semaphore, #tpu.memory_space<semaphore_mem>> -> memref<!tpu.dma_semaphore, #tpu.memory_space<semaphore_mem>>
      tpu.wait_indirect_dma semaphore(%dma_wait3A_426 : memref<!tpu.dma_semaphore, #tpu.memory_space<semaphore_mem>>) src(%dma_wait3A_418 : memref<80x128xf32, #tpu.memory_space<vmem>>) dst(%dma_wait3A_424 : memref<3201x128xf32, #tpu.memory_space<vmem_shared>>)
    } else {
    }
    %convert_element_type3A_401 = arith.extui %and3A_297 : i1 to i32
    %cond3A_402 = arith.constant 0 : i32
    %cond3A_403 = arith.cmpi ne, %convert_element_type3A_401, %cond3A_402 : i32
    scf.if %cond3A_403 {
      %dma_wait3A_412 = arith.constant 7 : i32
      %dma_wait3A_413 = arith.constant 7 : i32
      %dma_wait3A_414 = arith.constant 7 : i32
      %dma_wait3A_415 = arith.constant 0 : i32
      %dma_wait3A_416 = arith.constant 0 : i32
      %dma_wait3A_417 = tpu.memref_slice %arg10[%dma_wait3A_412, %dma_wait3A_415, %dma_wait3A_416] : memref<8x80x128xf32, #tpu.memory_space<vmem>> -> memref<1x80x128xf32, #tpu.memory_space<vmem>>
      %dma_wait3A_418 = tpu.memref_squeeze %dma_wait3A_417 : memref<1x80x128xf32, #tpu.memory_space<vmem>> -> memref<80x128xf32, #tpu.memory_space<vmem>>
      %dma_wait3A_419 = arith.constant 0 : i32
      %dma_wait3A_420 = tpu.memref_slice %arg9[%dma_wait3A_413, %dma_wait3A_419] : memref<8x80xi32, #tpu.memory_space<vmem>> -> memref<1x80xi32, #tpu.memory_space<vmem>>
      %dma_wait3A_421 = tpu.memref_squeeze %dma_wait3A_420 : memref<1x80xi32, #tpu.memory_space<vmem>> -> memref<80xi32, #tpu.memory_space<vmem>>
      %dma_wait3A_422 = arith.constant 0 : i32
      %dma_wait3A_423 = arith.constant 0 : i32
      %dma_wait3A_424 = tpu.memref_slice %arg11[%dma_wait3A_422, %dma_wait3A_423] : memref<3201x128xf32, #tpu.memory_space<vmem_shared>> -> memref<3201x128xf32, #tpu.memory_space<vmem_shared>>
      %dma_wait3A_425 = tpu.memref_slice %arg15[%dma_wait3A_414] : memref<8x!tpu.dma_semaphore, #tpu.memory_space<semaphore_mem>> -> memref<1x!tpu.dma_semaphore, #tpu.memory_space<semaphore_mem>>
      %dma_wait3A_426 = tpu.memref_squeeze %dma_wait3A_425 : memref<1x!tpu.dma_semaphore, #tpu.memory_space<semaphore_mem>> -> memref<!tpu.dma_semaphore, #tpu.memory_space<semaphore_mem>>
      tpu.wait_indirect_dma semaphore(%dma_wait3A_426 : memref<!tpu.dma_semaphore, #tpu.memory_space<semaphore_mem>>) src(%dma_wait3A_418 : memref<80x128xf32, #tpu.memory_space<vmem>>) dst(%dma_wait3A_424 : memref<3201x128xf32, #tpu.memory_space<vmem_shared>>)
    } else {
    }
    %barrier3A_404 = arith.constant 0 : index
    tpu.barrier barrier_id(%barrier3A_404)
    %mul3A_405 = arith.constant 200 : i32
    %mul3A_406 = arith.muli %arg1, %mul3A_405 : i32
    %mul3A_407 = arith.constant 3200 : i32
    %mul3A_408 = arith.muli %arg0, %mul3A_407 : i32
    %mul3A_409 = arith.constant 200 : i32
    %mul3A_410 = arith.muli %arg1, %mul3A_409 : i32
    %add3A_411 = arith.addi %mul3A_408, %mul3A_410 : i32
    "tpu.region"() ({
      %run_scoped3A = tpu.sem_alloc : memref<!tpu.dma_semaphore, #tpu.memory_space<semaphore_mem>>
      %dma_start3A_412 = arith.constant 0 : i32
      %dma_start3A_413 = tpu.memref_slice %arg5[%add3A_411, %dma_start3A_412] : memref<6400x128xf32, #tpu.memory_space<hbm>> -> memref<200x128xf32, #tpu.memory_space<hbm>>
      %dma_start3A_414 = arith.constant 0 : i32
      %dma_start3A_415 = tpu.memref_slice %arg11[%mul3A_406, %dma_start3A_414] : memref<3201x128xf32, #tpu.memory_space<vmem_shared>> -> memref<200x128xf32, #tpu.memory_space<vmem_shared>>
      tpu.enqueue_dma source(%dma_start3A_415 : memref<200x128xf32, #tpu.memory_space<vmem_shared>>) target(%dma_start3A_413 : memref<200x128xf32, #tpu.memory_space<hbm>>) target_semaphore(%run_scoped3A : memref<!tpu.dma_semaphore, #tpu.memory_space<semaphore_mem>>)
      %dma_wait3A_416 = arith.constant 0 : i32
      %dma_wait3A_417 = tpu.memref_slice %arg5[%add3A_411, %dma_wait3A_416] : memref<6400x128xf32, #tpu.memory_space<hbm>> -> memref<200x128xf32, #tpu.memory_space<hbm>>
      %dma_wait3A_418 = arith.constant 0 : i32
      %dma_wait3A_419 = tpu.memref_slice %arg11[%mul3A_406, %dma_wait3A_418] : memref<3201x128xf32, #tpu.memory_space<vmem_shared>> -> memref<200x128xf32, #tpu.memory_space<vmem_shared>>
      tpu.wait_dma2 semaphore(%run_scoped3A : memref<!tpu.dma_semaphore, #tpu.memory_space<semaphore_mem>>) src(%dma_wait3A_419 : memref<200x128xf32, #tpu.memory_space<vmem_shared>>) dst(%dma_wait3A_417 : memref<200x128xf32, #tpu.memory_space<hbm>>)
      tpu.yield
    }) : () -> ()
    return
  }
}

</mosaic_0001>

<sc_bundles>
// kernel: _pool.3.cloned.1.call-start
scs
__scs_entry_jumppad:
0x0: {  	(pc) =	sbr.rel $0x88, $3  }
0x1: {  	(tag) =	ssettag $0x0;
	lr =	simm.s32 $0x1  }
0x2: {  	[smem:$0x3F9E] =	sst lr;
	_ =	strace $0xD0000000  }
0x3: {  	_ = 	snop  }
0x4: {  	_ = 	snop  }
0x5: {  	_ = 	snop  }
0x6: {  	_ = 	snop  }
0x7: {  	_ = 	snop  }
__scs_overlays_trampoline_lowered:
0x8: {  	[smem:$0x3FAD] =	sst s0  }
0x9: {  	[smem:$0x3FAE] =	sst s1  }
0xa: {  	[smem:$0x3FAF] =	sst s2  }
0xb: {  	[smem:$0x3FB0] =	sst s3  }
0xc: {  	[smem:$0x3FB1] =	sst s4  }
0xd: {  	[smem:$0x3FB2] =	sst s5  }
0xe: {  	[smem:$0x3FB3] =	sst s6  }
0xf: {  	[smem:$0x3FB4] =	sst s7  }
0x10: {  	[smem:$0x3FB5] =	sst s8  }
0x11: {  	[smem:$0x3FB6] =	sst s9;
	s0 =	simm.s32 @!p0 $0x0  }
0x12: {  	s1 =	sld [smem:$0x3F9C];
	s0 =	simm.s32 @p0 $0x1  }
0x13: {  	[smem:$0x3FB7] =	sst s0;
	s0 =	simm.s32 @!p1 $0x0  }
0x14: {  	s2 =	sld [smem:$0x3F9B];
	s0 =	simm.s32 @p1 $0x1  }
0x15: {  	[smem:$0x3FB8] =	sst s0;
	s0 =	simm.s32 @!p2 $0x0  }
0x16: {  	s3 =	sld [smem:$0x3FDB];
	s0 =	simm.s32 @p2 $0x1  }
0x17: {  	s4 =	simm.s32 $0x1BF5;
	[smem:$0x3FBA] =	sst s0  }
0x18: {  	s0 =	sld [smem:$0x3F9D];
	_ =	swait.ge [sflag:s4], $0x0  }
0x19: {  	s7 =	sld [smem:$0x3F9E]  }
0x1a: {  	s8 =	sadd.s32 $0xFFFFE003, lr  }
0x1b: {  	s9 =	sadd.s32 $0xFFFFFEF7, lr;
	s5 =	simm.s32 $0xFFFFFFFF;
	p2 =	slt.u32 s8, $0xFFFFF086  }
0x1c: {  	p1 =	slt.u32 s9, $0xF7A;
	s5 =	simm.s32 @!p2 $0x0  }
0x1d: {  	s5 =	simm.s32 @p1 $0x1;
	p0 =	seq.s32 s7, s2  }
0x1e: {  	s7 =	smul.u32 @!p0 $0xF7A, s2;
	p2 =	seq.s32 @!p0 s5, $0x0  }
0x1f: {  	s9 =	smul.u32 $0xF7A, s1;
	s8 =	simm.s32 @!p0 $0x1BF5;
	p2 =	por !p2, p0  }
0x20: {  	[sflag:s8] =	ssyncset.s32 @!p0 $0xFFFFF086;
	s6 =	sadd.s32 @!p0 s3, s7;
	s7 =	simm.s32 @!p0 $0x108  }
0x21: {  	s3 =	sadd.s32 s3, s9;
	s6 =	sadd.s32 @!p0 $0x88, s6;
	s7 =	simm.s32 @p2 $0x1082  }
0x22: {  	[simem:s7], [sflag:s8] =	dma.local @!p0 [hbm:s6], $0xF7A  }
0x23: {  	s9 =	sor.u32 $0xD0000000, s2;
	s6 =	simm.s32 $0x108;
	_ =	swait.ge @!p0 [sflag:s8], $0x0  }
0x24: {  	s3 =	sadd.s32 $0x88, s3;
	s6 =	simm.s32 @!p1 $0x1082;
	[sflag:s4] =	ssyncset.s32 $0xFFFFF086  }
0x25: {  	[simem:s6], [sflag:s4] =	dma.local [hbm:s3], $0xF7A  }
0x26: {  	[smem:$0x3F9E] =	sst s1;
	(tag) =	ssettag s2;
	_ =	strace s9  }
0x27: {  	s1 =	sld [smem:$0x3FAE]  }
0x28: {  	s2 =	sld [smem:$0x3FAF]  }
0x29: {  	s4 =	sld [smem:$0x3FB1]  }
0x2a: {  	p0 =	seq.s32 s5, $0x0;
	s5 =	sld [smem:$0x3FB2]  }
0x2b: {  	s6 =	sld [smem:$0x3FB3]  }
0x2c: {  	s7 =	sld [smem:$0x3FB4]  }
0x2d: {  	s3 =	simm.s32 $0x108;
	s8 =	sld [smem:$0x3FB5]  }
0x2e: {  	s3 =	simm.s32 @!p0 $0x1082;
	s9 =	sld [smem:$0x3FB6]  }
0x2f: {  	lr =	sadd.s32 s0, s3;
	s0 =	sld [smem:$0x3FAD]  }
0x30: {  	s3 =	sld [smem:$0x3FB0]  }
0x31: {  	[smem:$0x3FB9] =	sst s10  }
0x32: {  	s10 =	sld [smem:$0x3FB7];
	_ =	sdelay $0x3  }
0x33: {  	p0 =	seq.s32 s10, $0x1;
	s10 =	sld [smem:$0x3FB9];
	_ =	sdelay $0x3  }
0x34: {  	[smem:$0x3FB9] =	sst s10  }
0x35: {  	s10 =	sld [smem:$0x3FB8];
	_ =	sdelay $0x3  }
0x36: {  	p1 =	seq.s32 s10, $0x1;
	s10 =	sld [smem:$0x3FB9];
	_ =	sdelay $0x3  }
0x37: {  	[smem:$0x3FB9] =	sst s10  }
0x38: {  	s10 =	sld [smem:$0x3FBA]  }
0x39: {  	_ = 	snop;
	(pc) =	sbr.ind lr, $3  }
0x3a: {  	_ = 	snop  }
0x3b: {  	_ = 	snop  }
0x3c: {  	p2 =	seq.s32 s10, $0x1;
	s10 =	sld [smem:$0x3FB9]  }
0x3d: {  	_ =	shalt  }
0x3e: {  	_ =	shalt  }
0x3f: {  	_ =	shalt  }
0x40: {  	_ =	shalt  }
0x41: {  	_ =	shalt  }
0x42: {  	_ =	shalt  }
0x43: {  	_ =	shalt  }
0x44: {  	_ =	shalt  }
0x45: {  	_ =	shalt  }
0x46: {  	_ =	shalt  }
0x47: {  	_ =	shalt  }
0x48: {  	_ =	shalt  }
0x49: {  	_ =	shalt  }
0x4a: {  	_ =	shalt  }
0x4b: {  	_ =	shalt  }
0x4c: {  	_ =	shalt  }
0x4d: {  	_ =	shalt  }
0x4e: {  	_ =	shalt  }
0x4f: {  	_ =	shalt  }
0x50: {  	_ =	shalt  }
0x51: {  	_ =	shalt  }
0x52: {  	_ =	shalt  }
0x53: {  	_ =	shalt  }
0x54: {  	_ =	shalt  }
0x55: {  	_ =	shalt  }
0x56: {  	_ =	shalt  }
0x57: {  	_ =	shalt  }
0x58: {  	_ =	shalt  }
0x59: {  	_ =	shalt  }
0x5a: {  	_ =	shalt  }
0x5b: {  	_ =	shalt  }
0x5c: {  	_ =	shalt  }
0x5d: {  	_ =	shalt  }
0x5e: {  	_ =	shalt  }
0x5f: {  	_ =	shalt  }
0x60: {  	_ =	shalt  }
0x61: {  	_ =	shalt  }
0x62: {  	_ =	shalt  }
0x63: {  	_ =	shalt  }
0x64: {  	_ =	shalt  }
0x65: {  	_ =	shalt  }
0x66: {  	_ =	shalt  }
0x67: {  	_ =	shalt  }
0x68: {  	_ =	shalt  }
0x69: {  	_ =	shalt  }
0x6a: {  	_ =	shalt  }
0x6b: {  	_ =	shalt  }
0x6c: {  	_ =	shalt  }
0x6d: {  	_ =	shalt  }
0x6e: {  	_ =	shalt  }
0x6f: {  	_ =	shalt  }
0x70: {  	_ =	shalt  }
0x71: {  	_ =	shalt  }
0x72: {  	_ =	shalt  }
0x73: {  	_ =	shalt  }
0x74: {  	_ =	shalt  }
0x75: {  	_ =	shalt  }
0x76: {  	_ =	shalt  }
0x77: {  	_ =	shalt  }
0x78: {  	_ =	shalt  }
0x79: {  	_ =	shalt  }
0x7a: {  	_ =	shalt  }
0x7b: {  	_ =	shalt  }
0x7c: {  	_ =	shalt  }
0x7d: {  	_ =	shalt  }
0x7e: {  	_ =	shalt  }
0x7f: {  	_ =	shalt  }
0x80: {  	_ =	shalt  }
0x81: {  	_ =	shalt  }
0x82: {  	_ =	shalt  }
0x83: {  	_ =	shalt  }
0x84: {  	_ =	shalt  }
0x85: {  	_ =	shalt  }
0x86: {  	_ =	shalt  }
0x87: {  	_ =	shalt  }
.Lfunc_end0:
.L_simem_size_0:
called_computation_lowered:
.L_overlay_start_0:
0x88: {  	s2 =	sld [smem:$0x3FD9]  }
0x89: {  	s3 =	sld [smem:$0x3FFE];
	_ =	sdelay $0x1  }
0x8a: {  	s1 =	srdreg.scid  }
0x8b: {  	s0 =	sand.u32 $0x1, s1  }
0x8c: {  	s18 =	sshll.u32 s0, $0xA;
	s2 =	sadd.s32 s3, s2  }
0x8d: {  	s2 =	sadd.s32 s2, s18  }
0x8e: {  	[smem:$0x3FC5] =	sst s2  }
0x8f: {  	_ = 	snop  }
0x90: {  	s2 =	sld [smem:$0x3FC9]  }
0x91: {  	s19 =	sld [smem:$0x3FC8]  }
0x92: {  	s4 =	sld [smem:$0x3FC7]  }
0x93: {  	s5 =	sld [smem:$0x3FD0];
	(tm) =	ssettm $0x1  }
0x94: {  	s6 =	sld [smem:$0x3FFB];
	_ =	sdelay $0x3  }
0x95: {  	_ =	strace s6  }
0x96: {  	s6 =	sld [smem:$0x3FFC];
	_ =	sdelay $0x3  }
0x97: {  	_ =	strace s6  }
0x98: {  	s6 =	sld [smem:$0x3FFD];
	_ =	sdelay $0x3  }
0x99: {  	_ =	strace s6  }
0x9a: {  	_ =	strace $0x8FFFFFFF  }
0x9b: {  	s20 =	sld [smem:$0x3FDB];
	_ =	sdelay $0x1  }
0x9c: {  	s7 =	simm.s32 $_scs_section_size  }
0x9d: {  	s8 =	simm.s32 $_size__tile_overlayer_lowered;
	s9 =	simm.s32 $_tile_overlayer_lowered  }
0x9e: {  	s23 =	simm.s32 $0x1BFF;
	s22 =	sshll.u32 s9, $0x1;
	s6 =	sadd.s32 s7, s20  }
0x9f: {  	s10 =	simm.s32 $0x0;
	s21 =	sshll.u32 s8, $0x1;
	s8 =	sadd.s32 s22, s6  }
0xa0: {  	[timem:s10], [sflag:s23] =	dma.local [hbm:s8], s21  }
0xa1: {  	_ =	swait.ge [sflag:s23], s21  }
0xa2: {  	s7 =	ssub.s32 $0x0, s21;
	[sflag:s23] =	ssyncset.done $0x0  }
0xa3: {  	[sflag:s23] =	ssyncadd.s32 s7;
	_ =	sdelay $0x1  }
0xa4: {  	s24 =	simm.s32 $0x1B8B  }
0xa5: {  	_ =	swait.ge [sflag:s24], $0x1  }
0xa6: {  	[sflag:s24] =	ssyncset.done $0x0  }
0xa7: {  	s25 =	simm.s32 $0x1B8E;
	[sflag:s24] =	ssyncadd.s32 $0xFFFFFFFF  }
0xa8: {  	s26 =	simm.s32 $execute0_lowered;
	[smem:$0x3FD2] =	sst s25  }
0xa9: {  	s7 =	sshll.u32 s26, $0x1;
	_ =	strace $0x80000046;
	[dreg:$0x1] =	wrdreg $0xFFFFFFFF  }
0xaa: {  	s28 =	simm.s32 $_size_execute0_lowered;
	s6 =	sadd.s32 s6, s7;
	[dreg:$0x0] =	wrdreg $0x0  }
0xab: {  	s7 =	sshll.u32 s28, $0x1;
	[dreg:$0x2] =	wrdreg s6  }
0xac: {  	[dreg:$0x3] =	wrdreg s7  }
0xad: {  	[dreg:$0x4] =	wrdreg $0xC0  }
0xae: {  	_ =	task [dreg:s10], $0x5FFFF  }
0xaf: {  	[dreg:$0x1] =	wrdreg $0xFFFFFFFF  }
0xb0: {  	[dreg:$0x0] =	wrdreg $0x60  }
0xb1: {  	[dreg:$0x2] =	wrdreg s2  }
0xb2: {  	[dreg:$0x3] =	wrdreg s19  }
0xb3: {  	[dreg:$0x4] =	wrdreg s4  }
0xb4: {  	[dreg:$0x5] =	wrdreg s5  }
0xb5: {  	[dreg:$0x6] =	wrdreg $0x15D000  }
0xb6: {  	[dreg:$0x7] =	wrdreg $0x9  }
0xb7: {  	_ =	task.clear_ibuf [dreg:s10], $0x8FFFF;
	_ =	strace $0x90000046  }
0xb8: {  	s29 =	simm.s32 $0x9;
	_ =	strace $0x80000048  }
0xb9: {  	_ =	swait.ge [sflag:s29], $0x1  }
0xba: {  	[sflag:s29] =	ssyncadd.s32 $0xFFFFFFFF  }
0xbb: {  	_ =	strace $0x90000048  }
0xbc: {  	_ =	sfence  }
0xbd: {  	s30 =	sld [smem:$0x0];
	_ =	sdelay $0x2  }
0xbe: {  	s31 =	sshll.u32 s1, $0xD;
	s1 =	sshrl.u32 s1, $0x2  }
0xbf: {  	s3 =	sand.u32 $0x4000, s31;
	s1 =	sadd.s32 s1, s30  }
0xc0: {  	s0 =	sor.u32 s3, s0;
	s1 =	sshll.u32 s1, $0x11  }
0xc1: {  	s0 =	sor.u32 s1, s0  }
0xc2: {  	s0 =	sadd.s32 $0x8F2B, s0  }
0xc3: {  	[sflag:s0] =	ssyncadd.remote.s32 $0x1  }
0xc4: {  	_ =	sfence.sel $0xFFFF  }
0xc5: {  	[dreg:$0x0] =	wrdreg $0xFFFFFFFF;
	(pc) =	sbr.abs _section_cstart, $3  }
0xc6: {  	[dreg:$0x1] =	wrdreg $0xFFFFFFFF  }
0xc7: {  	_ =	task.clear_ibuf [dreg:s10], $0x2FFFF;
	_ =	strace $0x9FFFFFFF  }
0xc8: {  	(tm) =	ssettm $0x7FFFFFFF  }
0xc9: {  	_ =	shalt  }
tec
execute0_lowered:
.L_overlay_start_1:
0x0: {  	(tag) =	ssettag $0x1  }
0x1: {  	s0 =	srdreg.scid  }
0x2: {  	s1 =	rddreg [dreg:$0x1];
	s16 =	stileid.u32  }
0x3: {  	s2 =	rddreg [dreg:$0x2];
	s0 =	sand.u32 $0x1, s0;
	s5 =	smul.u32 $0xA, s16  }
0x4: {  	s6 =	sor.u32 $0x10, s16;
	s7 =	sor.u32 $0x20, s16;
	s9 =	sor.u32 $0x30, s16  }
0x5: {  	s10 =	sor.u32 $0x40, s16;
	s12 =	sor.u32 $0x50, s16;
	s13 =	sor.u32 $0x60, s16  }
0x6: {  	s15 =	sor.u32 $0x70, s16;
	p1 =	sgt.u32 s16, $0xC;
	s17 =	smul.u32 $0xA, s6  }
0x7: {  	s3 =	ssub.s32 $0x2, s0;
	s18 =	smul.u32 $0xA, s7;
	s8 =	sadd.s32 s1, s5  }
0x8: {  	s19 =	smul.u32 $0xA, s9;
	s5 =	sadd.s32 s2, s5;
	[dreg:$0x6] =	wrdreg s8  }
0x9: {  	s4 =	sshrl.u32 s3, $0x1;
	[dreg:$0x7] =	wrdreg s5;
	s11 =	sadd.s32 s1, s17  }
0xa: {  	s3 =	ssub.s32 s3, s4;
	s4 =	sadd.s32 s2, s17;
	[dreg:$0x8] =	wrdreg s11  }
0xb: {  	s20 =	smul.u32 $0xA, s10;
	s14 =	sadd.s32 s1, s18;
	[dreg:$0x9] =	wrdreg s4  }
0xc: {  	s21 =	smul.u32 $0xA, s12;
	s8 =	sadd.s32 s2, s18;
	[dreg:$0xa] =	wrdreg s14  }
0xd: {  	s22 =	smul.u32 $0xA, s13;
	s23 =	sadd.s32 s1, s19;
	[dreg:$0xb] =	wrdreg s8  }
0xe: {  	s24 =	smul.u32 $0xA, s15;
	s5 =	sadd.s32 s2, s19;
	[dreg:$0xc] =	wrdreg s23  }
0xf: {  	s26 =	smul.u32 $0x500, s6;
	s25 =	sadd.s32 s1, s20;
	[dreg:$0xd] =	wrdreg s5  }
0x10: {  	s12 =	smul.u32 $0x500, s12;
	s17 =	sadd.s32 s2, s20;
	[dreg:$0xe] =	wrdreg s25  }
0x11: {  	s15 =	smul.u32 $0x500, s15;
	s18 =	sadd.s32 s1, s21;
	[dreg:$0xf] =	wrdreg s17  }
0x12: {  	s19 =	smul.u32 $0xC80, s16;
	s20 =	sadd.s32 s1, s22;
	[dreg:$0x10] =	wrdreg s18  }
0x13: {  	s22 =	sadd.s32 s2, s22;
	s1 =	sadd.s32 s1, s24;
	[dreg:$0x12] =	wrdreg s20  }
0x14: {  	s4 =	sadd.s32 s2, s21;
	s21 =	smul.u32 $0xC800, s0;
	[dreg:$0x13] =	wrdreg s22  }
0x15: {  	p0 =	slt.u32 s16, $0xD;
	[dreg:$0x14] =	wrdreg s1;
	s23 =	smul.u32 $0x500, s7  }
0x16: {  	s30 =	sshll.u32 s0, $0x5;
	s8 =	smul.u32 $0x500, s9;
	s9 =	rddreg [dreg:$0x0]  }
0x17: {  	s6 =	simm.s32 $0x2;
	s7 =	smul.u32 $0x500, s16;
	s18 =	rddreg [dreg:$0x3]  }
0x18: {  	s2 =	sadd.s32 s2, s24;
	s11 =	smul.u32 $0x500, s10;
	[dreg:$0x11] =	wrdreg s4  }
0x19: {  	s17 =	simm.s32 $0x0;
	s14 =	smul.u32 $0x500, s13;
	[dreg:$0x15] =	wrdreg s2  }
0x1a: {  	s0 =	simm.s32 @!p0 $0x0;
	[smem:$0x7FF] =	sst s17;
	s5 =	sadd.s32 s9, s26  }
0x1b: {  	s26 =	rddreg [dreg:$0x4];
	s28 =	sadd.s32 s9, s15;
	s0 =	simm.s32 @p0 $0x1  }
0x1c: {  	s24 =	sadd.s32 s19, s21;
	s4 =	sadd.s32 s9, s7;
	[dreg:$0x17] =	wrdreg s5  }
0x1d: {  	s20 =	sadd.s32 s9, s23;
	s21 =	sadd.s32 s9, s8;
	s22 =	sadd.s32 s9, s11  }
0x1e: {  	s23 =	sadd.s32 s9, s12;
	s25 =	sadd.s32 s9, s14;
	s19 =	smul.u32 $0x19000, s16  }
0x1f: {  	s5 =	simm.s32 $0x1;
	s7 =	simm.s32 $0x13;
	s8 =	simm.s32 $0x0  }
0x20: {  	s9 =	simm.s32 @!p1 $0x0;
	[dreg:$0x16] =	wrdreg s4;
	s29 =	sadd.s32 s18, s24  }
0x21: {  	s4 =	sadd.s32 $0x20, s30;
	s9 =	simm.s32 @p1 $0x1;
	s24 =	sshrl.u32 s19, $0x2  }
0x22: {  	_ =	strace $0x80000047;
	[smem:$0x7FC] =	sst s0;
	s31 =	sadd.s32 s24, s26  }
0x23: {  	[smem:$0x7FD] =	sst s9;
	s24 =	smax.u32 s3, $0x1;
	s0 =	sadd.s32 $0x1400, s31  }
0x24: {  	v1 =	vimm.f32 $0.0e+00;
	v0 =	vmov s30;
	s1 =	sadd.s32 $0x2800, s31;
	s2 =	sadd.s32 $0x3C00, s31;
	s3 =	sadd.s32 $0x5000, s31  }
.LBB2_1:
0x25: {  	s9 =	rddreg [dreg:$0x6];
	s10 =	simm.s32 $0x1400  }
0x26: {  	[tilespmem:s10], [sflag:$0x1] =	stream.linear.gather [hbm4b:s9+s17], $0x50, $0x38;
	[tilespmem:$0x1C108] =	vst v63  }
0x27: {  	s18 =	rddreg [dreg:$0x7];
	s19 =	simm.s32 $0x1680  }
0x28: {  	[tilespmem:s19], [sflag:$0x1] =	stream.linear.gather [hbm4b:s18+s17], $0x50, $0x38;
	[tilespmem:$0x1C108] =	vst v63  }
0x29: {  	s11 =	rddreg [dreg:$0x8];
	s12 =	simm.s32 $0x1450  }
0x2a: {  	[tilespmem:s12], [sflag:$0x1] =	stream.linear.gather [hbm4b:s11+s17], $0x50, $0x38;
	[tilespmem:$0x1C108] =	vst v63  }
0x2b: {  	s13 =	rddreg [dreg:$0x9];
	s14 =	simm.s32 $0x16D0  }
0x2c: {  	[tilespmem:s14], [sflag:$0x1] =	stream.linear.gather [hbm4b:s13+s17], $0x50, $0x38;
	[tilespmem:$0x1C108] =	vst v63  }
0x2d: {  	s15 =	rddreg [dreg:$0xa];
	s16 =	simm.s32 $0x14A0  }
0x2e: {  	[tilespmem:s16], [sflag:$0x1] =	stream.linear.gather [hbm4b:s15+s17], $0x50, $0x38;
	[tilespmem:$0x1C108] =	vst v63  }
0x2f: {  	s18 =	rddreg [dreg:$0xb];
	s19 =	simm.s32 $0x1720  }
0x30: {  	[tilespmem:s19], [sflag:$0x1] =	stream.linear.gather [hbm4b:s18+s17], $0x50, $0x38;
	[tilespmem:$0x1C108] =	vst v63  }
0x31: {  	s11 =	rddreg [dreg:$0xc];
	s12 =	simm.s32 $0x14F0  }
0x32: {  	[tilespmem:s12], [sflag:$0x1] =	stream.linear.gather [hbm4b:s11+s17], $0x50, $0x38;
	[tilespmem:$0x1C108] =	vst v63  }
0x33: {  	s13 =	rddreg [dreg:$0xd];
	s14 =	simm.s32 $0x1770  }
0x34: {  	[tilespmem:s14], [sflag:$0x1] =	stream.linear.gather [hbm4b:s13+s17], $0x50, $0x38;
	[tilespmem:$0x1C108] =	vst v63  }
0x35: {  	s15 =	rddreg [dreg:$0xe];
	s16 =	simm.s32 $0x1540  }
0x36: {  	[tilespmem:s16], [sflag:$0x1] =	stream.linear.gather [hbm4b:s15+s17], $0x50, $0x38;
	[tilespmem:$0x1C108] =	vst v63  }
0x37: {  	s18 =	rddreg [dreg:$0xf];
	s19 =	simm.s32 $0x17C0  }
0x38: {  	[tilespmem:s19], [sflag:$0x1] =	stream.linear.gather [hbm4b:s18+s17], $0x50, $0x38;
	[tilespmem:$0x1C108] =	vst v63  }
0x39: {  	s11 =	rddreg [dreg:$0x10];
	s12 =	simm.s32 $0x1590  }
0x3a: {  	[tilespmem:s12], [sflag:$0x1] =	stream.linear.gather [hbm4b:s11+s17], $0x50, $0x38;
	[tilespmem:$0x1C108] =	vst v63  }
0x3b: {  	s13 =	rddreg [dreg:$0x11];
	s14 =	simm.s32 $0x1810  }
0x3c: {  	[tilespmem:s14], [sflag:$0x1] =	stream.linear.gather [hbm4b:s13+s17], $0x50, $0x38;
	[tilespmem:$0x1C108] =	vst v63  }
0x3d: {  	s15 =	rddreg [dreg:$0x12];
	s16 =	simm.s32 $0x15E0  }
0x3e: {  	[tilespmem:s16], [sflag:$0x1] =	stream.linear.gather [hbm4b:s15+s17], $0x50, $0x38;
	[tilespmem:$0x1C108] =	vst v63  }
0x3f: {  	s18 =	rddreg [dreg:$0x13];
	s19 =	simm.s32 $0x1860  }
0x40: {  	[tilespmem:s19], [sflag:$0x1] =	stream.linear.gather [hbm4b:s18+s17], $0x50, $0x38;
	[tilespmem:$0x1C108] =	vst v63  }
0x41: {  	s9 =	simm.s32 @!p1 $0x0;
	s10 =	simm.s32 @!p1 $0x1630;
	s11 =	rddreg [dreg:$0x14]  }
0x42: {  	[tilespmem:s10], [sflag:$0x1] =	stream.linear.gather @!p1 [hbm4b:s11+s9], $0x50, $0x38;
	[tilespmem:$0x1C108] =	vst v63  }
0x43: {  	s10 =	simm.s32 @!p1 $0x18B0;
	s11 =	rddreg [dreg:$0x15]  }
0x44: {  	[tilespmem:s10], [sflag:$0x1] =	stream.linear.gather @!p1 [hbm4b:s11+s9], $0x50, $0x38;
	[tilespmem:$0x1C108] =	vst v63  }
0x45: {  	s9 =	simm.s32 $0x0;
	s10 =	simm.s32 $0x200  }
.LBB2_2:
0x46: {  	p0 =	sne.s32 s10, $0x4E00;
	[tilespmem:s9+$0x70] =	vst v1  }
0x47: {  	[tilespmem:s9+$0x0] =	vst v1  }
0x48: {  	[tilespmem:s9+$0x10] =	vst v1  }
.Ltmp0:
0x49: {  	[tilespmem:s9+$0x20] =	vst v1;
	(pc) =	sbr.rel @p0 .LBB2_2-.Ltmp0, $4  }
0x4a: {  	[tilespmem:s9+$0x30] =	vst v1  }
0x4b: {  	[tilespmem:s9+$0x40] =	vst v1  }
0x4c: {  	[tilespmem:s9+$0x50] =	vst v1  }
0x4d: {  	[tilespmem:s9+$0x60] =	vst v1;
	s9 =	sshra.s32 s10, $0x2;
	s10 =	sadd.s32 $0x200, s10  }
0x4e: {  	[tilespmem:s9+$0x70] =	vst v1  }
0x4f: {  	[tilespmem:s9+$0x0] =	vst v1  }
0x50: {  	[tilespmem:s9+$0x10] =	vst v1  }
0x51: {  	[tilespmem:s9+$0x20] =	vst v1  }
0x52: {  	[tilespmem:s9+$0x30] =	vst v1  }
0x53: {  	[tilespmem:s9+$0x40] =	vst v1  }
0x54: {  	[tilespmem:s9+$0x50] =	vst v1  }
0x55: {  	[tilespmem:s9+$0x60] =	vst v1  }
0x56: {  	[spmem:s31] =	stream.linear.scatter [tilespmem:s17], [sflag:$0x2], $0x1400, $0x38;
	[tilespmem:$0x1C108] =	vst v63  }
0x57: {  	_ = 	snop  }
0x58: {  	[spmem:s0] =	stream.linear.scatter [tilespmem:s17], [sflag:$0x2], $0x1400, $0x38;
	[tilespmem:$0x1C108] =	vst v63  }
0x59: {  	_ = 	snop  }
0x5a: {  	[spmem:s1] =	stream.linear.scatter [tilespmem:s17], [sflag:$0x2], $0x1400, $0x38;
	[tilespmem:$0x1C108] =	vst v63  }
0x5b: {  	_ = 	snop  }
0x5c: {  	[spmem:s2] =	stream.linear.scatter [tilespmem:s17], [sflag:$0x2], $0x1400, $0x38;
	[tilespmem:$0x1C108] =	vst v63  }
0x5d: {  	_ = 	snop  }
0x5e: {  	[spmem:s3] =	stream.linear.scatter [tilespmem:s17], [sflag:$0x2], $0x1400, $0x38;
	[tilespmem:$0x1C108] =	vst v63  }
0x5f: {  	_ =	swait.ge [sflag:s5], $0x50  }
0x60: {  	[sflag:s5] =	ssyncset.done $0x0  }
0x61: {  	[sflag:s5] =	ssyncadd.s32 $0xFFFFFFB0  }
0x62: {  	_ =	swait.ge [sflag:s5], $0x50  }
0x63: {  	[sflag:s5] =	ssyncset.done $0x0  }
0x64: {  	[sflag:s5] =	ssyncadd.s32 $0xFFFFFFB0  }
0x65: {  	v2 =	vld [tilespmem:$0x1680]  }
0x66: {  	v3 =	vld [tilespmem:$0x16C0];
	_ =	sdelay $0x3  }
0x67: {  	(v2sf) =	vpush v2, $0x0  }
0x68: {  	(v2sf) =	vpush v3, $0xF;
	_ =	sdelay $0xd  }
0x69: {  	s18 =	spop (v2sf)  }
0x6a: {  	s10 =	spop (v2sf)  }
0x6b: {  	p1 =	slt.s32 s18, s4;
	p0 =	sge.s32 s10, s30  }
0x6c: {  	p0 =	por !p1, !p0  }
0x6d: {  	p0 =	por !p0, !p0  }
0x6e: {  	s9 =	simm.s32 @!p0 $0x0  }
0x6f: {  	s11 =	rddreg [dreg:$0x16];
	s9 =	simm.s32 @p0 $0x1  }
0x70: {  	s10 =	simm.s32 @p0 $0x0;
	[smem:$0x7FA] =	sst s9;
	s9 =	simm.s32 @p0 $0x1D00  }
0x71: {  	[tilespmem:s9], [sflag:$0x3] =	stream.linear.gather @p0 [hbm4b:s11+s10], $0x2800, $0x38;
	[tilespmem:$0x1C108] =	vst v63  }
0x72: {  	v2 =	vld @p0 [tilespmem:$0x1680]  }
0x73: {  	v3 =	vld @p0 [tilespmem:$0x1400]  }
0x74: {  	v4 =	vld @p0 [tilespmem:$0x1410]  }
0x75: {  	v6 =	vld @p0 [tilespmem:$0x16A0]  }
0x76: {  	v5 =	vld @p0 [tilespmem:$0x1690]  }
0x77: {  	v7 =	vld @p0 [tilespmem:$0x16B0]  }
0x78: {  	v9 =	vld @p0 [tilespmem:$0x1420];
	v2 =	vsub.s32 @p0 v2, v0  }
0x79: {  	v8 =	vld @p0 [tilespmem:$0x16C0];
	v2 =	vmul.u32 @p0 $0x64, v2  }
0x7a: {  	v6 =	vsub.s32 @p0 v6, v0  }
0x7b: {  	v6 =	vmul.u32 @p0 $0x64, v6;
	v2 =	vadd.s32 @p0 v2, v3;
	v3 =	vsub.s32 @p0 v5, v0;
	v5 =	vld @p0 [tilespmem:$0x1430]  }
0x7c: {  	v10 =	vld @p0 [tilespmem:$0x1440];
	v3 =	vmul.u32 @p0 $0x64, v3  }
0x7d: {  	v7 =	vsub.s32 @p0 v7, v0;
	v6 =	vadd.s32 @p0 v6, v9;
	v2 =	vadd.s32 @p0 $0xFFFFFFFF, v2  }
0x7e: {  	v3 =	vadd.s32 @p0 v3, v4;
	v4 =	vmul.u32 @p0 $0x64, v7;
	v7 =	vsub.s32 @p0 v8, v0  }
0x7f: {  	v2 =	vmin.u32 @p0 v2, $0xC80;
	v3 =	vadd.s32 @p0 $0xFFFFFFFF, v3;
	v7 =	vmul.u32 @p0 $0x64, v7  }
0x80: {  	[tilespmem:$0x1900] =	vst @p0 v2;
	v2 =	vmin.u32 @p0 v3, $0xC80;
	v3 =	vadd.s32 @p0 $0xFFFFFFFF, v6;
	v4 =	vadd.s32 @p0 v4, v5  }
0x81: {  	[tilespmem:$0x1910] =	vst @p0 v2;
	v2 =	vmin.u32 @p0 v3, $0xC80;
	v3 =	vadd.s32 @p0 $0xFFFFFFFF, v4;
	v4 =	vadd.s32 @p0 v7, v10  }
0x82: {  	[tilespmem:$0x1920] =	vst @p0 v2;
	v2 =	vmin.u32 @p0 v3, $0xC80;
	v3 =	vadd.s32 @p0 $0xFFFFFFFF, v4  }
0x83: {  	[tilespmem:$0x1930] =	vst @p0 v2;
	v2 =	vmin.u32 @p0 v3, $0xC80  }
0x84: {  	[tilespmem:$0x1940] =	vst @p0 v2  }
0x85: {  	_ =	swait.ge [sflag:s5], $0x50  }
0x86: {  	[sflag:s5] =	ssyncset.done $0x0  }
0x87: {  	[sflag:s5] =	ssyncadd.s32 $0xFFFFFFB0  }
0x88: {  	_ =	swait.ge [sflag:s5], $0x50  }
0x89: {  	[sflag:s5] =	ssyncset.done $0x0  }
0x8a: {  	[sflag:s5] =	ssyncadd.s32 $0xFFFFFFB0  }
0x8b: {  	v2 =	vld [tilespmem:$0x16D0]  }
0x8c: {  	v3 =	vld [tilespmem:$0x1710];
	_ =	sdelay $0x3  }
0x8d: {  	(v2sf) =	vpush v2, $0x0  }
0x8e: {  	(v2sf) =	vpush v3, $0xF;
	_ =	sdelay $0xd  }
0x8f: {  	s19 =	spop (v2sf)  }
0x90: {  	s12 =	spop (v2sf)  }
0x91: {  	p4 =	slt.s32 s19, s4;
	p3 =	sge.s32 s12, s30  }
0x92: {  	p0 =	por !p4, !p3  }
0x93: {  	p0 =	por !p0, !p0  }
0x94: {  	s10 =	simm.s32 @!p0 $0x0  }
0x95: {  	s12 =	rddreg [dreg:$0x17];
	s10 =	simm.s32 @p0 $0x1  }
0x96: {  	s11 =	simm.s32 @p0 $0x0;
	[smem:$0x7FB] =	sst s10;
	s10 =	simm.s32 @p0 $0x4500  }
0x97: {  	[tilespmem:s10], [sflag:$0x4] =	stream.linear.gather @p0 [hbm4b:s12+s11], $0x2800, $0x38;
	[tilespmem:$0x1C108] =	vst v63  }
0x98: {  	v2 =	vld @p0 [tilespmem:$0x16D0]  }
0x99: {  	v3 =	vld @p0 [tilespmem:$0x1450]  }
0x9a: {  	v4 =	vld @p0 [tilespmem:$0x1460]  }
0x9b: {  	v6 =	vld @p0 [tilespmem:$0x16F0]  }
0x9c: {  	v5 =	vld @p0 [tilespmem:$0x16E0]  }
0x9d: {  	v7 =	vld @p0 [tilespmem:$0x1700]  }
0x9e: {  	v9 =	vld @p0 [tilespmem:$0x1470];
	v2 =	vsub.s32 @p0 v2, v0  }
0x9f: {  	v8 =	vld @p0 [tilespmem:$0x1710];
	v2 =	vmul.u32 @p0 $0x64, v2  }
0xa0: {  	v6 =	vsub.s32 @p0 v6, v0  }
0xa1: {  	v6 =	vmul.u32 @p0 $0x64, v6;
	v2 =	vadd.s32 @p0 v2, v3;
	v3 =	vsub.s32 @p0 v5, v0;
	v5 =	vld @p0 [tilespmem:$0x1480]  }
0xa2: {  	v10 =	vld @p0 [tilespmem:$0x1490];
	v3 =	vmul.u32 @p0 $0x64, v3  }
0xa3: {  	v7 =	vsub.s32 @p0 v7, v0;
	v6 =	vadd.s32 @p0 v6, v9;
	v2 =	vadd.s32 @p0 $0xFFFFFFFF, v2  }
0xa4: {  	v3 =	vadd.s32 @p0 v3, v4;
	v4 =	vmul.u32 @p0 $0x64, v7;
	v7 =	vsub.s32 @p0 v8, v0  }
0xa5: {  	v2 =	vmin.u32 @p0 v2, $0xC80;
	v3 =	vadd.s32 @p0 $0xFFFFFFFF, v3;
	v7 =	vmul.u32 @p0 $0x64, v7  }
0xa6: {  	[tilespmem:$0x1980] =	vst @p0 v2;
	v2 =	vmin.u32 @p0 v3, $0xC80;
	v3 =	vadd.s32 @p0 $0xFFFFFFFF, v6;
	v4 =	vadd.s32 @p0 v4, v5  }
0xa7: {  	[tilespmem:$0x1990] =	vst @p0 v2;
	v2 =	vmin.u32 @p0 v3, $0xC80;
	v3 =	vadd.s32 @p0 $0xFFFFFFFF, v4;
	v4 =	vadd.s32 @p0 v7, v10  }
0xa8: {  	[tilespmem:$0x19A0] =	vst @p0 v2;
	v2 =	vmin.u32 @p0 v3, $0xC80;
	v3 =	vadd.s32 @p0 $0xFFFFFFFF, v4  }
0xa9: {  	[tilespmem:$0x19B0] =	vst @p0 v2;
	v2 =	vmin.u32 @p0 v3, $0xC80  }
0xaa: {  	[tilespmem:$0x19C0] =	vst @p0 v2  }
0xab: {  	_ =	swait.ge [sflag:s5], $0x50  }
0xac: {  	[sflag:s5] =	ssyncset.done $0x0  }
0xad: {  	[sflag:s5] =	ssyncadd.s32 $0xFFFFFFB0  }
0xae: {  	_ =	swait.ge [sflag:s5], $0x50  }
0xaf: {  	[sflag:s5] =	ssyncset.done $0x0  }
0xb0: {  	[sflag:s5] =	ssyncadd.s32 $0xFFFFFFB0  }
0xb1: {  	v2 =	vld [tilespmem:$0x1720]  }
0xb2: {  	v3 =	vld [tilespmem:$0x1760];
	_ =	sdelay $0x3  }
0xb3: {  	(v2sf) =	vpush v2, $0x0  }
0xb4: {  	(v2sf) =	vpush v3, $0xF;
	_ =	sdelay $0xd  }
0xb5: {  	s13 =	spop (v2sf)  }
0xb6: {  	s14 =	spop (v2sf)  }
0xb7: {  	p6 =	slt.s32 s13, s4;
	p5 =	sge.s32 s14, s30  }
0xb8: {  	p0 =	por !p6, !p5  }
0xb9: {  	p4 =	por !p0, !p0  }
0xba: {  	s12 =	simm.s32 @p4 $0x0;
	s11 =	simm.s32 @p4 $0x6D00  }
0xbb: {  	[tilespmem:s11], [sflag:$0x5] =	stream.linear.gather @p4 [hbm4b:s20+s12], $0x2800, $0x38;
	[tilespmem:$0x1C108] =	vst v63  }
0xbc: {  	v2 =	vld @p4 [tilespmem:$0x1720]  }
0xbd: {  	v3 =	vld @p4 [tilespmem:$0x14A0]  }
0xbe: {  	v4 =	vld @p4 [tilespmem:$0x14B0]  }
0xbf: {  	v6 =	vld @p4 [tilespmem:$0x1740]  }
0xc0: {  	v5 =	vld @p4 [tilespmem:$0x1730]  }
0xc1: {  	v7 =	vld @p4 [tilespmem:$0x1750]  }
0xc2: {  	v9 =	vld @p4 [tilespmem:$0x14C0];
	v2 =	vsub.s32 @p4 v2, v0  }
0xc3: {  	v8 =	vld @p4 [tilespmem:$0x1760];
	v2 =	vmul.u32 @p4 $0x64, v2  }
0xc4: {  	v6 =	vsub.s32 @p4 v6, v0  }
0xc5: {  	v6 =	vmul.u32 @p4 $0x64, v6;
	v2 =	vadd.s32 @p4 v2, v3;
	v3 =	vsub.s32 @p4 v5, v0;
	v5 =	vld @p4 [tilespmem:$0x14D0]  }
0xc6: {  	v10 =	vld @p4 [tilespmem:$0x14E0];
	v3 =	vmul.u32 @p4 $0x64, v3  }
0xc7: {  	v7 =	vsub.s32 @p4 v7, v0;
	v6 =	vadd.s32 @p4 v6, v9;
	v2 =	vadd.s32 @p4 $0xFFFFFFFF, v2  }
0xc8: {  	v3 =	vadd.s32 @p4 v3, v4;
	v4 =	vmul.u32 @p4 $0x64, v7;
	v7 =	vsub.s32 @p4 v8, v0  }
0xc9: {  	v2 =	vmin.u32 @p4 v2, $0xC80;
	v3 =	vadd.s32 @p4 $0xFFFFFFFF, v3;
	v7 =	vmul.u32 @p4 $0x64, v7  }
0xca: {  	[tilespmem:$0x1A00] =	vst @p4 v2;
	v2 =	vmin.u32 @p4 v3, $0xC80;
	v3 =	vadd.s32 @p4 $0xFFFFFFFF, v6;
	v4 =	vadd.s32 @p4 v4, v5  }
0xcb: {  	[tilespmem:$0x1A10] =	vst @p4 v2;
	v2 =	vmin.u32 @p4 v3, $0xC80;
	v3 =	vadd.s32 @p4 $0xFFFFFFFF, v4;
	v4 =	vadd.s32 @p4 v7, v10  }
0xcc: {  	[tilespmem:$0x1A20] =	vst @p4 v2;
	v2 =	vmin.u32 @p4 v3, $0xC80;
	v3 =	vadd.s32 @p4 $0xFFFFFFFF, v4  }
0xcd: {  	[tilespmem:$0x1A30] =	vst @p4 v2;
	v2 =	vmin.u32 @p4 v3, $0xC80  }
0xce: {  	[tilespmem:$0x1A40] =	vst @p4 v2  }
0xcf: {  	_ =	swait.ge [sflag:s5], $0x50  }
0xd0: {  	[sflag:s5] =	ssyncset.done $0x0  }
0xd1: {  	[sflag:s5] =	ssyncadd.s32 $0xFFFFFFB0  }
0xd2: {  	_ =	swait.ge [sflag:s5], $0x50  }
0xd3: {  	[sflag:s5] =	ssyncset.done $0x0  }
0xd4: {  	[sflag:s5] =	ssyncadd.s32 $0xFFFFFFB0  }
0xd5: {  	v2 =	vld [tilespmem:$0x1770]  }
0xd6: {  	v3 =	vld [tilespmem:$0x17B0];
	_ =	sdelay $0x3  }
0xd7: {  	(v2sf) =	vpush v2, $0x0  }
0xd8: {  	(v2sf) =	vpush v3, $0xF;
	_ =	sdelay $0xd  }
0xd9: {  	s15 =	spop (v2sf)  }
0xda: {  	s13 =	spop (v2sf)  }
0xdb: {  	p2 =	slt.s32 s15, s4;
	p1 =	sge.s32 s13, s30  }
0xdc: {  	p0 =	por !p2, !p1  }
0xdd: {  	p5 =	por !p0, !p0  }
0xde: {  	s13 =	simm.s32 @p5 $0x0;
	s12 =	simm.s32 @p5 $0x9500  }
0xdf: {  	[tilespmem:s12], [sflag:$0x6] =	stream.linear.gather @p5 [hbm4b:s21+s13], $0x2800, $0x38;
	[tilespmem:$0x1C108] =	vst v63  }
0xe0: {  	v2 =	vld @p5 [tilespmem:$0x1770]  }
0xe1: {  	v3 =	vld @p5 [tilespmem:$0x14F0]  }
0xe2: {  	v4 =	vld @p5 [tilespmem:$0x1500]  }
0xe3: {  	v6 =	vld @p5 [tilespmem:$0x1790]  }
0xe4: {  	v5 =	vld @p5 [tilespmem:$0x1780]  }
0xe5: {  	v7 =	vld @p5 [tilespmem:$0x17A0]  }
0xe6: {  	v9 =	vld @p5 [tilespmem:$0x1510];
	v2 =	vsub.s32 @p5 v2, v0  }
0xe7: {  	v8 =	vld @p5 [tilespmem:$0x17B0];
	v2 =	vmul.u32 @p5 $0x64, v2  }
0xe8: {  	v6 =	vsub.s32 @p5 v6, v0  }
0xe9: {  	v6 =	vmul.u32 @p5 $0x64, v6;
	v2 =	vadd.s32 @p5 v2, v3;
	v3 =	vsub.s32 @p5 v5, v0;
	v5 =	vld @p5 [tilespmem:$0x1520]  }
0xea: {  	v10 =	vld @p5 [tilespmem:$0x1530];
	v3 =	vmul.u32 @p5 $0x64, v3  }
0xeb: {  	v7 =	vsub.s32 @p5 v7, v0;
	v6 =	vadd.s32 @p5 v6, v9;
	v2 =	vadd.s32 @p5 $0xFFFFFFFF, v2  }
0xec: {  	v3 =	vadd.s32 @p5 v3, v4;
	v4 =	vmul.u32 @p5 $0x64, v7;
	v7 =	vsub.s32 @p5 v8, v0  }
0xed: {  	v2 =	vmin.u32 @p5 v2, $0xC80;
	v3 =	vadd.s32 @p5 $0xFFFFFFFF, v3;
	v7 =	vmul.u32 @p5 $0x64, v7  }
0xee: {  	[tilespmem:$0x1A80] =	vst @p5 v2;
	v2 =	vmin.u32 @p5 v3, $0xC80;
	v3 =	vadd.s32 @p5 $0xFFFFFFFF, v6;
	v4 =	vadd.s32 @p5 v4, v5  }
0xef: {  	[tilespmem:$0x1A90] =	vst @p5 v2;
	v2 =	vmin.u32 @p5 v3, $0xC80;
	v3 =	vadd.s32 @p5 $0xFFFFFFFF, v4;
	v4 =	vadd.s32 @p5 v7, v10  }
0xf0: {  	[tilespmem:$0x1AA0] =	vst @p5 v2;
	v2 =	vmin.u32 @p5 v3, $0xC80;
	v3 =	vadd.s32 @p5 $0xFFFFFFFF, v4  }
0xf1: {  	[tilespmem:$0x1AB0] =	vst @p5 v2;
	v2 =	vmin.u32 @p5 v3, $0xC80  }
0xf2: {  	[tilespmem:$0x1AC0] =	vst @p5 v2  }
0xf3: {  	_ =	swait.ge [sflag:s5], $0x50  }
0xf4: {  	[sflag:s5] =	ssyncset.done $0x0  }
0xf5: {  	[sflag:s5] =	ssyncadd.s32 $0xFFFFFFB0  }
0xf6: {  	_ =	swait.ge [sflag:s5], $0x50  }
0xf7: {  	[sflag:s5] =	ssyncset.done $0x0  }
0xf8: {  	[sflag:s5] =	ssyncadd.s32 $0xFFFFFFB0  }
0xf9: {  	v2 =	vld [tilespmem:$0x17C0]  }
0xfa: {  	v3 =	vld [tilespmem:$0x1800];
	_ =	sdelay $0x3  }
0xfb: {  	(v2sf) =	vpush v2, $0x0  }
0xfc: {  	(v2sf) =	vpush v3, $0xF;
	_ =	sdelay $0xd  }
0xfd: {  	s16 =	spop (v2sf)  }
0xfe: {  	s14 =	spop (v2sf)  }
0xff: {  	p6 =	slt.s32 s16, s4;
	p3 =	sge.s32 s14, s30  }
0x100: {  	p0 =	por !p6, !p3  }
0x101: {  	p6 =	por !p0, !p0  }
0x102: {  	s14 =	simm.s32 @p6 $0x0;
	s13 =	simm.s32 @p6 $0xBD00  }
0x103: {  	[tilespmem:s13], [sflag:$0x7] =	stream.linear.gather @p6 [hbm4b:s22+s14], $0x2800, $0x38;
	[tilespmem:$0x1C108] =	vst v63  }
0x104: {  	v2 =	vld @p6 [tilespmem:$0x17C0]  }
0x105: {  	v3 =	vld @p6 [tilespmem:$0x1540]  }
0x106: {  	v4 =	vld @p6 [tilespmem:$0x1550]  }
0x107: {  	v6 =	vld @p6 [tilespmem:$0x17E0]  }
0x108: {  	v5 =	vld @p6 [tilespmem:$0x17D0]  }
0x109: {  	v7 =	vld @p6 [tilespmem:$0x17F0]  }
0x10a: {  	v9 =	vld @p6 [tilespmem:$0x1560];
	v2 =	vsub.s32 @p6 v2, v0  }
0x10b: {  	v8 =	vld @p6 [tilespmem:$0x1800];
	v2 =	vmul.u32 @p6 $0x64, v2  }
0x10c: {  	v6 =	vsub.s32 @p6 v6, v0  }
0x10d: {  	v6 =	vmul.u32 @p6 $0x64, v6;
	v2 =	vadd.s32 @p6 v2, v3;
	v3 =	vsub.s32 @p6 v5, v0;
	v5 =	vld @p6 [tilespmem:$0x1570]  }
0x10e: {  	v10 =	vld @p6 [tilespmem:$0x1580];
	v3 =	vmul.u32 @p6 $0x64, v3  }
0x10f: {  	v7 =	vsub.s32 @p6 v7, v0;
	v6 =	vadd.s32 @p6 v6, v9;
	v2 =	vadd.s32 @p6 $0xFFFFFFFF, v2  }
0x110: {  	v3 =	vadd.s32 @p6 v3, v4;
	v4 =	vmul.u32 @p6 $0x64, v7;
	v7 =	vsub.s32 @p6 v8, v0  }
0x111: {  	v2 =	vmin.u32 @p6 v2, $0xC80;
	v3 =	vadd.s32 @p6 $0xFFFFFFFF, v3;
	v7 =	vmul.u32 @p6 $0x64, v7  }
0x112: {  	[tilespmem:$0x1B00] =	vst @p6 v2;
	v2 =	vmin.u32 @p6 v3, $0xC80;
	v3 =	vadd.s32 @p6 $0xFFFFFFFF, v6;
	v4 =	vadd.s32 @p6 v4, v5  }
0x113: {  	[tilespmem:$0x1B10] =	vst @p6 v2;
	v2 =	vmin.u32 @p6 v3, $0xC80;
	v3 =	vadd.s32 @p6 $0xFFFFFFFF, v4;
	v4 =	vadd.s32 @p6 v7, v10  }
0x114: {  	[tilespmem:$0x1B20] =	vst @p6 v2;
	v2 =	vmin.u32 @p6 v3, $0xC80;
	v3 =	vadd.s32 @p6 $0xFFFFFFFF, v4  }
0x115: {  	[tilespmem:$0x1B30] =	vst @p6 v2;
	v2 =	vmin.u32 @p6 v3, $0xC80  }
0x116: {  	[tilespmem:$0x1B40] =	vst @p6 v2  }
0x117: {  	_ =	swait.ge [sflag:s5], $0x50  }
0x118: {  	[sflag:s5] =	ssyncset.done $0x0  }
0x119: {  	[sflag:s5] =	ssyncadd.s32 $0xFFFFFFB0  }
0x11a: {  	_ =	swait.ge [sflag:s5], $0x50  }
0x11b: {  	[sflag:s5] =	ssyncset.done $0x0  }
0x11c: {  	[sflag:s5] =	ssyncadd.s32 $0xFFFFFFB0  }
0x11d: {  	v2 =	vld [tilespmem:$0x1810]  }
0x11e: {  	v3 =	vld [tilespmem:$0x1850];
	_ =	sdelay $0x3  }
0x11f: {  	(v2sf) =	vpush v2, $0x0  }
0x120: {  	(v2sf) =	vpush v3, $0xF;
	_ =	sdelay $0xd  }
0x121: {  	s18 =	spop (v2sf)  }
0x122: {  	s15 =	spop (v2sf)  }
0x123: {  	p3 =	slt.s32 s18, s4;
	p2 =	sge.s32 s15, s30  }
0x124: {  	p0 =	por !p3, !p2  }
0x125: {  	p2 =	por !p0, !p0  }
0x126: {  	s15 =	simm.s32 @p2 $0x0;
	s14 =	simm.s32 @p2 $0xE500  }
0x127: {  	[tilespmem:s14], [sflag:$0x8] =	stream.linear.gather @p2 [hbm4b:s23+s15], $0x2800, $0x38;
	[tilespmem:$0x1C108] =	vst v63  }
0x128: {  	v2 =	vld @p2 [tilespmem:$0x1810]  }
0x129: {  	v3 =	vld @p2 [tilespmem:$0x1590]  }
0x12a: {  	v4 =	vld @p2 [tilespmem:$0x15A0]  }
0x12b: {  	v6 =	vld @p2 [tilespmem:$0x1830]  }
0x12c: {  	v5 =	vld @p2 [tilespmem:$0x1820]  }
0x12d: {  	v7 =	vld @p2 [tilespmem:$0x1840]  }
0x12e: {  	v9 =	vld @p2 [tilespmem:$0x15B0];
	v2 =	vsub.s32 @p2 v2, v0  }
0x12f: {  	v8 =	vld @p2 [tilespmem:$0x1850];
	v2 =	vmul.u32 @p2 $0x64, v2  }
0x130: {  	v6 =	vsub.s32 @p2 v6, v0  }
0x131: {  	v6 =	vmul.u32 @p2 $0x64, v6;
	v2 =	vadd.s32 @p2 v2, v3;
	v3 =	vsub.s32 @p2 v5, v0;
	v5 =	vld @p2 [tilespmem:$0x15C0]  }
0x132: {  	v10 =	vld @p2 [tilespmem:$0x15D0];
	v3 =	vmul.u32 @p2 $0x64, v3  }
0x133: {  	v7 =	vsub.s32 @p2 v7, v0;
	v6 =	vadd.s32 @p2 v6, v9;
	v2 =	vadd.s32 @p2 $0xFFFFFFFF, v2  }
0x134: {  	v3 =	vadd.s32 @p2 v3, v4;
	v4 =	vmul.u32 @p2 $0x64, v7;
	v7 =	vsub.s32 @p2 v8, v0  }
0x135: {  	v2 =	vmin.u32 @p2 v2, $0xC80;
	v3 =	vadd.s32 @p2 $0xFFFFFFFF, v3;
	v7 =	vmul.u32 @p2 $0x64, v7  }
0x136: {  	[tilespmem:$0x1B80] =	vst @p2 v2;
	v2 =	vmin.u32 @p2 v3, $0xC80;
	v3 =	vadd.s32 @p2 $0xFFFFFFFF, v6;
	v4 =	vadd.s32 @p2 v4, v5  }
0x137: {  	[tilespmem:$0x1B90] =	vst @p2 v2;
	v2 =	vmin.u32 @p2 v3, $0xC80;
	v3 =	vadd.s32 @p2 $0xFFFFFFFF, v4;
	v4 =	vadd.s32 @p2 v7, v10  }
0x138: {  	[tilespmem:$0x1BA0] =	vst @p2 v2;
	v2 =	vmin.u32 @p2 v3, $0xC80;
	v3 =	vadd.s32 @p2 $0xFFFFFFFF, v4  }
0x139: {  	[tilespmem:$0x1BB0] =	vst @p2 v2;
	v2 =	vmin.u32 @p2 v3, $0xC80  }
0x13a: {  	[tilespmem:$0x1BC0] =	vst @p2 v2  }
0x13b: {  	_ =	swait.ge [sflag:s5], $0x50  }
0x13c: {  	[sflag:s5] =	ssyncset.done $0x0  }
0x13d: {  	[sflag:s5] =	ssyncadd.s32 $0xFFFFFFB0  }
0x13e: {  	_ =	swait.ge [sflag:s5], $0x50  }
0x13f: {  	[sflag:s5] =	ssyncset.done $0x0  }
0x140: {  	[sflag:s5] =	ssyncadd.s32 $0xFFFFFFB0  }
0x141: {  	v2 =	vld [tilespmem:$0x1860]  }
0x142: {  	v3 =	vld [tilespmem:$0x18A0];
	_ =	sdelay $0x3  }
0x143: {  	(v2sf) =	vpush v2, $0x0  }
0x144: {  	(v2sf) =	vpush v3, $0xF;
	_ =	sdelay $0xd  }
0x145: {  	s19 =	spop (v2sf)  }
0x146: {  	s16 =	spop (v2sf)  }
0x147: {  	p3 =	slt.s32 s19, s4;
	p1 =	sge.s32 s16, s30  }
0x148: {  	p0 =	por !p3, !p1  }
0x149: {  	p1 =	por !p0, !p0  }
0x14a: {  	s16 =	simm.s32 @p1 $0x0;
	s15 =	simm.s32 @p1 $0x10D00  }
0x14b: {  	[tilespmem:s15], [sflag:$0x9] =	stream.linear.gather @p1 [hbm4b:s25+s16], $0x2800, $0x38;
	[tilespmem:$0x1C108] =	vst v63  }
0x14c: {  	v2 =	vld @p1 [tilespmem:$0x1860]  }
0x14d: {  	v3 =	vld @p1 [tilespmem:$0x15E0]  }
0x14e: {  	v4 =	vld @p1 [tilespmem:$0x15F0]  }
0x14f: {  	v6 =	vld @p1 [tilespmem:$0x1880]  }
0x150: {  	v5 =	vld @p1 [tilespmem:$0x1870]  }
0x151: {  	v7 =	vld @p1 [tilespmem:$0x1890]  }
0x152: {  	v9 =	vld @p1 [tilespmem:$0x1600];
	v2 =	vsub.s32 @p1 v2, v0  }
0x153: {  	v8 =	vld @p1 [tilespmem:$0x18A0];
	v2 =	vmul.u32 @p1 $0x64, v2  }
0x154: {  	v6 =	vsub.s32 @p1 v6, v0  }
0x155: {  	v6 =	vmul.u32 @p1 $0x64, v6;
	v2 =	vadd.s32 @p1 v2, v3;
	v3 =	vsub.s32 @p1 v5, v0;
	v5 =	vld @p1 [tilespmem:$0x1610]  }
0x156: {  	v10 =	vld @p1 [tilespmem:$0x1620];
	v3 =	vmul.u32 @p1 $0x64, v3  }
0x157: {  	v7 =	vsub.s32 @p1 v7, v0;
	v6 =	vadd.s32 @p1 v6, v9;
	v2 =	vadd.s32 @p1 $0xFFFFFFFF, v2  }
0x158: {  	v3 =	vadd.s32 @p1 v3, v4;
	v4 =	vmul.u32 @p1 $0x64, v7;
	v7 =	vsub.s32 @p1 v8, v0  }
0x159: {  	v2 =	vmin.u32 @p1 v2, $0xC80;
	v3 =	vadd.s32 @p1 $0xFFFFFFFF, v3;
	v7 =	vmul.u32 @p1 $0x64, v7  }
0x15a: {  	s18 =	sld [smem:$0x7FD];
	[tilespmem:$0x1C00] =	vst @p1 v2;
	v2 =	vmin.u32 @p1 v3, $0xC80;
	v3 =	vadd.s32 @p1 $0xFFFFFFFF, v6;
	v4 =	vadd.s32 @p1 v4, v5  }
0x15b: {  	[tilespmem:$0x1C10] =	vst @p1 v2;
	v2 =	vmin.u32 @p1 v3, $0xC80;
	v3 =	vadd.s32 @p1 $0xFFFFFFFF, v4;
	v4 =	vadd.s32 @p1 v7, v10  }
0x15c: {  	[tilespmem:$0x1C20] =	vst @p1 v2;
	v2 =	vmin.u32 @p1 v3, $0xC80;
	v3 =	vadd.s32 @p1 $0xFFFFFFFF, v4  }
0x15d: {  	p0 =	seq.s32 s18, $0x1;
	[tilespmem:$0x1C30] =	vst @p1 v2;
	v2 =	vmin.u32 @p1 v3, $0xC80  }
0x15e: {  	s16 =	simm.s32 @!p0 $0x1;
	[tilespmem:$0x1C40] =	vst @p1 v2  }
0x15f: {  	_ =	swait.ge @!p0 [sflag:s16], $0x50  }
0x160: {  	[sflag:s16] =	ssyncset.done @!p0 $0x0  }
0x161: {  	[sflag:s16] =	ssyncadd.s32 @!p0 $0xFFFFFFB0  }
0x162: {  	_ =	swait.ge @!p0 [sflag:s16], $0x50  }
0x163: {  	[sflag:s16] =	ssyncset.done @!p0 $0x0  }
0x164: {  	[sflag:s16] =	ssyncadd.s32 @!p0 $0xFFFFFFB0  }
0x165: {  	v2 =	vld [tilespmem:$0x18B0]  }
0x166: {  	v3 =	vld [tilespmem:$0x18F0];
	_ =	sdelay $0x3  }
0x167: {  	(v2sf) =	vpush v2, $0x0  }
0x168: {  	(v2sf) =	vpush v3, $0xF;
	_ =	sdelay $0xd  }
0x169: {  	s19 =	spop (v2sf)  }
0x16a: {  	s18 =	spop (v2sf)  }
0x16b: {  	p3 =	sge.s32 s18, s30;
	s18 =	sld [smem:$0x7FC]  }
0x16c: {  	p0 =	slt.s32 s19, s4  }
0x16d: {  	p0 =	por !p0, !p3  }
0x16e: {  	p0 =	por !p0, !p0;
	p3 =	seq.s32 s18, $0x1  }
0x16f: {  	p0 =	por !p3, !p0  }
0x170: {  	p0 =	por !p0, !p0  }
0x171: {  	s18 =	simm.s32 @p0 $0x0;
	s16 =	simm.s32 @p0 $0x13500  }
0x172: {  	[tilespmem:s16], [sflag:$0xA] =	stream.linear.gather @p0 [hbm4b:s28+s18], $0x2800, $0x38;
	[tilespmem:$0x1C108] =	vst v63  }
0x173: {  	v2 =	vld @p0 [tilespmem:$0x1630]  }
0x174: {  	v3 =	vld @p0 [tilespmem:$0x18B0]  }
0x175: {  	v4 =	vld @p0 [tilespmem:$0x18C0]  }
0x176: {  	v5 =	vld @p0 [tilespmem:$0x18D0]  }
0x177: {  	v6 =	vld @p0 [tilespmem:$0x1640]  }
0x178: {  	v7 =	vld @p0 [tilespmem:$0x1650]  }
0x179: {  	v8 =	vld @p0 [tilespmem:$0x18E0]  }
0x17a: {  	v9 =	vld @p0 [tilespmem:$0x18F0];
	v3 =	vsub.s32 @p0 v3, v0  }
0x17b: {  	v4 =	vsub.s32 @p0 v4, v0;
	v5 =	vsub.s32 @p0 v5, v0;
	v3 =	vmul.u32 @p0 $0x64, v3  }
0x17c: {  	v10 =	vld @p0 [tilespmem:$0x1660];
	v4 =	vmul.u32 @p0 $0x64, v4;
	v5 =	vmul.u32 @p0 $0x64, v5  }
0x17d: {  	v2 =	vadd.s32 @p0 v3, v2;
	v3 =	vld @p0 [tilespmem:$0x1670]  }
0x17e: {  	v4 =	vadd.s32 @p0 v4, v6;
	v5 =	vadd.s32 @p0 v5, v7;
	v6 =	vsub.s32 @p0 v8, v0  }
0x17f: {  	v7 =	vsub.s32 @p0 v9, v0;
	v2 =	vadd.s32 @p0 $0xFFFFFFFF, v2;
	v6 =	vmul.u32 @p0 $0x64, v6  }
0x180: {  	v4 =	vadd.s32 @p0 $0xFFFFFFFF, v4;
	v7 =	vmul.u32 @p0 $0x64, v7;
	v2 =	vmin.u32 @p0 v2, $0xC80  }
0x181: {  	v5 =	vadd.s32 @p0 $0xFFFFFFFF, v5;
	v4 =	vmin.u32 @p0 v4, $0xC80;
	[tilespmem:$0x1C80] =	vst @p0 v2;
	v2 =	vadd.s32 @p0 v6, v10  }
0x182: {  	[tilespmem:$0x1C90] =	vst @p0 v4;
	v4 =	vmin.u32 @p0 v5, $0xC80;
	v2 =	vadd.s32 @p0 $0xFFFFFFFF, v2;
	v3 =	vadd.s32 @p0 v7, v3  }
0x183: {  	[tilespmem:$0x1CA0] =	vst @p0 v4;
	v2 =	vmin.u32 @p0 v2, $0xC80;
	v3 =	vadd.s32 @p0 $0xFFFFFFFF, v3  }
0x184: {  	[tilespmem:$0x1CB0] =	vst @p0 v2;
	v2 =	vmin.u32 @p0 v3, $0xC80  }
0x185: {  	[tilespmem:$0x1CC0] =	vst @p0 v2  }
0x186: {  	_ =	swait.ge [sflag:s6], $0x1400  }
0x187: {  	[sflag:s6] =	ssyncset.done $0x0  }
0x188: {  	[sflag:s6] =	ssyncadd.s32 $0xFFFFEC00  }
0x189: {  	_ =	swait.ge [sflag:s6], $0x1400  }
0x18a: {  	[sflag:s6] =	ssyncset.done $0x0  }
0x18b: {  	[sflag:s6] =	ssyncadd.s32 $0xFFFFEC00  }
0x18c: {  	_ =	swait.ge [sflag:s6], $0x1400  }
0x18d: {  	[sflag:s6] =	ssyncset.done $0x0  }
0x18e: {  	[sflag:s6] =	ssyncadd.s32 $0xFFFFEC00  }
0x18f: {  	_ =	swait.ge [sflag:s6], $0x1400  }
0x190: {  	[sflag:s6] =	ssyncset.done $0x0  }
0x191: {  	[sflag:s6] =	ssyncadd.s32 $0xFFFFEC00  }
0x192: {  	_ =	swait.ge [sflag:s6], $0x1400  }
0x193: {  	[sflag:s6] =	ssyncset.done $0x0  }
0x194: {  	[sflag:s6] =	ssyncadd.s32 $0xFFFFEC00  }
0x195: {  	[bflag:$0x0] =	sbarrier.arrive $0xFFFF  }
0x196: {  	s19 =	sld [smem:$0x7FA];
	_ =	sdelay $0x2  }
0x197: {  	p3 =	seq.s32 s19, $0x1  }
0x198: {  	s18 =	simm.s32 @p3 $0x3  }
0x199: {  	_ =	swait.ge @p3 [sflag:s18], $0x2800  }
0x19a: {  	[sflag:s18] =	ssyncset.done @p3 $0x0  }
0x19b: {  	s19 =	simm.s32 @p3 $0x1900;
	[sflag:s18] =	ssyncadd.s32 @p3 $0xFFFFD800;
	s18 =	simm.s32 @p3 $0x50  }
0x19c: {  	[spmem:s26] =	stream.indirect.scatter.add.f32 @p3 [tilespmem:s9], [sflag:$0xB], $0x80, s19, s18, $0xb8;
	[tilespmem:$0x1C108] =	vst v63  }
0x19d: {  	s19 =	sld [smem:$0x7FB];
	_ =	sdelay $0x2  }
0x19e: {  	p3 =	seq.s32 s19, $0x1  }
0x19f: {  	s9 =	simm.s32 @p3 $0x4  }
0x1a0: {  	_ =	swait.ge @p3 [sflag:s9], $0x2800  }
0x1a1: {  	[sflag:s9] =	ssyncset.done @p3 $0x0  }
0x1a2: {  	s18 =	simm.s32 @p3 $0x1980;
	[sflag:s9] =	ssyncadd.s32 @p3 $0xFFFFD800;
	s9 =	simm.s32 @p3 $0x50  }
0x1a3: {  	[spmem:s26] =	stream.indirect.scatter.add.f32 @p3 [tilespmem:s10], [sflag:$0xC], $0x80, s18, s9, $0xb8;
	[tilespmem:$0x1C108] =	vst v63  }
0x1a4: {  	s9 =	simm.s32 @p4 $0x5  }
0x1a5: {  	_ =	swait.ge @p4 [sflag:s9], $0x2800  }
0x1a6: {  	[sflag:s9] =	ssyncset.done @p4 $0x0  }
0x1a7: {  	s10 =	simm.s32 @p4 $0x1A00;
	[sflag:s9] =	ssyncadd.s32 @p4 $0xFFFFD800;
	s9 =	simm.s32 @p4 $0x50  }
0x1a8: {  	[spmem:s26] =	stream.indirect.scatter.add.f32 @p4 [tilespmem:s11], [sflag:$0xD], $0x80, s10, s9, $0xb8;
	[tilespmem:$0x1C108] =	vst v63  }
0x1a9: {  	s9 =	simm.s32 @p5 $0x6  }
0x1aa: {  	_ =	swait.ge @p5 [sflag:s9], $0x2800  }
0x1ab: {  	[sflag:s9] =	ssyncset.done @p5 $0x0  }
0x1ac: {  	s10 =	simm.s32 @p5 $0x1A80;
	[sflag:s9] =	ssyncadd.s32 @p5 $0xFFFFD800;
	s9 =	simm.s32 @p5 $0x50  }
0x1ad: {  	[spmem:s26] =	stream.indirect.scatter.add.f32 @p5 [tilespmem:s12], [sflag:$0xE], $0x80, s10, s9, $0xb8;
	[tilespmem:$0x1C108] =	vst v63  }
0x1ae: {  	s9 =	simm.s32 @p6 $0x7  }
0x1af: {  	_ =	swait.ge @p6 [sflag:s9], $0x2800  }
0x1b0: {  	[sflag:s9] =	ssyncset.done @p6 $0x0  }
0x1b1: {  	s10 =	simm.s32 @p6 $0x1B00;
	[sflag:s9] =	ssyncadd.s32 @p6 $0xFFFFD800;
	s9 =	simm.s32 @p6 $0x50  }
0x1b2: {  	[spmem:s26] =	stream.indirect.scatter.add.f32 @p6 [tilespmem:s13], [sflag:$0xF], $0x80, s10, s9, $0xb8;
	[tilespmem:$0x1C108] =	vst v63  }
0x1b3: {  	s9 =	simm.s32 @p2 $0x8  }
0x1b4: {  	_ =	swait.ge @p2 [sflag:s9], $0x2800  }
0x1b5: {  	[sflag:s9] =	ssyncset.done @p2 $0x0  }
0x1b6: {  	s10 =	simm.s32 @p2 $0x1B80;
	[sflag:s9] =	ssyncadd.s32 @p2 $0xFFFFD800;
	s9 =	simm.s32 @p2 $0x50  }
0x1b7: {  	[spmem:s26] =	stream.indirect.scatter.add.f32 @p2 [tilespmem:s14], [sflag:$0x10], $0x80, s10, s9, $0xb8;
	[tilespmem:$0x1C108] =	vst v63  }
0x1b8: {  	s9 =	simm.s32 @p1 $0x9  }
0x1b9: {  	_ =	swait.ge @p1 [sflag:s9], $0x2800  }
0x1ba: {  	[sflag:s9] =	ssyncset.done @p1 $0x0  }
0x1bb: {  	s10 =	simm.s32 @p1 $0x1C00;
	[sflag:s9] =	ssyncadd.s32 @p1 $0xFFFFD800;
	s9 =	simm.s32 @p1 $0x50  }
0x1bc: {  	[spmem:s26] =	stream.indirect.scatter.add.f32 @p1 [tilespmem:s15], [sflag:$0x11], $0x80, s10, s9, $0xb8;
	[tilespmem:$0x1C108] =	vst v63  }
0x1bd: {  	s9 =	simm.s32 @p0 $0xA  }
0x1be: {  	_ =	swait.ge @p0 [sflag:s9], $0x2800  }
0x1bf: {  	[sflag:s9] =	ssyncset.done @p0 $0x0;
	s14 =	sld [smem:$0x7FA]  }
0x1c0: {  	s10 =	simm.s32 @p0 $0x1C80;
	[sflag:s9] =	ssyncadd.s32 @p0 $0xFFFFD800;
	s9 =	simm.s32 @p0 $0x50  }
0x1c1: {  	[spmem:s26] =	stream.indirect.scatter.add.f32 @p0 [tilespmem:s16], [sflag:$0x12], $0x80, s10, s9, $0xb8;
	[tilespmem:$0x1C108] =	vst v63  }
0x1c2: {  	p3 =	seq.s32 s14, $0x1  }
0x1c3: {  	s9 =	simm.s32 @p3 $0xB  }
0x1c4: {  	_ =	swait.ge @p3 [sflag:s9], $0x2800  }
0x1c5: {  	s15 =	sld [smem:$0x7FB];
	_ =	sdelay $0x1  }
0x1c6: {  	[sflag:s9] =	ssyncset.done @p3 $0x0  }
0x1c7: {  	[sflag:s9] =	ssyncadd.s32 @p3 $0xFFFFD800;
	p3 =	seq.s32 s15, $0x1  }
0x1c8: {  	s9 =	simm.s32 @p3 $0xC  }
0x1c9: {  	_ =	swait.ge @p3 [sflag:s9], $0x2800  }
0x1ca: {  	[sflag:s9] =	ssyncset.done @p3 $0x0  }
0x1cb: {  	[sflag:s9] =	ssyncadd.s32 @p3 $0xFFFFD800;
	s9 =	simm.s32 @p4 $0xD  }
0x1cc: {  	_ =	swait.ge @p4 [sflag:s9], $0x2800  }
0x1cd: {  	[sflag:s9] =	ssyncset.done @p4 $0x0  }
0x1ce: {  	[sflag:s9] =	ssyncadd.s32 @p4 $0xFFFFD800;
	s9 =	simm.s32 @p5 $0xE  }
0x1cf: {  	_ =	swait.ge @p5 [sflag:s9], $0x2800  }
0x1d0: {  	[sflag:s9] =	ssyncset.done @p5 $0x0  }
0x1d1: {  	[sflag:s9] =	ssyncadd.s32 @p5 $0xFFFFD800;
	s9 =	simm.s32 @p6 $0xF  }
0x1d2: {  	_ =	swait.ge @p6 [sflag:s9], $0x2800  }
0x1d3: {  	[sflag:s9] =	ssyncset.done @p6 $0x0  }
0x1d4: {  	[sflag:s9] =	ssyncadd.s32 @p6 $0xFFFFD800;
	s9 =	simm.s32 @p2 $0x10  }
0x1d5: {  	_ =	swait.ge @p2 [sflag:s9], $0x2800  }
0x1d6: {  	[sflag:s9] =	ssyncset.done @p2 $0x0  }
0x1d7: {  	[sflag:s9] =	ssyncadd.s32 @p2 $0xFFFFD800;
	s9 =	simm.s32 @p1 $0x11  }
0x1d8: {  	_ =	swait.ge @p1 [sflag:s9], $0x2800  }
0x1d9: {  	[sflag:s9] =	ssyncset.done @p1 $0x0  }
0x1da: {  	[sflag:s9] =	ssyncadd.s32 @p1 $0xFFFFD800;
	s9 =	simm.s32 @p0 $0x12  }
0x1db: {  	s8 =	sadd.s32 $0x1, s8;
	s16 =	sld [smem:$0x7FD];
	_ =	swait.ge @p0 [sflag:s9], $0x2800  }
0x1dc: {  	s19 =	sshrl.u32 s31, $0x3;
	s18 =	stileid.u32;
	[sflag:s9] =	ssyncset.done @p0 $0x0  }
0x1dd: {  	[sflag:s9] =	ssyncadd.s32 @p0 $0xFFFFD800;
	s9 =	sshll.u32 s18, $0x6;
	p0 =	sne.s32 s8, s24  }
.Ltmp1:
0x1de: {  	[bflag:$0x0] =	sbarrier.arrive $0xFFFF;
	s9 =	sor.u32 $0x1C13, s9;
	(pc) =	sbr.rel @p0 .LBB2_1-.Ltmp1, $4  }
0x1df: {  	[hbm:s29], [sflag:s9] =	dma.local [spmem:s19], $0xC80  }
0x1e0: {  	_ =	swait.ge [sflag:s7], $0xC80  }
0x1e1: {  	[sflag:s7] =	ssyncset.done $0x0  }
0x1e2: {  	p1 =	seq.s32 s16, $0x1;
	[sflag:s7] =	ssyncadd.s32 $0xFFFFF380  }
0x1e3: {  	_ =	sfence.sel $0x180000  }
0x1e4: {  	[bflag:$0x0] =	sbarrier.arrive $0xFFFF  }
0x1e5: {  	_ =	strace $0x90000047  }
0x1e6: {  	s0 =	stileid.u32;
	[bflag:$0x2] =	sbarrier.arrive $0xFFFF  }
0x1e7: {  	p0 =	sne.s32 s0, $0x0;
	s0 =	rddreg [dreg:$0x5]  }
0x1e8: {  	s0 =	sadd.s32 @!p0 $0x100000, s0  }
0x1e9: {  	[sflag:s0] =	ssyncadd.tile.s32 @!p0 $0x1;
	_ =	shalt  }
.Lfunc_end2:
_tile_overlayer_lowered:
.L_overlay_start_2:
0x1ea: {  	(tag) =	ssettag $0x2  }
0x1eb: {  	s0 =	rddreg [dreg:$0x0];
	s2 =	stileid.u32  }
0x1ec: {  	s1 =	rddreg [dreg:$0x1];
	p0 =	sne.s32 s2, $0x0  }
0x1ed: {  	s3 =	rddreg [dreg:$0x2];
	[bflag:$0x3] =	sbarrier.arrive $0xFFFF;
	s2 =	simm.s32 @!p0 $0x1C13  }
0x1ee: {  	[timem:s3], [sflag:s2] =	dma.local @!p0 [hbm:s0], s1  }
0x1ef: {  	s0 =	simm.s32 @!p0 $0x13  }
0x1f0: {  	_ =	swait.ge @!p0 [sflag:s0], s1  }
0x1f1: {  	s1 =	ssub.s32 @!p0 $0x0, s1;
	[sflag:s0] =	ssyncset.done @!p0 $0x0  }
0x1f2: {  	[sflag:s0] =	ssyncadd.s32 @!p0 s1  }
0x1f3: {  	[bflag:$0x3] =	sbarrier.arrive $0xFFFF  }
0x1f4: {  	_ =	shalt  }

</sc_bundles>
